<compile_context>
chip_gen: v7x
topology: tpu7x:2x2x1
jax: 0.10.2.dev20260603
libtpu: 0.0.44.dev20260713+nightly
codegen_flags: <defaults>
</compile_context>

<pallas_src>
import jax
import jax.numpy as jnp
from jax import lax
from jax.experimental import pallas as pl
from jax.experimental.pallas import tpu as pltpu
from jax.experimental.pallas import tpu_sc as plsc

_N = 10000
_E = 320000
_D = 128
_NC = 2
_NS = 16
_K = 80
_EPT = _E // _NS
_HALF = 5120
_L = 5120
_ZROW = 10000
_RPT = _L // _NS
_DEGW = 16
_NBUF = 3
_SEG = 10000
_NSEG = _EPT // _SEG
_CAP = _SEG + _K

_mesh = plsc.VectorSubcoreMesh(core_axis_name="c", subcore_axis_name="s")
_params = pltpu.CompilerParams(use_tc_tiling_on_sc=False, needs_layout_passes=False)


def _agg_body(emb_hbm, src_hbm, dst_hbm, part_hbm, degp_hbm,
              src_big, dst_big, comp_src, comp_dst, rows, ones_b, tail_b,
              zdeg, accum_sh, deg_sh, sem_g, sem_s, sem_d):
    cid = lax.axis_index("c")
    sid = lax.axis_index("s")

    zeros16 = jnp.zeros((16,), jnp.float32)
    ones16 = jnp.ones((16,), jnp.float32)

    def init_ob(i, _):
        ones_b[i, :] = ones16
        zdeg[i, :] = zeros16
        return 0
    lax.fori_loop(0, _K, init_ob, 0)

    def init_zb(k, _):
        rows[0, k // 8, pl.ds((k % 8) * 16, 16)] = zeros16
        return 0
    lax.fori_loop(0, _K * 8, init_zb, 0)

    row0 = sid * _RPT
    for t in range(4):
        pltpu.sync_copy(rows.at[0], accum_sh.at[pl.ds(row0 + t * _K, _K), :])
        pltpu.sync_copy(zdeg, deg_sh.at[pl.ds(row0 + t * _K, _K), :])

    lo = cid * _HALF

    def start_gather(j, p):
        pltpu.async_copy(emb_hbm.at[comp_src.at[pl.ds(j * _K, _K)]],
                         rows.at[p], sem_g.at[p])

    def wait_gather(p):
        pltpu.make_async_copy(emb_hbm.at[pl.ds(0, _K), :], rows.at[p],
                              sem_g.at[p]).wait()

    def wait_scatter(jj):
        p = jj % _NBUF
        pltpu.make_async_copy(rows.at[p],
                              accum_sh.at[comp_dst.at[pl.ds(jj * _K, _K)]],
                              sem_s.at[p]).wait()

    for seg in range(_NSEG):
        e0 = sid * _EPT + seg * _SEG
        pltpu.sync_copy(src_hbm.at[pl.ds(e0, _SEG)], src_big)
        pltpu.sync_copy(dst_hbm.at[pl.ds(e0, _SEG)], dst_big)

        def filt(g, cnt):
            dvec = dst_big[pl.ds(g * 16, 16)]
            svec = src_big[pl.ds(g * 16, 16)]
            local = dvec - lo
            mask = (local >= 0) & (local < _HALF)
            keep = jnp.where(mask, jnp.int32(0), jnp.int32(1))
            _, sd = plsc.sort_key_val(keep, local)
            _, ss = plsc.sort_key_val(keep, svec)
            comp_dst[pl.ds(cnt, 16)] = sd
            comp_src[pl.ds(cnt, 16)] = ss
            npop = 16 - jnp.sum(keep)
            return cnt + npop
        cnt = lax.fori_loop(0, _SEG // 16, filt, jnp.int32(0))

        for t in range(_K // 16):
            comp_dst[pl.ds(cnt + t * 16, 16)] = jnp.zeros((16,), jnp.int32)
            comp_src[pl.ds(cnt + t * 16, 16)] = jnp.full((16,), _ZROW,
                                                         jnp.int32)
        nc = jnp.maximum((cnt + _K - 1) // _K, 1)
        rem = cnt - (nc - 1) * _K

        def tb(i, _):
            tail_b[i, :] = jnp.where(i < rem, ones16, zeros16)
            return 0
        lax.fori_loop(0, _K, tb, 0)

        if seg == 0:
            plsc.subcore_barrier()

        start_gather(0, 0)

        def chunk(j, _):
            p = j % _NBUF
            wait_gather(p)
            pltpu.async_copy(rows.at[p],
                             accum_sh.at[comp_dst.at[pl.ds(j * _K, _K)]],
                             sem_s.at[p], add=True)
            @pl.when(j != nc - 1)
            def _():
                pltpu.async_copy(ones_b,
                                 deg_sh.at[comp_dst.at[pl.ds(j * _K, _K)]],
                                 sem_d, add=True)

            @pl.when(j == nc - 1)
            def _():
                pltpu.async_copy(tail_b,
                                 deg_sh.at[comp_dst.at[pl.ds(j * _K, _K)]],
                                 sem_d, add=True)

            @pl.when(j + 1 < nc)
            def _():
                @pl.when(j >= _NBUF - 1)
                def _():
                    wait_scatter(j + 1 - _NBUF)
                start_gather(j + 1, (j + 1) % _NBUF)
            return 0
        lax.fori_loop(0, nc, chunk, 0)

        m = jnp.minimum(nc, _NBUF)

        def drain_s(i, _):
            wait_scatter(nc - m + i)
            return 0
        lax.fori_loop(0, m, drain_s, 0)

        def drain_d(j, _):
            pltpu.make_async_copy(degp_hbm.at[pl.ds(0, _K), :], ones_b,
                                  sem_d).wait()
            return 0
        lax.fori_loop(0, nc, drain_d, 0)

    plsc.subcore_barrier()

    out0 = cid * _L + row0
    for t in range(4):
        pltpu.sync_copy(accum_sh.at[pl.ds(row0 + t * _K, _K), :],
                        part_hbm.at[pl.ds(out0 + t * _K, _K), :])
        pltpu.sync_copy(deg_sh.at[pl.ds(row0 + t * _K, _K), :],
                        degp_hbm.at[pl.ds(out0 + t * _K, _K), :])


_agg_kernel = pl.kernel(
    _agg_body,
    out_type=(
        jax.ShapeDtypeStruct((_NC * _L, _D), jnp.float32),
        jax.ShapeDtypeStruct((_NC * _L, _DEGW), jnp.float32),
    ),
    mesh=_mesh,
    scratch_types=[
        pltpu.VMEM((_SEG,), jnp.int32),
        pltpu.VMEM((_SEG,), jnp.int32),
        pltpu.VMEM((_CAP,), jnp.int32),
        pltpu.VMEM((_CAP,), jnp.int32),
        pltpu.VMEM((_NBUF, _K, _D), jnp.float32),
        pltpu.VMEM((_K, _DEGW), jnp.float32),
        pltpu.VMEM((_K, _DEGW), jnp.float32),
        pltpu.VMEM((_K, _DEGW), jnp.float32),
        pltpu.VMEM_SHARED((_L, _D), jnp.float32),
        pltpu.VMEM_SHARED((_L, _DEGW), jnp.float32),
        pltpu.SemaphoreType.DMA((_NBUF,)),
        pltpu.SemaphoreType.DMA((_NBUF,)),
        pltpu.SemaphoreType.DMA,
    ],
    compiler_params=_params,
)


def _combine_body(p_ref, d_ref, o_ref):
    s = p_ref[...]
    dg = d_ref[:, 0:1]
    o_ref[...] = jnp.where(dg > 0, s / jnp.maximum(dg, 1.0), 0.0)


_BLK = 80


def _combine(part, degp):
    return pl.pallas_call(
        _combine_body,
        grid=(_N // _BLK,),
        in_specs=[
            pl.BlockSpec((_BLK, _D), lambda i: (i, 0)),
            pl.BlockSpec((_BLK, _DEGW), lambda i: (i, 0)),
        ],
        out_specs=pl.BlockSpec((_BLK, _D), lambda i: (i, 0)),
        out_shape=jax.ShapeDtypeStruct((_N, _D), jnp.float32),
    )(part, degp)


@jax.jit
def kernel(embeddings, edge_index):
    src = edge_index[0].astype(jnp.int32)
    dst = edge_index[1].astype(jnp.int32)
    emb_ext = jnp.concatenate(
        [embeddings, jnp.zeros((1, _D), embeddings.dtype)], axis=0)
    part, degp = _agg_kernel(emb_ext, src, dst)
    return _combine(part, degp)

# --- scband reference (transcript-rebuilt; emitter-appended) ---
"""Pipeline reference for scband-gcnlayer-31499290149286 (READ-ONLY COPY).

The authoritative reference and input builder live on the scoring server;
editing this copy changes nothing except your own understanding.
"""

import jax, jax.numpy as jnp
import numpy as np

N = 10000
E = 320000
D = 128

def setup_inputs(seed: int = 0) -> dict:
    key = jax.random.key(seed)
    k1, k2 = jax.random.split(key)
    embeddings = jax.random.normal(k1, (N, D), dtype=jnp.float32)
    edge_index = jax.random.randint(k2, (2, E), 0, N)
    return {"embeddings": embeddings, "edge_index": edge_index}

def reference(embeddings, edge_index):
    # DGL update_all(copy_src('h','m'), mean('m','h')):
    # each node's new feature = mean of source-node features over incoming edges.
    src = edge_index[0]
    dst = edge_index[1]
    n_nodes = embeddings.shape[0]
    msgs = jnp.take(embeddings, src, axis=0)                       # gather [E, D]
    summed = jax.ops.segment_sum(msgs, dst, num_segments=n_nodes)  # scatter-add [N, D]
    deg = jax.ops.segment_sum(jnp.ones((src.shape[0],), dtype=embeddings.dtype), dst, num_segments=n_nodes)
    deg_col = deg[:, None]
    out = jnp.where(deg_col > 0, summed / jnp.maximum(deg_col, 1.0), jnp.zeros_like(summed))
    return out

if __name__ == "__main__":
    import jax
    _d = setup_inputs()
    print(jax.jit(kernel)(*tuple(_d.values())))

</pallas_src>

<mosaic_0001>
#map = affine_map<(d0, d1) -> (0, 0)>
#map1 = affine_map<(d0, d1) -> (0)>
module attributes {stable_mosaic.version = 14 : i64} {
  func.func @_agg_body(%arg0: i32, %arg1: i32, %arg2: memref<10001x128xf32, #tpu.memory_space<hbm>>, %arg3: memref<320000xi32, #tpu.memory_space<hbm>>, %arg4: memref<320000xi32, #tpu.memory_space<hbm>>, %arg5: memref<10240x128xf32, #tpu.memory_space<hbm>>, %arg6: memref<10240x16xf32, #tpu.memory_space<hbm>>, %arg7: memref<10000xi32, #tpu.memory_space<vmem>>, %arg8: memref<10000xi32, #tpu.memory_space<vmem>>, %arg9: memref<10080xi32, #tpu.memory_space<vmem>>, %arg10: memref<10080xi32, #tpu.memory_space<vmem>>, %arg11: memref<3x80x128xf32, #tpu.memory_space<vmem>>, %arg12: memref<80x16xf32, #tpu.memory_space<vmem>>, %arg13: memref<80x16xf32, #tpu.memory_space<vmem>>, %arg14: memref<80x16xf32, #tpu.memory_space<vmem>>, %arg15: memref<5120x128xf32, #tpu.memory_space<vmem_shared>>, %arg16: memref<5120x16xf32, #tpu.memory_space<vmem_shared>>, %arg17: memref<3x!tpu.dma_semaphore, #tpu.memory_space<semaphore_mem>>, %arg18: memref<3x!tpu.dma_semaphore, #tpu.memory_space<semaphore_mem>>, %arg19: memref<!tpu.dma_semaphore, #tpu.memory_space<semaphore_mem>>) attributes {dimension_semantics = [#tpu.dimension_semantics<core_parallel>, #tpu.dimension_semantics<subcore_parallel>], iteration_bounds = array<i64: 2, 16>, scalar_prefetch = 0 : i64, scratch_operands = 13 : i64, tpu.core_type = #tpu.core_type<sc_vector_subcore>, window_params = [{transform_indices = #map}, {transform_indices = #map1}, {transform_indices = #map1}, {transform_indices = #map}, {transform_indices = #map}]} {
    %broadcast_in_dim3A = arith.constant 0.000000e+00 : f32
    %broadcast_in_dim3A_0 = vector.broadcast %broadcast_in_dim3A : f32 to vector<16xf32>
    %broadcast_in_dim3A_1 = arith.constant 1.000000e+00 : f32
    %broadcast_in_dim3A_2 = vector.broadcast %broadcast_in_dim3A_1 : f32 to vector<16xf32>
    %scan3A = arith.constant 0 : i32
    %scan3A_3 = arith.constant 0 : i32
    %scan3A_4 = arith.constant 80 : i32
    %scan3A_5 = arith.addi %scan3A_3, %scan3A_4 : i32
    %scan3A_6 = arith.constant 1 : i32
    %scan3A_7 = scf.for %scan3A_388 = %scan3A_3 to %scan3A_5 step %scan3A_6 iter_args(%scan3A_389 = %scan3A) -> (i32)  : i32 {
      %swap3A_390 = arith.index_cast %scan3A_388 : i32 to index
      %swap3A_391 = arith.constant 0 : index
      %swap3A_392 = tpu.vector_load %arg12[%swap3A_390, %swap3A_391] {strides = array<i32>} : memref<80x16xf32, #tpu.memory_space<vmem>>, vector<16xf32>,
      tpu.vector_store %arg12[%swap3A_390, %swap3A_391], %broadcast_in_dim3A_2 {strides = array<i32>} : memref<80x16xf32, #tpu.memory_space<vmem>>, vector<16xf32>,
      %swap3A_393 = arith.index_cast %scan3A_388 : i32 to index
      %swap3A_394 = arith.constant 0 : index
      %swap3A_395 = tpu.vector_load %arg14[%swap3A_393, %swap3A_394] {strides = array<i32>} : memref<80x16xf32, #tpu.memory_space<vmem>>, vector<16xf32>,
      tpu.vector_store %arg14[%swap3A_393, %swap3A_394], %broadcast_in_dim3A_0 {strides = array<i32>} : memref<80x16xf32, #tpu.memory_space<vmem>>, vector<16xf32>,
      %scan3A_396 = arith.constant 0 : i32
      scf.yield %scan3A_396 : i32
    }
    %scan3A_8 = arith.constant 80 : i32
    %scan3A_9 = arith.constant 0 : i32
    %scan3A_10 = arith.constant 0 : i32
    %scan3A_11 = arith.constant 640 : i32
    %scan3A_12 = arith.addi %scan3A_10, %scan3A_11 : i32
    %scan3A_13 = arith.constant 1 : i32
    %scan3A_14 = scf.for %scan3A_388 = %scan3A_10 to %scan3A_12 step %scan3A_13 iter_args(%scan3A_389 = %scan3A_9) -> (i32)  : i32 {
      %jit3A_390 = arith.constant 8 : i32
      %div3A_391 = arith.divsi %scan3A_388, %jit3A_390 : i32
      %sign3A_392 = arith.constant 0 : i32
      %sign3A_393 = arith.cmpi sgt, %scan3A_388, %sign3A_392 : i32
      %sign3A_394 = arith.extui %sign3A_393 : i1 to i32
      %sign3A_395 = arith.constant 0 : i32
      %sign3A_396 = arith.cmpi slt, %scan3A_388, %sign3A_395 : i32
      %sign3A_397 = arith.extui %sign3A_396 : i1 to i32
      %sign3A_398 = arith.subi %sign3A_394, %sign3A_397 : i32
      %sign3A_399 = arith.constant 0 : i32
      %sign3A_400 = arith.cmpi sgt, %jit3A_390, %sign3A_399 : i32
      %sign3A_401 = arith.extui %sign3A_400 : i1 to i32
      %sign3A_402 = arith.constant 0 : i32
      %sign3A_403 = arith.cmpi slt, %jit3A_390, %sign3A_402 : i32
      %sign3A_404 = arith.extui %sign3A_403 : i1 to i32
      %sign3A_405 = arith.subi %sign3A_401, %sign3A_404 : i32
      %ne3A_406 = arith.cmpi ne, %sign3A_398, %sign3A_405 : i32
      %rem3A_407 = arith.remsi %scan3A_388, %jit3A_390 : i32
      %ne3A_408 = arith.constant 0 : i32
      %ne3A_409 = arith.cmpi ne, %rem3A_407, %ne3A_408 : i32
      %and3A_410 = arith.andi %ne3A_406, %ne3A_409 : i1
      %sub3A_411 = arith.constant 1 : i32
      %sub3A_412 = arith.subi %div3A_391, %sub3A_411 : i32
      %select_n3A_413 = arith.select %and3A_410, %sub3A_412, %div3A_391 : i32
      %jit3A_414 = arith.constant 8 : i32
      %eq3A = arith.constant 0 : i32
      %eq3A_415 = arith.cmpi eq, %jit3A_414, %eq3A : i32
      %jit3A_416 = arith.constant 1 : i32
      %select_n3A_417 = arith.select %eq3A_415, %jit3A_416, %jit3A_414 : i32
      %rem3A_418 = arith.remsi %scan3A_388, %select_n3A_417 : i32
      %ne3A_419 = arith.constant 0 : i32
      %ne3A_420 = arith.cmpi ne, %rem3A_418, %ne3A_419 : i32
      %lt3A = arith.constant 0 : i32
      %lt3A_421 = arith.cmpi slt, %rem3A_418, %lt3A : i32
      %lt3A_422 = arith.constant 0 : i32
      %lt3A_423 = arith.cmpi slt, %select_n3A_417, %lt3A_422 : i32
      %ne3A_424 = arith.xori %lt3A_421, %lt3A_423 : i1
      %and3A_425 = arith.andi %ne3A_424, %ne3A_420 : i1
      %add3A_426 = arith.addi %rem3A_418, %select_n3A_417 : i32
      %select_n3A_427 = arith.select %and3A_425, %add3A_426, %rem3A_418 : i32
      %mul3A_428 = arith.constant 16 : i32
      %mul3A_429 = arith.muli %select_n3A_427, %mul3A_428 : i32
      %swap3A_430 = arith.constant 0 : i32
      %swap3A_431 = arith.index_cast %swap3A_430 : i32 to index
      %swap3A_432 = arith.index_cast %select_n3A_413 : i32 to index
      %swap3A_433 = arith.index_cast %mul3A_429 : i32 to index
      %swap3A_434 = tpu.vector_load %arg11[%swap3A_431, %swap3A_432, %swap3A_433] {strides = array<i32>} : memref<3x80x128xf32, #tpu.memory_space<vmem>>, vector<16xf32>,
      tpu.vector_store %arg11[%swap3A_431, %swap3A_432, %swap3A_433], %broadcast_in_dim3A_0 {strides = array<i32>} : memref<3x80x128xf32, #tpu.memory_space<vmem>>, vector<16xf32>,
      %scan3A_435 = arith.constant 0 : i32
      scf.yield %scan3A_435 : i32
    }
    %scan3A_15 = arith.constant 640 : i32
    %mul3A = arith.constant 320 : i32
    %mul3A_16 = arith.muli %arg1, %mul3A : i32
    %add3A = arith.constant 0 : i32
    %add3A_17 = arith.addi %mul3A_16, %add3A : i32
    %run_scoped3A = arith.constant 0 : i32
    "tpu.region"() ({
      %run_scoped3A_388 = tpu.sem_alloc : memref<!tpu.dma_semaphore, #tpu.memory_space<semaphore_mem>>
      %dma_start3A_389 = arith.constant 0 : i32
      %dma_start3A_390 = arith.constant 0 : i32
      %dma_start3A_391 = tpu.memref_slice %arg11[%run_scoped3A, %dma_start3A_389, %dma_start3A_390] : memref<3x80x128xf32, #tpu.memory_space<vmem>> -> memref<1x80x128xf32, #tpu.memory_space<vmem>>
      %dma_start3A_392 = tpu.memref_squeeze %dma_start3A_391 : memref<1x80x128xf32, #tpu.memory_space<vmem>> -> memref<80x128xf32, #tpu.memory_space<vmem>>
      %dma_start3A_393 = arith.constant 0 : i32
      %dma_start3A_394 = tpu.memref_slice %arg15[%add3A_17, %dma_start3A_393] : memref<5120x128xf32, #tpu.memory_space<vmem_shared>> -> memref<80x128xf32, #tpu.memory_space<vmem_shared>>
      %dma_start3A_395 = arith.constant 0 : i32
      %dma_start3A_396 = tpu.memref_slice %arg15[%add3A_17, %dma_start3A_395] : memref<5120x128xf32, #tpu.memory_space<vmem_shared>> -> memref<80x128xf32, #tpu.memory_space<vmem_shared>>
      %dma_start3A_397 = arith.constant 0 : i32
      %dma_start3A_398 = arith.constant 0 : i32
      %dma_start3A_399 = tpu.memref_slice %arg11[%run_scoped3A, %dma_start3A_397, %dma_start3A_398] : memref<3x80x128xf32, #tpu.memory_space<vmem>> -> memref<1x80x128xf32, #tpu.memory_space<vmem>>
      %dma_start3A_400 = tpu.memref_squeeze %dma_start3A_399 : memref<1x80x128xf32, #tpu.memory_space<vmem>> -> memref<80x128xf32, #tpu.memory_space<vmem>>
      tpu.enqueue_dma source(%dma_start3A_400 : memref<80x128xf32, #tpu.memory_space<vmem>>) target(%dma_start3A_396 : memref<80x128xf32, #tpu.memory_space<vmem_shared>>) target_semaphore(%run_scoped3A_388 : memref<!tpu.dma_semaphore, #tpu.memory_space<semaphore_mem>>)
      %dma_wait3A = arith.constant 0 : i32
      %dma_wait3A_401 = arith.constant 0 : i32
      %dma_wait3A_402 = tpu.memref_slice %arg11[%run_scoped3A, %dma_wait3A, %dma_wait3A_401] : memref<3x80x128xf32, #tpu.memory_space<vmem>> -> memref<1x80x128xf32, #tpu.memory_space<vmem>>
      %dma_wait3A_403 = tpu.memref_squeeze %dma_wait3A_402 : memref<1x80x128xf32, #tpu.memory_space<vmem>> -> memref<80x128xf32, #tpu.memory_space<vmem>>
      %dma_wait3A_404 = arith.constant 0 : i32
      %dma_wait3A_405 = tpu.memref_slice %arg15[%add3A_17, %dma_wait3A_404] : memref<5120x128xf32, #tpu.memory_space<vmem_shared>> -> memref<80x128xf32, #tpu.memory_space<vmem_shared>>
      %dma_wait3A_406 = arith.constant 0 : i32
      %dma_wait3A_407 = tpu.memref_slice %arg15[%add3A_17, %dma_wait3A_406] : memref<5120x128xf32, #tpu.memory_space<vmem_shared>> -> memref<80x128xf32, #tpu.memory_space<vmem_shared>>
      %dma_wait3A_408 = arith.constant 0 : i32
      %dma_wait3A_409 = arith.constant 0 : i32
      %dma_wait3A_410 = tpu.memref_slice %arg11[%run_scoped3A, %dma_wait3A_408, %dma_wait3A_409] : memref<3x80x128xf32, #tpu.memory_space<vmem>> -> memref<1x80x128xf32, #tpu.memory_space<vmem>>
      %dma_wait3A_411 = tpu.memref_squeeze %dma_wait3A_410 : memref<1x80x128xf32, #tpu.memory_space<vmem>> -> memref<80x128xf32, #tpu.memory_space<vmem>>
      tpu.wait_dma2 semaphore(%run_scoped3A_388 : memref<!tpu.dma_semaphore, #tpu.memory_space<semaphore_mem>>) src(%dma_wait3A_411 : memref<80x128xf32, #tpu.memory_space<vmem>>) dst(%dma_wait3A_407 : memref<80x128xf32, #tpu.memory_space<vmem_shared>>)
      tpu.yield
    }) : () -> ()
    %add3A_18 = arith.constant 0 : i32
    %add3A_19 = arith.addi %mul3A_16, %add3A_18 : i32
    "tpu.region"() ({
      %run_scoped3A_388 = tpu.sem_alloc : memref<!tpu.dma_semaphore, #tpu.memory_space<semaphore_mem>>
      %dma_start3A_389 = arith.constant 0 : i32
      %dma_start3A_390 = tpu.memref_slice %arg16[%add3A_19, %dma_start3A_389] : memref<5120x16xf32, #tpu.memory_space<vmem_shared>> -> memref<80x16xf32, #tpu.memory_space<vmem_shared>>
      %dma_start3A_391 = arith.constant 0 : i32
      %dma_start3A_392 = tpu.memref_slice %arg16[%add3A_19, %dma_start3A_391] : memref<5120x16xf32, #tpu.memory_space<vmem_shared>> -> memref<80x16xf32, #tpu.memory_space<vmem_shared>>
      tpu.enqueue_dma source(%arg14 : memref<80x16xf32, #tpu.memory_space<vmem>>) target(%dma_start3A_392 : memref<80x16xf32, #tpu.memory_space<vmem_shared>>) target_semaphore(%run_scoped3A_388 : memref<!tpu.dma_semaphore, #tpu.memory_space<semaphore_mem>>)
      %dma_wait3A = arith.constant 0 : i32
      %dma_wait3A_393 = tpu.memref_slice %arg16[%add3A_19, %dma_wait3A] : memref<5120x16xf32, #tpu.memory_space<vmem_shared>> -> memref<80x16xf32, #tpu.memory_space<vmem_shared>>
      %dma_wait3A_394 = arith.constant 0 : i32
      %dma_wait3A_395 = tpu.memref_slice %arg16[%add3A_19, %dma_wait3A_394] : memref<5120x16xf32, #tpu.memory_space<vmem_shared>> -> memref<80x16xf32, #tpu.memory_space<vmem_shared>>
      tpu.wait_dma2 semaphore(%run_scoped3A_388 : memref<!tpu.dma_semaphore, #tpu.memory_space<semaphore_mem>>) src(%arg14 : memref<80x16xf32, #tpu.memory_space<vmem>>) dst(%dma_wait3A_395 : memref<80x16xf32, #tpu.memory_space<vmem_shared>>)
      tpu.yield
    }) : () -> ()
    %add3A_20 = arith.constant 80 : i32
    %add3A_21 = arith.addi %mul3A_16, %add3A_20 : i32
    %run_scoped3A_22 = arith.constant 0 : i32
    "tpu.region"() ({
      %run_scoped3A_388 = tpu.sem_alloc : memref<!tpu.dma_semaphore, #tpu.memory_space<semaphore_mem>>
      %dma_start3A_389 = arith.constant 0 : i32
      %dma_start3A_390 = arith.constant 0 : i32
      %dma_start3A_391 = tpu.memref_slice %arg11[%run_scoped3A_22, %dma_start3A_389, %dma_start3A_390] : memref<3x80x128xf32, #tpu.memory_space<vmem>> -> memref<1x80x128xf32, #tpu.memory_space<vmem>>
      %dma_start3A_392 = tpu.memref_squeeze %dma_start3A_391 : memref<1x80x128xf32, #tpu.memory_space<vmem>> -> memref<80x128xf32, #tpu.memory_space<vmem>>
      %dma_start3A_393 = arith.constant 0 : i32
      %dma_start3A_394 = tpu.memref_slice %arg15[%add3A_21, %dma_start3A_393] : memref<5120x128xf32, #tpu.memory_space<vmem_shared>> -> memref<80x128xf32, #tpu.memory_space<vmem_shared>>
      %dma_start3A_395 = arith.constant 0 : i32
      %dma_start3A_396 = tpu.memref_slice %arg15[%add3A_21, %dma_start3A_395] : memref<5120x128xf32, #tpu.memory_space<vmem_shared>> -> memref<80x128xf32, #tpu.memory_space<vmem_shared>>
      %dma_start3A_397 = arith.constant 0 : i32
      %dma_start3A_398 = arith.constant 0 : i32
      %dma_start3A_399 = tpu.memref_slice %arg11[%run_scoped3A_22, %dma_start3A_397, %dma_start3A_398] : memref<3x80x128xf32, #tpu.memory_space<vmem>> -> memref<1x80x128xf32, #tpu.memory_space<vmem>>
      %dma_start3A_400 = tpu.memref_squeeze %dma_start3A_399 : memref<1x80x128xf32, #tpu.memory_space<vmem>> -> memref<80x128xf32, #tpu.memory_space<vmem>>
      tpu.enqueue_dma source(%dma_start3A_400 : memref<80x128xf32, #tpu.memory_space<vmem>>) target(%dma_start3A_396 : memref<80x128xf32, #tpu.memory_space<vmem_shared>>) target_semaphore(%run_scoped3A_388 : memref<!tpu.dma_semaphore, #tpu.memory_space<semaphore_mem>>)
      %dma_wait3A = arith.constant 0 : i32
      %dma_wait3A_401 = arith.constant 0 : i32
      %dma_wait3A_402 = tpu.memref_slice %arg11[%run_scoped3A_22, %dma_wait3A, %dma_wait3A_401] : memref<3x80x128xf32, #tpu.memory_space<vmem>> -> memref<1x80x128xf32, #tpu.memory_space<vmem>>
      %dma_wait3A_403 = tpu.memref_squeeze %dma_wait3A_402 : memref<1x80x128xf32, #tpu.memory_space<vmem>> -> memref<80x128xf32, #tpu.memory_space<vmem>>
      %dma_wait3A_404 = arith.constant 0 : i32
      %dma_wait3A_405 = tpu.memref_slice %arg15[%add3A_21, %dma_wait3A_404] : memref<5120x128xf32, #tpu.memory_space<vmem_shared>> -> memref<80x128xf32, #tpu.memory_space<vmem_shared>>
      %dma_wait3A_406 = arith.constant 0 : i32
      %dma_wait3A_407 = tpu.memref_slice %arg15[%add3A_21, %dma_wait3A_406] : memref<5120x128xf32, #tpu.memory_space<vmem_shared>> -> memref<80x128xf32, #tpu.memory_space<vmem_shared>>
      %dma_wait3A_408 = arith.constant 0 : i32
      %dma_wait3A_409 = arith.constant 0 : i32
      %dma_wait3A_410 = tpu.memref_slice %arg11[%run_scoped3A_22, %dma_wait3A_408, %dma_wait3A_409] : memref<3x80x128xf32, #tpu.memory_space<vmem>> -> memref<1x80x128xf32, #tpu.memory_space<vmem>>
      %dma_wait3A_411 = tpu.memref_squeeze %dma_wait3A_410 : memref<1x80x128xf32, #tpu.memory_space<vmem>> -> memref<80x128xf32, #tpu.memory_space<vmem>>
      tpu.wait_dma2 semaphore(%run_scoped3A_388 : memref<!tpu.dma_semaphore, #tpu.memory_space<semaphore_mem>>) src(%dma_wait3A_411 : memref<80x128xf32, #tpu.memory_space<vmem>>) dst(%dma_wait3A_407 : memref<80x128xf32, #tpu.memory_space<vmem_shared>>)
      tpu.yield
    }) : () -> ()
    %add3A_23 = arith.constant 80 : i32
    %add3A_24 = arith.addi %mul3A_16, %add3A_23 : i32
    "tpu.region"() ({
      %run_scoped3A_388 = tpu.sem_alloc : memref<!tpu.dma_semaphore, #tpu.memory_space<semaphore_mem>>
      %dma_start3A_389 = arith.constant 0 : i32
      %dma_start3A_390 = tpu.memref_slice %arg16[%add3A_24, %dma_start3A_389] : memref<5120x16xf32, #tpu.memory_space<vmem_shared>> -> memref<80x16xf32, #tpu.memory_space<vmem_shared>>
      %dma_start3A_391 = arith.constant 0 : i32
      %dma_start3A_392 = tpu.memref_slice %arg16[%add3A_24, %dma_start3A_391] : memref<5120x16xf32, #tpu.memory_space<vmem_shared>> -> memref<80x16xf32, #tpu.memory_space<vmem_shared>>
      tpu.enqueue_dma source(%arg14 : memref<80x16xf32, #tpu.memory_space<vmem>>) target(%dma_start3A_392 : memref<80x16xf32, #tpu.memory_space<vmem_shared>>) target_semaphore(%run_scoped3A_388 : memref<!tpu.dma_semaphore, #tpu.memory_space<semaphore_mem>>)
      %dma_wait3A = arith.constant 0 : i32
      %dma_wait3A_393 = tpu.memref_slice %arg16[%add3A_24, %dma_wait3A] : memref<5120x16xf32, #tpu.memory_space<vmem_shared>> -> memref<80x16xf32, #tpu.memory_space<vmem_shared>>
      %dma_wait3A_394 = arith.constant 0 : i32
      %dma_wait3A_395 = tpu.memref_slice %arg16[%add3A_24, %dma_wait3A_394] : memref<5120x16xf32, #tpu.memory_space<vmem_shared>> -> memref<80x16xf32, #tpu.memory_space<vmem_shared>>
      tpu.wait_dma2 semaphore(%run_scoped3A_388 : memref<!tpu.dma_semaphore, #tpu.memory_space<semaphore_mem>>) src(%arg14 : memref<80x16xf32, #tpu.memory_space<vmem>>) dst(%dma_wait3A_395 : memref<80x16xf32, #tpu.memory_space<vmem_shared>>)
      tpu.yield
    }) : () -> ()
    %add3A_25 = arith.constant 160 : i32
    %add3A_26 = arith.addi %mul3A_16, %add3A_25 : i32
    %run_scoped3A_27 = arith.constant 0 : i32
    "tpu.region"() ({
      %run_scoped3A_388 = tpu.sem_alloc : memref<!tpu.dma_semaphore, #tpu.memory_space<semaphore_mem>>
      %dma_start3A_389 = arith.constant 0 : i32
      %dma_start3A_390 = arith.constant 0 : i32
      %dma_start3A_391 = tpu.memref_slice %arg11[%run_scoped3A_27, %dma_start3A_389, %dma_start3A_390] : memref<3x80x128xf32, #tpu.memory_space<vmem>> -> memref<1x80x128xf32, #tpu.memory_space<vmem>>
      %dma_start3A_392 = tpu.memref_squeeze %dma_start3A_391 : memref<1x80x128xf32, #tpu.memory_space<vmem>> -> memref<80x128xf32, #tpu.memory_space<vmem>>
      %dma_start3A_393 = arith.constant 0 : i32
      %dma_start3A_394 = tpu.memref_slice %arg15[%add3A_26, %dma_start3A_393] : memref<5120x128xf32, #tpu.memory_space<vmem_shared>> -> memref<80x128xf32, #tpu.memory_space<vmem_shared>>
      %dma_start3A_395 = arith.constant 0 : i32
      %dma_start3A_396 = tpu.memref_slice %arg15[%add3A_26, %dma_start3A_395] : memref<5120x128xf32, #tpu.memory_space<vmem_shared>> -> memref<80x128xf32, #tpu.memory_space<vmem_shared>>
      %dma_start3A_397 = arith.constant 0 : i32
      %dma_start3A_398 = arith.constant 0 : i32
      %dma_start3A_399 = tpu.memref_slice %arg11[%run_scoped3A_27, %dma_start3A_397, %dma_start3A_398] : memref<3x80x128xf32, #tpu.memory_space<vmem>> -> memref<1x80x128xf32, #tpu.memory_space<vmem>>
      %dma_start3A_400 = tpu.memref_squeeze %dma_start3A_399 : memref<1x80x128xf32, #tpu.memory_space<vmem>> -> memref<80x128xf32, #tpu.memory_space<vmem>>
      tpu.enqueue_dma source(%dma_start3A_400 : memref<80x128xf32, #tpu.memory_space<vmem>>) target(%dma_start3A_396 : memref<80x128xf32, #tpu.memory_space<vmem_shared>>) target_semaphore(%run_scoped3A_388 : memref<!tpu.dma_semaphore, #tpu.memory_space<semaphore_mem>>)
      %dma_wait3A = arith.constant 0 : i32
      %dma_wait3A_401 = arith.constant 0 : i32
      %dma_wait3A_402 = tpu.memref_slice %arg11[%run_scoped3A_27, %dma_wait3A, %dma_wait3A_401] : memref<3x80x128xf32, #tpu.memory_space<vmem>> -> memref<1x80x128xf32, #tpu.memory_space<vmem>>
      %dma_wait3A_403 = tpu.memref_squeeze %dma_wait3A_402 : memref<1x80x128xf32, #tpu.memory_space<vmem>> -> memref<80x128xf32, #tpu.memory_space<vmem>>
      %dma_wait3A_404 = arith.constant 0 : i32
      %dma_wait3A_405 = tpu.memref_slice %arg15[%add3A_26, %dma_wait3A_404] : memref<5120x128xf32, #tpu.memory_space<vmem_shared>> -> memref<80x128xf32, #tpu.memory_space<vmem_shared>>
      %dma_wait3A_406 = arith.constant 0 : i32
      %dma_wait3A_407 = tpu.memref_slice %arg15[%add3A_26, %dma_wait3A_406] : memref<5120x128xf32, #tpu.memory_space<vmem_shared>> -> memref<80x128xf32, #tpu.memory_space<vmem_shared>>
      %dma_wait3A_408 = arith.constant 0 : i32
      %dma_wait3A_409 = arith.constant 0 : i32
      %dma_wait3A_410 = tpu.memref_slice %arg11[%run_scoped3A_27, %dma_wait3A_408, %dma_wait3A_409] : memref<3x80x128xf32, #tpu.memory_space<vmem>> -> memref<1x80x128xf32, #tpu.memory_space<vmem>>
      %dma_wait3A_411 = tpu.memref_squeeze %dma_wait3A_410 : memref<1x80x128xf32, #tpu.memory_space<vmem>> -> memref<80x128xf32, #tpu.memory_space<vmem>>
      tpu.wait_dma2 semaphore(%run_scoped3A_388 : memref<!tpu.dma_semaphore, #tpu.memory_space<semaphore_mem>>) src(%dma_wait3A_411 : memref<80x128xf32, #tpu.memory_space<vmem>>) dst(%dma_wait3A_407 : memref<80x128xf32, #tpu.memory_space<vmem_shared>>)
      tpu.yield
    }) : () -> ()
    %add3A_28 = arith.constant 160 : i32
    %add3A_29 = arith.addi %mul3A_16, %add3A_28 : i32
    "tpu.region"() ({
      %run_scoped3A_388 = tpu.sem_alloc : memref<!tpu.dma_semaphore, #tpu.memory_space<semaphore_mem>>
      %dma_start3A_389 = arith.constant 0 : i32
      %dma_start3A_390 = tpu.memref_slice %arg16[%add3A_29, %dma_start3A_389] : memref<5120x16xf32, #tpu.memory_space<vmem_shared>> -> memref<80x16xf32, #tpu.memory_space<vmem_shared>>
      %dma_start3A_391 = arith.constant 0 : i32
      %dma_start3A_392 = tpu.memref_slice %arg16[%add3A_29, %dma_start3A_391] : memref<5120x16xf32, #tpu.memory_space<vmem_shared>> -> memref<80x16xf32, #tpu.memory_space<vmem_shared>>
      tpu.enqueue_dma source(%arg14 : memref<80x16xf32, #tpu.memory_space<vmem>>) target(%dma_start3A_392 : memref<80x16xf32, #tpu.memory_space<vmem_shared>>) target_semaphore(%run_scoped3A_388 : memref<!tpu.dma_semaphore, #tpu.memory_space<semaphore_mem>>)
      %dma_wait3A = arith.constant 0 : i32
      %dma_wait3A_393 = tpu.memref_slice %arg16[%add3A_29, %dma_wait3A] : memref<5120x16xf32, #tpu.memory_space<vmem_shared>> -> memref<80x16xf32, #tpu.memory_space<vmem_shared>>
      %dma_wait3A_394 = arith.constant 0 : i32
      %dma_wait3A_395 = tpu.memref_slice %arg16[%add3A_29, %dma_wait3A_394] : memref<5120x16xf32, #tpu.memory_space<vmem_shared>> -> memref<80x16xf32, #tpu.memory_space<vmem_shared>>
      tpu.wait_dma2 semaphore(%run_scoped3A_388 : memref<!tpu.dma_semaphore, #tpu.memory_space<semaphore_mem>>) src(%arg14 : memref<80x16xf32, #tpu.memory_space<vmem>>) dst(%dma_wait3A_395 : memref<80x16xf32, #tpu.memory_space<vmem_shared>>)
      tpu.yield
    }) : () -> ()
    %add3A_30 = arith.constant 240 : i32
    %add3A_31 = arith.addi %mul3A_16, %add3A_30 : i32
    %run_scoped3A_32 = arith.constant 0 : i32
    "tpu.region"() ({
      %run_scoped3A_388 = tpu.sem_alloc : memref<!tpu.dma_semaphore, #tpu.memory_space<semaphore_mem>>
      %dma_start3A_389 = arith.constant 0 : i32
      %dma_start3A_390 = arith.constant 0 : i32
      %dma_start3A_391 = tpu.memref_slice %arg11[%run_scoped3A_32, %dma_start3A_389, %dma_start3A_390] : memref<3x80x128xf32, #tpu.memory_space<vmem>> -> memref<1x80x128xf32, #tpu.memory_space<vmem>>
      %dma_start3A_392 = tpu.memref_squeeze %dma_start3A_391 : memref<1x80x128xf32, #tpu.memory_space<vmem>> -> memref<80x128xf32, #tpu.memory_space<vmem>>
      %dma_start3A_393 = arith.constant 0 : i32
      %dma_start3A_394 = tpu.memref_slice %arg15[%add3A_31, %dma_start3A_393] : memref<5120x128xf32, #tpu.memory_space<vmem_shared>> -> memref<80x128xf32, #tpu.memory_space<vmem_shared>>
      %dma_start3A_395 = arith.constant 0 : i32
      %dma_start3A_396 = tpu.memref_slice %arg15[%add3A_31, %dma_start3A_395] : memref<5120x128xf32, #tpu.memory_space<vmem_shared>> -> memref<80x128xf32, #tpu.memory_space<vmem_shared>>
      %dma_start3A_397 = arith.constant 0 : i32
      %dma_start3A_398 = arith.constant 0 : i32
      %dma_start3A_399 = tpu.memref_slice %arg11[%run_scoped3A_32, %dma_start3A_397, %dma_start3A_398] : memref<3x80x128xf32, #tpu.memory_space<vmem>> -> memref<1x80x128xf32, #tpu.memory_space<vmem>>
      %dma_start3A_400 = tpu.memref_squeeze %dma_start3A_399 : memref<1x80x128xf32, #tpu.memory_space<vmem>> -> memref<80x128xf32, #tpu.memory_space<vmem>>
      tpu.enqueue_dma source(%dma_start3A_400 : memref<80x128xf32, #tpu.memory_space<vmem>>) target(%dma_start3A_396 : memref<80x128xf32, #tpu.memory_space<vmem_shared>>) target_semaphore(%run_scoped3A_388 : memref<!tpu.dma_semaphore, #tpu.memory_space<semaphore_mem>>)
      %dma_wait3A = arith.constant 0 : i32
      %dma_wait3A_401 = arith.constant 0 : i32
      %dma_wait3A_402 = tpu.memref_slice %arg11[%run_scoped3A_32, %dma_wait3A, %dma_wait3A_401] : memref<3x80x128xf32, #tpu.memory_space<vmem>> -> memref<1x80x128xf32, #tpu.memory_space<vmem>>
      %dma_wait3A_403 = tpu.memref_squeeze %dma_wait3A_402 : memref<1x80x128xf32, #tpu.memory_space<vmem>> -> memref<80x128xf32, #tpu.memory_space<vmem>>
      %dma_wait3A_404 = arith.constant 0 : i32
      %dma_wait3A_405 = tpu.memref_slice %arg15[%add3A_31, %dma_wait3A_404] : memref<5120x128xf32, #tpu.memory_space<vmem_shared>> -> memref<80x128xf32, #tpu.memory_space<vmem_shared>>
      %dma_wait3A_406 = arith.constant 0 : i32
      %dma_wait3A_407 = tpu.memref_slice %arg15[%add3A_31, %dma_wait3A_406] : memref<5120x128xf32, #tpu.memory_space<vmem_shared>> -> memref<80x128xf32, #tpu.memory_space<vmem_shared>>
      %dma_wait3A_408 = arith.constant 0 : i32
      %dma_wait3A_409 = arith.constant 0 : i32
      %dma_wait3A_410 = tpu.memref_slice %arg11[%run_scoped3A_32, %dma_wait3A_408, %dma_wait3A_409] : memref<3x80x128xf32, #tpu.memory_space<vmem>> -> memref<1x80x128xf32, #tpu.memory_space<vmem>>
      %dma_wait3A_411 = tpu.memref_squeeze %dma_wait3A_410 : memref<1x80x128xf32, #tpu.memory_space<vmem>> -> memref<80x128xf32, #tpu.memory_space<vmem>>
      tpu.wait_dma2 semaphore(%run_scoped3A_388 : memref<!tpu.dma_semaphore, #tpu.memory_space<semaphore_mem>>) src(%dma_wait3A_411 : memref<80x128xf32, #tpu.memory_space<vmem>>) dst(%dma_wait3A_407 : memref<80x128xf32, #tpu.memory_space<vmem_shared>>)
      tpu.yield
    }) : () -> ()
    %add3A_33 = arith.constant 240 : i32
    %add3A_34 = arith.addi %mul3A_16, %add3A_33 : i32
    "tpu.region"() ({
      %run_scoped3A_388 = tpu.sem_alloc : memref<!tpu.dma_semaphore, #tpu.memory_space<semaphore_mem>>
      %dma_start3A_389 = arith.constant 0 : i32
      %dma_start3A_390 = tpu.memref_slice %arg16[%add3A_34, %dma_start3A_389] : memref<5120x16xf32, #tpu.memory_space<vmem_shared>> -> memref<80x16xf32, #tpu.memory_space<vmem_shared>>
      %dma_start3A_391 = arith.constant 0 : i32
      %dma_start3A_392 = tpu.memref_slice %arg16[%add3A_34, %dma_start3A_391] : memref<5120x16xf32, #tpu.memory_space<vmem_shared>> -> memref<80x16xf32, #tpu.memory_space<vmem_shared>>
      tpu.enqueue_dma source(%arg14 : memref<80x16xf32, #tpu.memory_space<vmem>>) target(%dma_start3A_392 : memref<80x16xf32, #tpu.memory_space<vmem_shared>>) target_semaphore(%run_scoped3A_388 : memref<!tpu.dma_semaphore, #tpu.memory_space<semaphore_mem>>)
      %dma_wait3A = arith.constant 0 : i32
      %dma_wait3A_393 = tpu.memref_slice %arg16[%add3A_34, %dma_wait3A] : memref<5120x16xf32, #tpu.memory_space<vmem_shared>> -> memref<80x16xf32, #tpu.memory_space<vmem_shared>>
      %dma_wait3A_394 = arith.constant 0 : i32
      %dma_wait3A_395 = tpu.memref_slice %arg16[%add3A_34, %dma_wait3A_394] : memref<5120x16xf32, #tpu.memory_space<vmem_shared>> -> memref<80x16xf32, #tpu.memory_space<vmem_shared>>
      tpu.wait_dma2 semaphore(%run_scoped3A_388 : memref<!tpu.dma_semaphore, #tpu.memory_space<semaphore_mem>>) src(%arg14 : memref<80x16xf32, #tpu.memory_space<vmem>>) dst(%dma_wait3A_395 : memref<80x16xf32, #tpu.memory_space<vmem_shared>>)
      tpu.yield
    }) : () -> ()
    %mul3A_35 = arith.constant 5120 : i32
    %mul3A_36 = arith.muli %arg0, %mul3A_35 : i32
    %mul3A_37 = arith.constant 20000 : i32
    %mul3A_38 = arith.muli %arg1, %mul3A_37 : i32
    %add3A_39 = arith.constant 0 : i32
    %add3A_40 = arith.addi %mul3A_38, %add3A_39 : i32
    "tpu.region"() ({
      %run_scoped3A_388 = tpu.sem_alloc : memref<!tpu.dma_semaphore, #tpu.memory_space<semaphore_mem>>
      %dma_start3A_389 = tpu.memref_slice %arg3[%add3A_40] : memref<320000xi32, #tpu.memory_space<hbm>> -> memref<10000xi32, #tpu.memory_space<hbm>>
      %dma_start3A_390 = tpu.memref_slice %arg3[%add3A_40] : memref<320000xi32, #tpu.memory_space<hbm>> -> memref<10000xi32, #tpu.memory_space<hbm>>
      tpu.enqueue_dma source(%dma_start3A_390 : memref<10000xi32, #tpu.memory_space<hbm>>) target(%arg7 : memref<10000xi32, #tpu.memory_space<vmem>>) target_semaphore(%run_scoped3A_388 : memref<!tpu.dma_semaphore, #tpu.memory_space<semaphore_mem>>)
      %dma_wait3A = tpu.memref_slice %arg3[%add3A_40] : memref<320000xi32, #tpu.memory_space<hbm>> -> memref<10000xi32, #tpu.memory_space<hbm>>
      %dma_wait3A_391 = tpu.memref_slice %arg3[%add3A_40] : memref<320000xi32, #tpu.memory_space<hbm>> -> memref<10000xi32, #tpu.memory_space<hbm>>
      tpu.wait_dma2 semaphore(%run_scoped3A_388 : memref<!tpu.dma_semaphore, #tpu.memory_space<semaphore_mem>>) src(%dma_wait3A_391 : memref<10000xi32, #tpu.memory_space<hbm>>) dst(%arg7 : memref<10000xi32, #tpu.memory_space<vmem>>)
      tpu.yield
    }) : () -> ()
    "tpu.region"() ({
      %run_scoped3A_388 = tpu.sem_alloc : memref<!tpu.dma_semaphore, #tpu.memory_space<semaphore_mem>>
      %dma_start3A_389 = tpu.memref_slice %arg4[%add3A_40] : memref<320000xi32, #tpu.memory_space<hbm>> -> memref<10000xi32, #tpu.memory_space<hbm>>
      %dma_start3A_390 = tpu.memref_slice %arg4[%add3A_40] : memref<320000xi32, #tpu.memory_space<hbm>> -> memref<10000xi32, #tpu.memory_space<hbm>>
      tpu.enqueue_dma source(%dma_start3A_390 : memref<10000xi32, #tpu.memory_space<hbm>>) target(%arg8 : memref<10000xi32, #tpu.memory_space<vmem>>) target_semaphore(%run_scoped3A_388 : memref<!tpu.dma_semaphore, #tpu.memory_space<semaphore_mem>>)
      %dma_wait3A = tpu.memref_slice %arg4[%add3A_40] : memref<320000xi32, #tpu.memory_space<hbm>> -> memref<10000xi32, #tpu.memory_space<hbm>>
      %dma_wait3A_391 = tpu.memref_slice %arg4[%add3A_40] : memref<320000xi32, #tpu.memory_space<hbm>> -> memref<10000xi32, #tpu.memory_space<hbm>>
      tpu.wait_dma2 semaphore(%run_scoped3A_388 : memref<!tpu.dma_semaphore, #tpu.memory_space<semaphore_mem>>) src(%dma_wait3A_391 : memref<10000xi32, #tpu.memory_space<hbm>>) dst(%arg8 : memref<10000xi32, #tpu.memory_space<vmem>>)
      tpu.yield
    }) : () -> ()
    %scan3A_41 = arith.constant 0 : i32
    %scan3A_42 = arith.constant 0 : i32
    %scan3A_43 = arith.constant 625 : i32
    %scan3A_44 = arith.addi %scan3A_42, %scan3A_43 : i32
    %scan3A_45 = arith.constant 1 : i32
    %scan3A_46 = scf.for %scan3A_388 = %scan3A_42 to %scan3A_44 step %scan3A_45 iter_args(%scan3A_389 = %scan3A_41) -> (i32)  : i32 {
      %mul3A_390 = arith.constant 16 : i32
      %mul3A_391 = arith.muli %scan3A_388, %mul3A_390 : i32
      %get3A = arith.index_cast %mul3A_391 : i32 to index
      %get3A_392 = tpu.vector_load %arg8[%get3A] {strides = array<i32>} : memref<10000xi32, #tpu.memory_space<vmem>>, vector<16xi32>,
      %mul3A_393 = arith.constant 16 : i32
      %mul3A_394 = arith.muli %scan3A_388, %mul3A_393 : i32
      %get3A_395 = arith.index_cast %mul3A_394 : i32 to index
      %get3A_396 = tpu.vector_load %arg7[%get3A_395] {strides = array<i32>} : memref<10000xi32, #tpu.memory_space<vmem>>, vector<16xi32>,
      %sub3A_397 = vector.broadcast %mul3A_36 : i32 to vector<16xi32>
      %sub3A_398 = arith.subi %get3A_392, %sub3A_397 : vector<16xi32>
      %ge3A = arith.constant 0 : i32
      %ge3A_399 = vector.broadcast %ge3A : i32 to vector<16xi32>
      %ge3A_400 = arith.cmpi sge, %sub3A_398, %ge3A_399 : vector<16xi32>
      %lt3A = arith.constant 5120 : i32
      %lt3A_401 = vector.broadcast %lt3A : i32 to vector<16xi32>
      %lt3A_402 = arith.cmpi slt, %sub3A_398, %lt3A_401 : vector<16xi32>
      %and3A_403 = arith.andi %ge3A_400, %lt3A_402 : vector<16xi1>
      %jit3A_404 = arith.constant 0 : i32
      %jit3A_405 = arith.constant 1 : i32
      %broadcast_in_dim3A_406 = vector.broadcast %jit3A_404 : i32 to vector<16xi32>
      %broadcast_in_dim3A_407 = vector.broadcast %jit3A_405 : i32 to vector<16xi32>
      %select_n3A_408 = arith.select %and3A_403, %broadcast_in_dim3A_406, %broadcast_in_dim3A_407 : vector<16xi1>, vector<16xi32>
      %masked_sort3A = arith.constant dense<true> : vector<16xi1>
      %masked_sort3A_409 = arith.constant -2147483648 : i32
      %masked_sort3A_410 = vector.broadcast %masked_sort3A_409 : i32 to vector<16xi32>
      %masked_sort3A_411 = arith.xori %select_n3A_408, %masked_sort3A_410 : vector<16xi32>
      %masked_sort3A_412, %masked_sort3A_413, %masked_sort3A_414 = tpu.sort %masked_sort3A_411, %sub3A_398 masked %masked_sort3A : (vector<16xi32>, vector<16xi32>, vector<16xi1>) -> (vector<16xi1>, vector<16xi32>, vector<16xi32>)
      %masked_sort3A_415 = arith.xori %masked_sort3A_413, %masked_sort3A_410 : vector<16xi32>
      %masked_sort3A_416 = arith.constant dense<true> : vector<16xi1>
      %masked_sort3A_417 = arith.constant -2147483648 : i32
      %masked_sort3A_418 = vector.broadcast %masked_sort3A_417 : i32 to vector<16xi32>
      %masked_sort3A_419 = arith.xori %select_n3A_408, %masked_sort3A_418 : vector<16xi32>
      %masked_sort3A_420, %masked_sort3A_421, %masked_sort3A_422 = tpu.sort %masked_sort3A_419, %get3A_396 masked %masked_sort3A_416 : (vector<16xi32>, vector<16xi32>, vector<16xi1>) -> (vector<16xi1>, vector<16xi32>, vector<16xi32>)
      %masked_sort3A_423 = arith.xori %masked_sort3A_421, %masked_sort3A_418 : vector<16xi32>
      %swap3A_424 = arith.index_cast %scan3A_389 : i32 to index
      %swap3A_425 = tpu.vector_load %arg10[%swap3A_424] {strides = array<i32>} : memref<10080xi32, #tpu.memory_space<vmem>>, vector<16xi32>,
      tpu.vector_store %arg10[%swap3A_424], %masked_sort3A_414 {strides = array<i32>} : memref<10080xi32, #tpu.memory_space<vmem>>, vector<16xi32>,
      %swap3A_426 = arith.index_cast %scan3A_389 : i32 to index
      %swap3A_427 = tpu.vector_load %arg9[%swap3A_426] {strides = array<i32>} : memref<10080xi32, #tpu.memory_space<vmem>>, vector<16xi32>,
      tpu.vector_store %arg9[%swap3A_426], %masked_sort3A_422 {strides = array<i32>} : memref<10080xi32, #tpu.memory_space<vmem>>, vector<16xi32>,
      %reduce_sum3A = arith.constant true
      %reduce_sum3A_428 = vector.broadcast %reduce_sum3A : i1 to vector<16xi1>
      %reduce_sum3A_429 = tpu.scan <sum>, %select_n3A_408 masked %reduce_sum3A_428 : vector<16xi32>, vector<16xi1> -> vector<16xi32>
      %reduce_sum3A_430 = vector.extract %reduce_sum3A_429[15] : i32 from vector<16xi32>
      %sub3A_431 = arith.constant 16 : i32
      %sub3A_432 = arith.subi %sub3A_431, %reduce_sum3A_430 : i32
      %add3A_433 = arith.addi %scan3A_389, %sub3A_432 : i32
      scf.yield %add3A_433 : i32
    }
    %scan3A_47 = arith.constant 625 : i32
    %broadcast_in_dim3A_48 = arith.constant 0 : i32
    %broadcast_in_dim3A_49 = vector.broadcast %broadcast_in_dim3A_48 : i32 to vector<16xi32>
    %add3A_50 = arith.constant 0 : i32
    %add3A_51 = arith.addi %scan3A_46, %add3A_50 : i32
    %swap3A = arith.index_cast %add3A_51 : i32 to index
    %swap3A_52 = tpu.vector_load %arg10[%swap3A] {strides = array<i32>} : memref<10080xi32, #tpu.memory_space<vmem>>, vector<16xi32>,
    tpu.vector_store %arg10[%swap3A], %broadcast_in_dim3A_49 {strides = array<i32>} : memref<10080xi32, #tpu.memory_space<vmem>>, vector<16xi32>,
    %broadcast_in_dim3A_53 = arith.constant 10000 : i32
    %broadcast_in_dim3A_54 = vector.broadcast %broadcast_in_dim3A_53 : i32 to vector<16xi32>
    %add3A_55 = arith.constant 0 : i32
    %add3A_56 = arith.addi %scan3A_46, %add3A_55 : i32
    %swap3A_57 = arith.index_cast %add3A_56 : i32 to index
    %swap3A_58 = tpu.vector_load %arg9[%swap3A_57] {strides = array<i32>} : memref<10080xi32, #tpu.memory_space<vmem>>, vector<16xi32>,
    tpu.vector_store %arg9[%swap3A_57], %broadcast_in_dim3A_54 {strides = array<i32>} : memref<10080xi32, #tpu.memory_space<vmem>>, vector<16xi32>,
    %broadcast_in_dim3A_59 = arith.constant 0 : i32
    %broadcast_in_dim3A_60 = vector.broadcast %broadcast_in_dim3A_59 : i32 to vector<16xi32>
    %add3A_61 = arith.constant 16 : i32
    %add3A_62 = arith.addi %scan3A_46, %add3A_61 : i32
    %swap3A_63 = arith.index_cast %add3A_62 : i32 to index
    %swap3A_64 = tpu.vector_load %arg10[%swap3A_63] {strides = array<i32>} : memref<10080xi32, #tpu.memory_space<vmem>>, vector<16xi32>,
    tpu.vector_store %arg10[%swap3A_63], %broadcast_in_dim3A_60 {strides = array<i32>} : memref<10080xi32, #tpu.memory_space<vmem>>, vector<16xi32>,
    %broadcast_in_dim3A_65 = arith.constant 10000 : i32
    %broadcast_in_dim3A_66 = vector.broadcast %broadcast_in_dim3A_65 : i32 to vector<16xi32>
    %add3A_67 = arith.constant 16 : i32
    %add3A_68 = arith.addi %scan3A_46, %add3A_67 : i32
    %swap3A_69 = arith.index_cast %add3A_68 : i32 to index
    %swap3A_70 = tpu.vector_load %arg9[%swap3A_69] {strides = array<i32>} : memref<10080xi32, #tpu.memory_space<vmem>>, vector<16xi32>,
    tpu.vector_store %arg9[%swap3A_69], %broadcast_in_dim3A_66 {strides = array<i32>} : memref<10080xi32, #tpu.memory_space<vmem>>, vector<16xi32>,
    %broadcast_in_dim3A_71 = arith.constant 0 : i32
    %broadcast_in_dim3A_72 = vector.broadcast %broadcast_in_dim3A_71 : i32 to vector<16xi32>
    %add3A_73 = arith.constant 32 : i32
    %add3A_74 = arith.addi %scan3A_46, %add3A_73 : i32
    %swap3A_75 = arith.index_cast %add3A_74 : i32 to index
    %swap3A_76 = tpu.vector_load %arg10[%swap3A_75] {strides = array<i32>} : memref<10080xi32, #tpu.memory_space<vmem>>, vector<16xi32>,
    tpu.vector_store %arg10[%swap3A_75], %broadcast_in_dim3A_72 {strides = array<i32>} : memref<10080xi32, #tpu.memory_space<vmem>>, vector<16xi32>,
    %broadcast_in_dim3A_77 = arith.constant 10000 : i32
    %broadcast_in_dim3A_78 = vector.broadcast %broadcast_in_dim3A_77 : i32 to vector<16xi32>
    %add3A_79 = arith.constant 32 : i32
    %add3A_80 = arith.addi %scan3A_46, %add3A_79 : i32
    %swap3A_81 = arith.index_cast %add3A_80 : i32 to index
    %swap3A_82 = tpu.vector_load %arg9[%swap3A_81] {strides = array<i32>} : memref<10080xi32, #tpu.memory_space<vmem>>, vector<16xi32>,
    tpu.vector_store %arg9[%swap3A_81], %broadcast_in_dim3A_78 {strides = array<i32>} : memref<10080xi32, #tpu.memory_space<vmem>>, vector<16xi32>,
    %broadcast_in_dim3A_83 = arith.constant 0 : i32
    %broadcast_in_dim3A_84 = vector.broadcast %broadcast_in_dim3A_83 : i32 to vector<16xi32>
    %add3A_85 = arith.constant 48 : i32
    %add3A_86 = arith.addi %scan3A_46, %add3A_85 : i32
    %swap3A_87 = arith.index_cast %add3A_86 : i32 to index
    %swap3A_88 = tpu.vector_load %arg10[%swap3A_87] {strides = array<i32>} : memref<10080xi32, #tpu.memory_space<vmem>>, vector<16xi32>,
    tpu.vector_store %arg10[%swap3A_87], %broadcast_in_dim3A_84 {strides = array<i32>} : memref<10080xi32, #tpu.memory_space<vmem>>, vector<16xi32>,
    %broadcast_in_dim3A_89 = arith.constant 10000 : i32
    %broadcast_in_dim3A_90 = vector.broadcast %broadcast_in_dim3A_89 : i32 to vector<16xi32>
    %add3A_91 = arith.constant 48 : i32
    %add3A_92 = arith.addi %scan3A_46, %add3A_91 : i32
    %swap3A_93 = arith.index_cast %add3A_92 : i32 to index
    %swap3A_94 = tpu.vector_load %arg9[%swap3A_93] {strides = array<i32>} : memref<10080xi32, #tpu.memory_space<vmem>>, vector<16xi32>,
    tpu.vector_store %arg9[%swap3A_93], %broadcast_in_dim3A_90 {strides = array<i32>} : memref<10080xi32, #tpu.memory_space<vmem>>, vector<16xi32>,
    %broadcast_in_dim3A_95 = arith.constant 0 : i32
    %broadcast_in_dim3A_96 = vector.broadcast %broadcast_in_dim3A_95 : i32 to vector<16xi32>
    %add3A_97 = arith.constant 64 : i32
    %add3A_98 = arith.addi %scan3A_46, %add3A_97 : i32
    %swap3A_99 = arith.index_cast %add3A_98 : i32 to index
    %swap3A_100 = tpu.vector_load %arg10[%swap3A_99] {strides = array<i32>} : memref<10080xi32, #tpu.memory_space<vmem>>, vector<16xi32>,
    tpu.vector_store %arg10[%swap3A_99], %broadcast_in_dim3A_96 {strides = array<i32>} : memref<10080xi32, #tpu.memory_space<vmem>>, vector<16xi32>,
    %broadcast_in_dim3A_101 = arith.constant 10000 : i32
    %broadcast_in_dim3A_102 = vector.broadcast %broadcast_in_dim3A_101 : i32 to vector<16xi32>
    %add3A_103 = arith.constant 64 : i32
    %add3A_104 = arith.addi %scan3A_46, %add3A_103 : i32
    %swap3A_105 = arith.index_cast %add3A_104 : i32 to index
    %swap3A_106 = tpu.vector_load %arg9[%swap3A_105] {strides = array<i32>} : memref<10080xi32, #tpu.memory_space<vmem>>, vector<16xi32>,
    tpu.vector_store %arg9[%swap3A_105], %broadcast_in_dim3A_102 {strides = array<i32>} : memref<10080xi32, #tpu.memory_space<vmem>>, vector<16xi32>,
    %add3A_107 = arith.constant 80 : i32
    %add3A_108 = arith.addi %scan3A_46, %add3A_107 : i32
    %sub3A = arith.constant 1 : i32
    %sub3A_109 = arith.subi %add3A_108, %sub3A : i32
    %jit3A = arith.constant 80 : i32
    %div3A = arith.divsi %sub3A_109, %jit3A : i32
    %sign3A = arith.constant 0 : i32
    %sign3A_110 = arith.cmpi sgt, %sub3A_109, %sign3A : i32
    %sign3A_111 = arith.extui %sign3A_110 : i1 to i32
    %sign3A_112 = arith.constant 0 : i32
    %sign3A_113 = arith.cmpi slt, %sub3A_109, %sign3A_112 : i32
    %sign3A_114 = arith.extui %sign3A_113 : i1 to i32
    %sign3A_115 = arith.subi %sign3A_111, %sign3A_114 : i32
    %sign3A_116 = arith.constant 0 : i32
    %sign3A_117 = arith.cmpi sgt, %jit3A, %sign3A_116 : i32
    %sign3A_118 = arith.extui %sign3A_117 : i1 to i32
    %sign3A_119 = arith.constant 0 : i32
    %sign3A_120 = arith.cmpi slt, %jit3A, %sign3A_119 : i32
    %sign3A_121 = arith.extui %sign3A_120 : i1 to i32
    %sign3A_122 = arith.subi %sign3A_118, %sign3A_121 : i32
    %ne3A = arith.cmpi ne, %sign3A_115, %sign3A_122 : i32
    %rem3A = arith.remsi %sub3A_109, %jit3A : i32
    %ne3A_123 = arith.constant 0 : i32
    %ne3A_124 = arith.cmpi ne, %rem3A, %ne3A_123 : i32
    %and3A = arith.andi %ne3A, %ne3A_124 : i1
    %sub3A_125 = arith.constant 1 : i32
    %sub3A_126 = arith.subi %div3A, %sub3A_125 : i32
    %select_n3A = arith.select %and3A, %sub3A_126, %div3A : i32
    %max3A = arith.constant 1 : i32
    %max3A_127 = arith.maxsi %select_n3A, %max3A : i32
    %sub3A_128 = arith.constant 1 : i32
    %sub3A_129 = arith.subi %max3A_127, %sub3A_128 : i32
    %mul3A_130 = arith.constant 80 : i32
    %mul3A_131 = arith.muli %sub3A_129, %mul3A_130 : i32
    %sub3A_132 = arith.subi %scan3A_46, %mul3A_131 : i32
    %scan3A_133 = arith.constant 0 : i32
    %scan3A_134 = arith.constant 0 : i32
    %scan3A_135 = arith.constant 80 : i32
    %scan3A_136 = arith.addi %scan3A_134, %scan3A_135 : i32
    %scan3A_137 = arith.constant 1 : i32
    %scan3A_138 = scf.for %scan3A_388 = %scan3A_134 to %scan3A_136 step %scan3A_137 iter_args(%scan3A_389 = %scan3A_133) -> (i32)  : i32 {
      %lt3A = arith.cmpi slt, %scan3A_388, %sub3A_132 : i32
      %select_n3A_390 = arith.select %lt3A, %broadcast_in_dim3A_2, %broadcast_in_dim3A_0 : vector<16xf32>
      %swap3A_391 = arith.index_cast %scan3A_388 : i32 to index
      %swap3A_392 = arith.constant 0 : index
      %swap3A_393 = tpu.vector_load %arg13[%swap3A_391, %swap3A_392] {strides = array<i32>} : memref<80x16xf32, #tpu.memory_space<vmem>>, vector<16xf32>,
      tpu.vector_store %arg13[%swap3A_391, %swap3A_392], %select_n3A_390 {strides = array<i32>} : memref<80x16xf32, #tpu.memory_space<vmem>>, vector<16xf32>,
      %scan3A_394 = arith.constant 0 : i32
      scf.yield %scan3A_394 : i32
    }
    %scan3A_139 = arith.constant 80 : i32
    %barrier3A = arith.constant 0 : index
    tpu.barrier barrier_id(%barrier3A)
    %dma_start3A = arith.constant 0 : i32
    %dma_start3A_140 = arith.constant 0 : i32
    %dma_start3A_141 = arith.constant 0 : i32
    %dma_start3A_142 = arith.constant 0 : i32
    %dma_start3A_143 = tpu.memref_slice %arg11[%dma_start3A, %dma_start3A_141, %dma_start3A_142] : memref<3x80x128xf32, #tpu.memory_space<vmem>> -> memref<1x80x128xf32, #tpu.memory_space<vmem>>
    %dma_start3A_144 = tpu.memref_squeeze %dma_start3A_143 : memref<1x80x128xf32, #tpu.memory_space<vmem>> -> memref<80x128xf32, #tpu.memory_space<vmem>>
    %dma_start3A_145 = arith.constant 0 : i32
    %dma_start3A_146 = tpu.memref_slice %arg9[%dma_start3A_145] : memref<10080xi32, #tpu.memory_space<vmem>> -> memref<80xi32, #tpu.memory_space<vmem>>
    %dma_start3A_147 = arith.constant 0 : i32
    %dma_start3A_148 = arith.constant 0 : i32
    %dma_start3A_149 = tpu.memref_slice %arg2[%dma_start3A_147, %dma_start3A_148] : memref<10001x128xf32, #tpu.memory_space<hbm>> -> memref<10001x128xf32, #tpu.memory_space<hbm>>
    %dma_start3A_150 = tpu.memref_slice %arg17[%dma_start3A_140] : memref<3x!tpu.dma_semaphore, #tpu.memory_space<semaphore_mem>> -> memref<1x!tpu.dma_semaphore, #tpu.memory_space<semaphore_mem>>
    %dma_start3A_151 = tpu.memref_squeeze %dma_start3A_150 : memref<1x!tpu.dma_semaphore, #tpu.memory_space<semaphore_mem>> -> memref<!tpu.dma_semaphore, #tpu.memory_space<semaphore_mem>>
    tpu.enqueue_indirect_dma source(%dma_start3A_149 : memref<10001x128xf32, #tpu.memory_space<hbm>>) target(%dma_start3A_144 : memref<80x128xf32, #tpu.memory_space<vmem>>) offsets(%dma_start3A_146 : memref<80xi32, #tpu.memory_space<vmem>>) semaphore(%dma_start3A_151 : memref<!tpu.dma_semaphore, #tpu.memory_space<semaphore_mem>>)
    %while3A = arith.constant 0 : i32
    %while3A_152 = arith.constant 0 : i32
    %while3A_153 = arith.subi %max3A_127, %while3A : i32
    %while3A_154 = arith.addi %while3A, %while3A_153 : i32
    %while3A_155 = arith.constant 1 : i32
    %while3A_156 = arith.divsi %while3A_153, %while3A_155 : i32
    %while3A_157 = arith.muli %while3A_156, %while3A_155 : i32
    %while3A_158 = arith.addi %while3A, %while3A_157 : i32
    %while3A_159 = arith.constant 1 : i32
    %while3A_160 = scf.for %while3A_388 = %while3A to %while3A_158 step %while3A_159 iter_args(%while3A_389 = %while3A_152) -> (i32)  : i32 {
      %jit3A_390 = arith.constant 3 : i32
      %eq3A = arith.constant 0 : i32
      %eq3A_391 = arith.cmpi eq, %jit3A_390, %eq3A : i32
      %jit3A_392 = arith.constant 1 : i32
      %select_n3A_393 = arith.select %eq3A_391, %jit3A_392, %jit3A_390 : i32
      %rem3A_394 = arith.remsi %while3A_388, %select_n3A_393 : i32
      %ne3A_395 = arith.constant 0 : i32
      %ne3A_396 = arith.cmpi ne, %rem3A_394, %ne3A_395 : i32
      %lt3A = arith.constant 0 : i32
      %lt3A_397 = arith.cmpi slt, %rem3A_394, %lt3A : i32
      %lt3A_398 = arith.constant 0 : i32
      %lt3A_399 = arith.cmpi slt, %select_n3A_393, %lt3A_398 : i32
      %ne3A_400 = arith.xori %lt3A_397, %lt3A_399 : i1
      %and3A_401 = arith.andi %ne3A_400, %ne3A_396 : i1
      %add3A_402 = arith.addi %rem3A_394, %select_n3A_393 : i32
      %select_n3A_403 = arith.select %and3A_401, %add3A_402, %rem3A_394 : i32
      %dma_wait3A = arith.constant 0 : i32
      %dma_wait3A_404 = arith.constant 0 : i32
      %dma_wait3A_405 = tpu.memref_slice %arg11[%select_n3A_403, %dma_wait3A, %dma_wait3A_404] : memref<3x80x128xf32, #tpu.memory_space<vmem>> -> memref<1x80x128xf32, #tpu.memory_space<vmem>>
      %dma_wait3A_406 = tpu.memref_squeeze %dma_wait3A_405 : memref<1x80x128xf32, #tpu.memory_space<vmem>> -> memref<80x128xf32, #tpu.memory_space<vmem>>
      %dma_wait3A_407 = arith.constant 0 : i32
      %dma_wait3A_408 = arith.constant 0 : i32
      %dma_wait3A_409 = tpu.memref_slice %arg2[%dma_wait3A_407, %dma_wait3A_408] : memref<10001x128xf32, #tpu.memory_space<hbm>> -> memref<80x128xf32, #tpu.memory_space<hbm>>
      %dma_wait3A_410 = tpu.memref_slice %arg17[%select_n3A_403] : memref<3x!tpu.dma_semaphore, #tpu.memory_space<semaphore_mem>> -> memref<1x!tpu.dma_semaphore, #tpu.memory_space<semaphore_mem>>
      %dma_wait3A_411 = tpu.memref_squeeze %dma_wait3A_410 : memref<1x!tpu.dma_semaphore, #tpu.memory_space<semaphore_mem>> -> memref<!tpu.dma_semaphore, #tpu.memory_space<semaphore_mem>>
      %dma_wait3A_412 = arith.constant 0 : i32
      %dma_wait3A_413 = arith.constant 0 : i32
      %dma_wait3A_414 = tpu.memref_slice %arg11[%select_n3A_403, %dma_wait3A_412, %dma_wait3A_413] : memref<3x80x128xf32, #tpu.memory_space<vmem>> -> memref<1x80x128xf32, #tpu.memory_space<vmem>>
      %dma_wait3A_415 = tpu.memref_squeeze %dma_wait3A_414 : memref<1x80x128xf32, #tpu.memory_space<vmem>> -> memref<80x128xf32, #tpu.memory_space<vmem>>
      %dma_wait3A_416 = arith.constant 0 : i32
      %dma_wait3A_417 = arith.constant 0 : i32
      %dma_wait3A_418 = tpu.memref_slice %arg2[%dma_wait3A_416, %dma_wait3A_417] : memref<10001x128xf32, #tpu.memory_space<hbm>> -> memref<80x128xf32, #tpu.memory_space<hbm>>
      tpu.wait_dma2 semaphore(%dma_wait3A_411 : memref<!tpu.dma_semaphore, #tpu.memory_space<semaphore_mem>>) src(%dma_wait3A_418 : memref<80x128xf32, #tpu.memory_space<hbm>>) dst(%dma_wait3A_415 : memref<80x128xf32, #tpu.memory_space<vmem>>)
      %mul3A_419 = arith.constant 80 : i32
      %mul3A_420 = arith.muli %while3A_388, %mul3A_419 : i32
      %dma_start3A_421 = arith.constant 0 : i32
      %dma_start3A_422 = arith.constant 0 : i32
      %dma_start3A_423 = tpu.memref_slice %arg11[%select_n3A_403, %dma_start3A_421, %dma_start3A_422] : memref<3x80x128xf32, #tpu.memory_space<vmem>> -> memref<1x80x128xf32, #tpu.memory_space<vmem>>
      %dma_start3A_424 = tpu.memref_squeeze %dma_start3A_423 : memref<1x80x128xf32, #tpu.memory_space<vmem>> -> memref<80x128xf32, #tpu.memory_space<vmem>>
      %dma_start3A_425 = tpu.memref_slice %arg10[%mul3A_420] : memref<10080xi32, #tpu.memory_space<vmem>> -> memref<80xi32, #tpu.memory_space<vmem>>
      %dma_start3A_426 = arith.constant 0 : i32
      %dma_start3A_427 = arith.constant 0 : i32
      %dma_start3A_428 = tpu.memref_slice %arg15[%dma_start3A_426, %dma_start3A_427] : memref<5120x128xf32, #tpu.memory_space<vmem_shared>> -> memref<5120x128xf32, #tpu.memory_space<vmem_shared>>
      %dma_start3A_429 = tpu.memref_slice %arg18[%select_n3A_403] : memref<3x!tpu.dma_semaphore, #tpu.memory_space<semaphore_mem>> -> memref<1x!tpu.dma_semaphore, #tpu.memory_space<semaphore_mem>>
      %dma_start3A_430 = tpu.memref_squeeze %dma_start3A_429 : memref<1x!tpu.dma_semaphore, #tpu.memory_space<semaphore_mem>> -> memref<!tpu.dma_semaphore, #tpu.memory_space<semaphore_mem>>
      tpu.enqueue_indirect_dma source(%dma_start3A_424 : memref<80x128xf32, #tpu.memory_space<vmem>>) target(%dma_start3A_428 : memref<5120x128xf32, #tpu.memory_space<vmem_shared>>) offsets(%dma_start3A_425 : memref<80xi32, #tpu.memory_space<vmem>>) semaphore(%dma_start3A_430 : memref<!tpu.dma_semaphore, #tpu.memory_space<semaphore_mem>>) {add = true}
      %sub3A_431 = arith.constant 1 : i32
      %sub3A_432 = arith.subi %max3A_127, %sub3A_431 : i32
      %ne3A_433 = arith.cmpi ne, %while3A_388, %sub3A_432 : i32
      %convert_element_type3A = arith.extui %ne3A_433 : i1 to i32
      %cond3A = arith.constant 0 : i32
      %cond3A_434 = arith.cmpi ne, %convert_element_type3A, %cond3A : i32
      scf.if %cond3A_434 {
        %mul3A_448 = arith.constant 80 : i32
        %mul3A_449 = arith.muli %while3A_388, %mul3A_448 : i32
        %dma_start3A_450 = tpu.memref_slice %arg10[%mul3A_449] : memref<10080xi32, #tpu.memory_space<vmem>> -> memref<80xi32, #tpu.memory_space<vmem>>
        %dma_start3A_451 = arith.constant 0 : i32
        %dma_start3A_452 = arith.constant 0 : i32
        %dma_start3A_453 = tpu.memref_slice %arg16[%dma_start3A_451, %dma_start3A_452] : memref<5120x16xf32, #tpu.memory_space<vmem_shared>> -> memref<5120x16xf32, #tpu.memory_space<vmem_shared>>
        tpu.enqueue_indirect_dma source(%arg12 : memref<80x16xf32, #tpu.memory_space<vmem>>) target(%dma_start3A_453 : memref<5120x16xf32, #tpu.memory_space<vmem_shared>>) offsets(%dma_start3A_450 : memref<80xi32, #tpu.memory_space<vmem>>) semaphore(%arg19 : memref<!tpu.dma_semaphore, #tpu.memory_space<semaphore_mem>>) {add = true}
      } else {
      }
      %sub3A_435 = arith.constant 1 : i32
      %sub3A_436 = arith.subi %max3A_127, %sub3A_435 : i32
      %eq3A_437 = arith.cmpi eq, %while3A_388, %sub3A_436 : i32
      %convert_element_type3A_438 = arith.extui %eq3A_437 : i1 to i32
      %cond3A_439 = arith.constant 0 : i32
      %cond3A_440 = arith.cmpi ne, %convert_element_type3A_438, %cond3A_439 : i32
      scf.if %cond3A_440 {
        %mul3A_448 = arith.constant 80 : i32
        %mul3A_449 = arith.muli %while3A_388, %mul3A_448 : i32
        %dma_start3A_450 = tpu.memref_slice %arg10[%mul3A_449] : memref<10080xi32, #tpu.memory_space<vmem>> -> memref<80xi32, #tpu.memory_space<vmem>>
        %dma_start3A_451 = arith.constant 0 : i32
        %dma_start3A_452 = arith.constant 0 : i32
        %dma_start3A_453 = tpu.memref_slice %arg16[%dma_start3A_451, %dma_start3A_452] : memref<5120x16xf32, #tpu.memory_space<vmem_shared>> -> memref<5120x16xf32, #tpu.memory_space<vmem_shared>>
        tpu.enqueue_indirect_dma source(%arg13 : memref<80x16xf32, #tpu.memory_space<vmem>>) target(%dma_start3A_453 : memref<5120x16xf32, #tpu.memory_space<vmem_shared>>) offsets(%dma_start3A_450 : memref<80xi32, #tpu.memory_space<vmem>>) semaphore(%arg19 : memref<!tpu.dma_semaphore, #tpu.memory_space<semaphore_mem>>) {add = true}
      } else {
      }
      %add3A_441 = arith.constant 1 : i32
      %add3A_442 = arith.addi %while3A_388, %add3A_441 : i32
      %lt3A_443 = arith.cmpi slt, %add3A_442, %max3A_127 : i32
      %convert_element_type3A_444 = arith.extui %lt3A_443 : i1 to i32
      %cond3A_445 = arith.constant 0 : i32
      %cond3A_446 = arith.cmpi ne, %convert_element_type3A_444, %cond3A_445 : i32
      scf.if %cond3A_446 {
        %ge3A = arith.constant 2 : i32
        %ge3A_448 = arith.cmpi sge, %while3A_388, %ge3A : i32
        %convert_element_type3A_449 = arith.extui %ge3A_448 : i1 to i32
        %cond3A_450 = arith.constant 0 : i32
        %cond3A_451 = arith.cmpi ne, %convert_element_type3A_449, %cond3A_450 : i32
        scf.if %cond3A_451 {
          %add3A_484 = arith.constant 1 : i32
          %add3A_485 = arith.addi %while3A_388, %add3A_484 : i32
          %sub3A_486 = arith.constant 3 : i32
          %sub3A_487 = arith.subi %add3A_485, %sub3A_486 : i32
          %jit3A_488 = arith.constant 3 : i32
          %eq3A_489 = arith.constant 0 : i32
          %eq3A_490 = arith.cmpi eq, %jit3A_488, %eq3A_489 : i32
          %jit3A_491 = arith.constant 1 : i32
          %select_n3A_492 = arith.select %eq3A_490, %jit3A_491, %jit3A_488 : i32
          %rem3A_493 = arith.remsi %sub3A_487, %select_n3A_492 : i32
          %ne3A_494 = arith.constant 0 : i32
          %ne3A_495 = arith.cmpi ne, %rem3A_493, %ne3A_494 : i32
          %lt3A_496 = arith.constant 0 : i32
          %lt3A_497 = arith.cmpi slt, %rem3A_493, %lt3A_496 : i32
          %lt3A_498 = arith.constant 0 : i32
          %lt3A_499 = arith.cmpi slt, %select_n3A_492, %lt3A_498 : i32
          %ne3A_500 = arith.xori %lt3A_497, %lt3A_499 : i1
          %and3A_501 = arith.andi %ne3A_500, %ne3A_495 : i1
          %add3A_502 = arith.addi %rem3A_493, %select_n3A_492 : i32
          %select_n3A_503 = arith.select %and3A_501, %add3A_502, %rem3A_493 : i32
          %mul3A_504 = arith.constant 80 : i32
          %mul3A_505 = arith.muli %sub3A_487, %mul3A_504 : i32
          %dma_wait3A_506 = arith.constant 0 : i32
          %dma_wait3A_507 = arith.constant 0 : i32
          %dma_wait3A_508 = tpu.memref_slice %arg11[%select_n3A_503, %dma_wait3A_506, %dma_wait3A_507] : memref<3x80x128xf32, #tpu.memory_space<vmem>> -> memref<1x80x128xf32, #tpu.memory_space<vmem>>
          %dma_wait3A_509 = tpu.memref_squeeze %dma_wait3A_508 : memref<1x80x128xf32, #tpu.memory_space<vmem>> -> memref<80x128xf32, #tpu.memory_space<vmem>>
          %dma_wait3A_510 = tpu.memref_slice %arg10[%mul3A_505] : memref<10080xi32, #tpu.memory_space<vmem>> -> memref<80xi32, #tpu.memory_space<vmem>>
          %dma_wait3A_511 = arith.constant 0 : i32
          %dma_wait3A_512 = arith.constant 0 : i32
          %dma_wait3A_513 = tpu.memref_slice %arg15[%dma_wait3A_511, %dma_wait3A_512] : memref<5120x128xf32, #tpu.memory_space<vmem_shared>> -> memref<5120x128xf32, #tpu.memory_space<vmem_shared>>
          %dma_wait3A_514 = tpu.memref_slice %arg18[%select_n3A_503] : memref<3x!tpu.dma_semaphore, #tpu.memory_space<semaphore_mem>> -> memref<1x!tpu.dma_semaphore, #tpu.memory_space<semaphore_mem>>
          %dma_wait3A_515 = tpu.memref_squeeze %dma_wait3A_514 : memref<1x!tpu.dma_semaphore, #tpu.memory_space<semaphore_mem>> -> memref<!tpu.dma_semaphore, #tpu.memory_space<semaphore_mem>>
          tpu.wait_indirect_dma semaphore(%dma_wait3A_515 : memref<!tpu.dma_semaphore, #tpu.memory_space<semaphore_mem>>) src(%dma_wait3A_509 : memref<80x128xf32, #tpu.memory_space<vmem>>) dst(%dma_wait3A_513 : memref<5120x128xf32, #tpu.memory_space<vmem_shared>>)
        } else {
        }
        %add3A_452 = arith.constant 1 : i32
        %add3A_453 = arith.addi %while3A_388, %add3A_452 : i32
        %add3A_454 = arith.constant 1 : i32
        %add3A_455 = arith.addi %while3A_388, %add3A_454 : i32
        %jit3A_456 = arith.constant 3 : i32
        %eq3A_457 = arith.constant 0 : i32
        %eq3A_458 = arith.cmpi eq, %jit3A_456, %eq3A_457 : i32
        %jit3A_459 = arith.constant 1 : i32
        %select_n3A_460 = arith.select %eq3A_458, %jit3A_459, %jit3A_456 : i32
        %rem3A_461 = arith.remsi %add3A_455, %select_n3A_460 : i32
        %ne3A_462 = arith.constant 0 : i32
        %ne3A_463 = arith.cmpi ne, %rem3A_461, %ne3A_462 : i32
        %lt3A_464 = arith.constant 0 : i32
        %lt3A_465 = arith.cmpi slt, %rem3A_461, %lt3A_464 : i32
        %lt3A_466 = arith.constant 0 : i32
        %lt3A_467 = arith.cmpi slt, %select_n3A_460, %lt3A_466 : i32
        %ne3A_468 = arith.xori %lt3A_465, %lt3A_467 : i1
        %and3A_469 = arith.andi %ne3A_468, %ne3A_463 : i1
        %add3A_470 = arith.addi %rem3A_461, %select_n3A_460 : i32
        %select_n3A_471 = arith.select %and3A_469, %add3A_470, %rem3A_461 : i32
        %mul3A_472 = arith.constant 80 : i32
        %mul3A_473 = arith.muli %add3A_453, %mul3A_472 : i32
        %dma_start3A_474 = arith.constant 0 : i32
        %dma_start3A_475 = arith.constant 0 : i32
        %dma_start3A_476 = tpu.memref_slice %arg11[%select_n3A_471, %dma_start3A_474, %dma_start3A_475] : memref<3x80x128xf32, #tpu.memory_space<vmem>> -> memref<1x80x128xf32, #tpu.memory_space<vmem>>
        %dma_start3A_477 = tpu.memref_squeeze %dma_start3A_476 : memref<1x80x128xf32, #tpu.memory_space<vmem>> -> memref<80x128xf32, #tpu.memory_space<vmem>>
        %dma_start3A_478 = tpu.memref_slice %arg9[%mul3A_473] : memref<10080xi32, #tpu.memory_space<vmem>> -> memref<80xi32, #tpu.memory_space<vmem>>
        %dma_start3A_479 = arith.constant 0 : i32
        %dma_start3A_480 = arith.constant 0 : i32
        %dma_start3A_481 = tpu.memref_slice %arg2[%dma_start3A_479, %dma_start3A_480] : memref<10001x128xf32, #tpu.memory_space<hbm>> -> memref<10001x128xf32, #tpu.memory_space<hbm>>
        %dma_start3A_482 = tpu.memref_slice %arg17[%select_n3A_471] : memref<3x!tpu.dma_semaphore, #tpu.memory_space<semaphore_mem>> -> memref<1x!tpu.dma_semaphore, #tpu.memory_space<semaphore_mem>>
        %dma_start3A_483 = tpu.memref_squeeze %dma_start3A_482 : memref<1x!tpu.dma_semaphore, #tpu.memory_space<semaphore_mem>> -> memref<!tpu.dma_semaphore, #tpu.memory_space<semaphore_mem>>
        tpu.enqueue_indirect_dma source(%dma_start3A_481 : memref<10001x128xf32, #tpu.memory_space<hbm>>) target(%dma_start3A_477 : memref<80x128xf32, #tpu.memory_space<vmem>>) offsets(%dma_start3A_478 : memref<80xi32, #tpu.memory_space<vmem>>) semaphore(%dma_start3A_483 : memref<!tpu.dma_semaphore, #tpu.memory_space<semaphore_mem>>)
      } else {
      }
      %while3A_447 = arith.constant 0 : i32
      scf.yield %while3A_447 : i32
    }
    %while3A_161 = arith.constant 1 : i32
    %while3A_162 = scf.for %while3A_388 = %while3A_158 to %while3A_154 step %while3A_161 iter_args(%while3A_389 = %while3A_160) -> (i32)  : i32 {
      %jit3A_390 = arith.constant 3 : i32
      %eq3A = arith.constant 0 : i32
      %eq3A_391 = arith.cmpi eq, %jit3A_390, %eq3A : i32
      %jit3A_392 = arith.constant 1 : i32
      %select_n3A_393 = arith.select %eq3A_391, %jit3A_392, %jit3A_390 : i32
      %rem3A_394 = arith.remsi %while3A_388, %select_n3A_393 : i32
      %ne3A_395 = arith.constant 0 : i32
      %ne3A_396 = arith.cmpi ne, %rem3A_394, %ne3A_395 : i32
      %lt3A = arith.constant 0 : i32
      %lt3A_397 = arith.cmpi slt, %rem3A_394, %lt3A : i32
      %lt3A_398 = arith.constant 0 : i32
      %lt3A_399 = arith.cmpi slt, %select_n3A_393, %lt3A_398 : i32
      %ne3A_400 = arith.xori %lt3A_397, %lt3A_399 : i1
      %and3A_401 = arith.andi %ne3A_400, %ne3A_396 : i1
      %add3A_402 = arith.addi %rem3A_394, %select_n3A_393 : i32
      %select_n3A_403 = arith.select %and3A_401, %add3A_402, %rem3A_394 : i32
      %dma_wait3A = arith.constant 0 : i32
      %dma_wait3A_404 = arith.constant 0 : i32
      %dma_wait3A_405 = tpu.memref_slice %arg11[%select_n3A_403, %dma_wait3A, %dma_wait3A_404] : memref<3x80x128xf32, #tpu.memory_space<vmem>> -> memref<1x80x128xf32, #tpu.memory_space<vmem>>
      %dma_wait3A_406 = tpu.memref_squeeze %dma_wait3A_405 : memref<1x80x128xf32, #tpu.memory_space<vmem>> -> memref<80x128xf32, #tpu.memory_space<vmem>>
      %dma_wait3A_407 = arith.constant 0 : i32
      %dma_wait3A_408 = arith.constant 0 : i32
      %dma_wait3A_409 = tpu.memref_slice %arg2[%dma_wait3A_407, %dma_wait3A_408] : memref<10001x128xf32, #tpu.memory_space<hbm>> -> memref<80x128xf32, #tpu.memory_space<hbm>>
      %dma_wait3A_410 = tpu.memref_slice %arg17[%select_n3A_403] : memref<3x!tpu.dma_semaphore, #tpu.memory_space<semaphore_mem>> -> memref<1x!tpu.dma_semaphore, #tpu.memory_space<semaphore_mem>>
      %dma_wait3A_411 = tpu.memref_squeeze %dma_wait3A_410 : memref<1x!tpu.dma_semaphore, #tpu.memory_space<semaphore_mem>> -> memref<!tpu.dma_semaphore, #tpu.memory_space<semaphore_mem>>
      %dma_wait3A_412 = arith.constant 0 : i32
      %dma_wait3A_413 = arith.constant 0 : i32
      %dma_wait3A_414 = tpu.memref_slice %arg11[%select_n3A_403, %dma_wait3A_412, %dma_wait3A_413] : memref<3x80x128xf32, #tpu.memory_space<vmem>> -> memref<1x80x128xf32, #tpu.memory_space<vmem>>
      %dma_wait3A_415 = tpu.memref_squeeze %dma_wait3A_414 : memref<1x80x128xf32, #tpu.memory_space<vmem>> -> memref<80x128xf32, #tpu.memory_space<vmem>>
      %dma_wait3A_416 = arith.constant 0 : i32
      %dma_wait3A_417 = arith.constant 0 : i32
      %dma_wait3A_418 = tpu.memref_slice %arg2[%dma_wait3A_416, %dma_wait3A_417] : memref<10001x128xf32, #tpu.memory_space<hbm>> -> memref<80x128xf32, #tpu.memory_space<hbm>>
      tpu.wait_dma2 semaphore(%dma_wait3A_411 : memref<!tpu.dma_semaphore, #tpu.memory_space<semaphore_mem>>) src(%dma_wait3A_418 : memref<80x128xf32, #tpu.memory_space<hbm>>) dst(%dma_wait3A_415 : memref<80x128xf32, #tpu.memory_space<vmem>>)
      %mul3A_419 = arith.constant 80 : i32
      %mul3A_420 = arith.muli %while3A_388, %mul3A_419 : i32
      %dma_start3A_421 = arith.constant 0 : i32
      %dma_start3A_422 = arith.constant 0 : i32
      %dma_start3A_423 = tpu.memref_slice %arg11[%select_n3A_403, %dma_start3A_421, %dma_start3A_422] : memref<3x80x128xf32, #tpu.memory_space<vmem>> -> memref<1x80x128xf32, #tpu.memory_space<vmem>>
      %dma_start3A_424 = tpu.memref_squeeze %dma_start3A_423 : memref<1x80x128xf32, #tpu.memory_space<vmem>> -> memref<80x128xf32, #tpu.memory_space<vmem>>
      %dma_start3A_425 = tpu.memref_slice %arg10[%mul3A_420] : memref<10080xi32, #tpu.memory_space<vmem>> -> memref<80xi32, #tpu.memory_space<vmem>>
      %dma_start3A_426 = arith.constant 0 : i32
      %dma_start3A_427 = arith.constant 0 : i32
      %dma_start3A_428 = tpu.memref_slice %arg15[%dma_start3A_426, %dma_start3A_427] : memref<5120x128xf32, #tpu.memory_space<vmem_shared>> -> memref<5120x128xf32, #tpu.memory_space<vmem_shared>>
      %dma_start3A_429 = tpu.memref_slice %arg18[%select_n3A_403] : memref<3x!tpu.dma_semaphore, #tpu.memory_space<semaphore_mem>> -> memref<1x!tpu.dma_semaphore, #tpu.memory_space<semaphore_mem>>
      %dma_start3A_430 = tpu.memref_squeeze %dma_start3A_429 : memref<1x!tpu.dma_semaphore, #tpu.memory_space<semaphore_mem>> -> memref<!tpu.dma_semaphore, #tpu.memory_space<semaphore_mem>>
      tpu.enqueue_indirect_dma source(%dma_start3A_424 : memref<80x128xf32, #tpu.memory_space<vmem>>) target(%dma_start3A_428 : memref<5120x128xf32, #tpu.memory_space<vmem_shared>>) offsets(%dma_start3A_425 : memref<80xi32, #tpu.memory_space<vmem>>) semaphore(%dma_start3A_430 : memref<!tpu.dma_semaphore, #tpu.memory_space<semaphore_mem>>) {add = true}
      %sub3A_431 = arith.constant 1 : i32
      %sub3A_432 = arith.subi %max3A_127, %sub3A_431 : i32
      %ne3A_433 = arith.cmpi ne, %while3A_388, %sub3A_432 : i32
      %convert_element_type3A = arith.extui %ne3A_433 : i1 to i32
      %cond3A = arith.constant 0 : i32
      %cond3A_434 = arith.cmpi ne, %convert_element_type3A, %cond3A : i32
      scf.if %cond3A_434 {
        %mul3A_448 = arith.constant 80 : i32
        %mul3A_449 = arith.muli %while3A_388, %mul3A_448 : i32
        %dma_start3A_450 = tpu.memref_slice %arg10[%mul3A_449] : memref<10080xi32, #tpu.memory_space<vmem>> -> memref<80xi32, #tpu.memory_space<vmem>>
        %dma_start3A_451 = arith.constant 0 : i32
        %dma_start3A_452 = arith.constant 0 : i32
        %dma_start3A_453 = tpu.memref_slice %arg16[%dma_start3A_451, %dma_start3A_452] : memref<5120x16xf32, #tpu.memory_space<vmem_shared>> -> memref<5120x16xf32, #tpu.memory_space<vmem_shared>>
        tpu.enqueue_indirect_dma source(%arg12 : memref<80x16xf32, #tpu.memory_space<vmem>>) target(%dma_start3A_453 : memref<5120x16xf32, #tpu.memory_space<vmem_shared>>) offsets(%dma_start3A_450 : memref<80xi32, #tpu.memory_space<vmem>>) semaphore(%arg19 : memref<!tpu.dma_semaphore, #tpu.memory_space<semaphore_mem>>) {add = true}
      } else {
      }
      %sub3A_435 = arith.constant 1 : i32
      %sub3A_436 = arith.subi %max3A_127, %sub3A_435 : i32
      %eq3A_437 = arith.cmpi eq, %while3A_388, %sub3A_436 : i32
      %convert_element_type3A_438 = arith.extui %eq3A_437 : i1 to i32
      %cond3A_439 = arith.constant 0 : i32
      %cond3A_440 = arith.cmpi ne, %convert_element_type3A_438, %cond3A_439 : i32
      scf.if %cond3A_440 {
        %mul3A_448 = arith.constant 80 : i32
        %mul3A_449 = arith.muli %while3A_388, %mul3A_448 : i32
        %dma_start3A_450 = tpu.memref_slice %arg10[%mul3A_449] : memref<10080xi32, #tpu.memory_space<vmem>> -> memref<80xi32, #tpu.memory_space<vmem>>
        %dma_start3A_451 = arith.constant 0 : i32
        %dma_start3A_452 = arith.constant 0 : i32
        %dma_start3A_453 = tpu.memref_slice %arg16[%dma_start3A_451, %dma_start3A_452] : memref<5120x16xf32, #tpu.memory_space<vmem_shared>> -> memref<5120x16xf32, #tpu.memory_space<vmem_shared>>
        tpu.enqueue_indirect_dma source(%arg13 : memref<80x16xf32, #tpu.memory_space<vmem>>) target(%dma_start3A_453 : memref<5120x16xf32, #tpu.memory_space<vmem_shared>>) offsets(%dma_start3A_450 : memref<80xi32, #tpu.memory_space<vmem>>) semaphore(%arg19 : memref<!tpu.dma_semaphore, #tpu.memory_space<semaphore_mem>>) {add = true}
      } else {
      }
      %add3A_441 = arith.constant 1 : i32
      %add3A_442 = arith.addi %while3A_388, %add3A_441 : i32
      %lt3A_443 = arith.cmpi slt, %add3A_442, %max3A_127 : i32
      %convert_element_type3A_444 = arith.extui %lt3A_443 : i1 to i32
      %cond3A_445 = arith.constant 0 : i32
      %cond3A_446 = arith.cmpi ne, %convert_element_type3A_444, %cond3A_445 : i32
      scf.if %cond3A_446 {
        %ge3A = arith.constant 2 : i32
        %ge3A_448 = arith.cmpi sge, %while3A_388, %ge3A : i32
        %convert_element_type3A_449 = arith.extui %ge3A_448 : i1 to i32
        %cond3A_450 = arith.constant 0 : i32
        %cond3A_451 = arith.cmpi ne, %convert_element_type3A_449, %cond3A_450 : i32
        scf.if %cond3A_451 {
          %add3A_484 = arith.constant 1 : i32
          %add3A_485 = arith.addi %while3A_388, %add3A_484 : i32
          %sub3A_486 = arith.constant 3 : i32
          %sub3A_487 = arith.subi %add3A_485, %sub3A_486 : i32
          %jit3A_488 = arith.constant 3 : i32
          %eq3A_489 = arith.constant 0 : i32
          %eq3A_490 = arith.cmpi eq, %jit3A_488, %eq3A_489 : i32
          %jit3A_491 = arith.constant 1 : i32
          %select_n3A_492 = arith.select %eq3A_490, %jit3A_491, %jit3A_488 : i32
          %rem3A_493 = arith.remsi %sub3A_487, %select_n3A_492 : i32
          %ne3A_494 = arith.constant 0 : i32
          %ne3A_495 = arith.cmpi ne, %rem3A_493, %ne3A_494 : i32
          %lt3A_496 = arith.constant 0 : i32
          %lt3A_497 = arith.cmpi slt, %rem3A_493, %lt3A_496 : i32
          %lt3A_498 = arith.constant 0 : i32
          %lt3A_499 = arith.cmpi slt, %select_n3A_492, %lt3A_498 : i32
          %ne3A_500 = arith.xori %lt3A_497, %lt3A_499 : i1
          %and3A_501 = arith.andi %ne3A_500, %ne3A_495 : i1
          %add3A_502 = arith.addi %rem3A_493, %select_n3A_492 : i32
          %select_n3A_503 = arith.select %and3A_501, %add3A_502, %rem3A_493 : i32
          %mul3A_504 = arith.constant 80 : i32
          %mul3A_505 = arith.muli %sub3A_487, %mul3A_504 : i32
          %dma_wait3A_506 = arith.constant 0 : i32
          %dma_wait3A_507 = arith.constant 0 : i32
          %dma_wait3A_508 = tpu.memref_slice %arg11[%select_n3A_503, %dma_wait3A_506, %dma_wait3A_507] : memref<3x80x128xf32, #tpu.memory_space<vmem>> -> memref<1x80x128xf32, #tpu.memory_space<vmem>>
          %dma_wait3A_509 = tpu.memref_squeeze %dma_wait3A_508 : memref<1x80x128xf32, #tpu.memory_space<vmem>> -> memref<80x128xf32, #tpu.memory_space<vmem>>
          %dma_wait3A_510 = tpu.memref_slice %arg10[%mul3A_505] : memref<10080xi32, #tpu.memory_space<vmem>> -> memref<80xi32, #tpu.memory_space<vmem>>
          %dma_wait3A_511 = arith.constant 0 : i32
          %dma_wait3A_512 = arith.constant 0 : i32
          %dma_wait3A_513 = tpu.memref_slice %arg15[%dma_wait3A_511, %dma_wait3A_512] : memref<5120x128xf32, #tpu.memory_space<vmem_shared>> -> memref<5120x128xf32, #tpu.memory_space<vmem_shared>>
          %dma_wait3A_514 = tpu.memref_slice %arg18[%select_n3A_503] : memref<3x!tpu.dma_semaphore, #tpu.memory_space<semaphore_mem>> -> memref<1x!tpu.dma_semaphore, #tpu.memory_space<semaphore_mem>>
          %dma_wait3A_515 = tpu.memref_squeeze %dma_wait3A_514 : memref<1x!tpu.dma_semaphore, #tpu.memory_space<semaphore_mem>> -> memref<!tpu.dma_semaphore, #tpu.memory_space<semaphore_mem>>
          tpu.wait_indirect_dma semaphore(%dma_wait3A_515 : memref<!tpu.dma_semaphore, #tpu.memory_space<semaphore_mem>>) src(%dma_wait3A_509 : memref<80x128xf32, #tpu.memory_space<vmem>>) dst(%dma_wait3A_513 : memref<5120x128xf32, #tpu.memory_space<vmem_shared>>)
        } else {
        }
        %add3A_452 = arith.constant 1 : i32
        %add3A_453 = arith.addi %while3A_388, %add3A_452 : i32
        %add3A_454 = arith.constant 1 : i32
        %add3A_455 = arith.addi %while3A_388, %add3A_454 : i32
        %jit3A_456 = arith.constant 3 : i32
        %eq3A_457 = arith.constant 0 : i32
        %eq3A_458 = arith.cmpi eq, %jit3A_456, %eq3A_457 : i32
        %jit3A_459 = arith.constant 1 : i32
        %select_n3A_460 = arith.select %eq3A_458, %jit3A_459, %jit3A_456 : i32
        %rem3A_461 = arith.remsi %add3A_455, %select_n3A_460 : i32
        %ne3A_462 = arith.constant 0 : i32
        %ne3A_463 = arith.cmpi ne, %rem3A_461, %ne3A_462 : i32
        %lt3A_464 = arith.constant 0 : i32
        %lt3A_465 = arith.cmpi slt, %rem3A_461, %lt3A_464 : i32
        %lt3A_466 = arith.constant 0 : i32
        %lt3A_467 = arith.cmpi slt, %select_n3A_460, %lt3A_466 : i32
        %ne3A_468 = arith.xori %lt3A_465, %lt3A_467 : i1
        %and3A_469 = arith.andi %ne3A_468, %ne3A_463 : i1
        %add3A_470 = arith.addi %rem3A_461, %select_n3A_460 : i32
        %select_n3A_471 = arith.select %and3A_469, %add3A_470, %rem3A_461 : i32
        %mul3A_472 = arith.constant 80 : i32
        %mul3A_473 = arith.muli %add3A_453, %mul3A_472 : i32
        %dma_start3A_474 = arith.constant 0 : i32
        %dma_start3A_475 = arith.constant 0 : i32
        %dma_start3A_476 = tpu.memref_slice %arg11[%select_n3A_471, %dma_start3A_474, %dma_start3A_475] : memref<3x80x128xf32, #tpu.memory_space<vmem>> -> memref<1x80x128xf32, #tpu.memory_space<vmem>>
        %dma_start3A_477 = tpu.memref_squeeze %dma_start3A_476 : memref<1x80x128xf32, #tpu.memory_space<vmem>> -> memref<80x128xf32, #tpu.memory_space<vmem>>
        %dma_start3A_478 = tpu.memref_slice %arg9[%mul3A_473] : memref<10080xi32, #tpu.memory_space<vmem>> -> memref<80xi32, #tpu.memory_space<vmem>>
        %dma_start3A_479 = arith.constant 0 : i32
        %dma_start3A_480 = arith.constant 0 : i32
        %dma_start3A_481 = tpu.memref_slice %arg2[%dma_start3A_479, %dma_start3A_480] : memref<10001x128xf32, #tpu.memory_space<hbm>> -> memref<10001x128xf32, #tpu.memory_space<hbm>>
        %dma_start3A_482 = tpu.memref_slice %arg17[%select_n3A_471] : memref<3x!tpu.dma_semaphore, #tpu.memory_space<semaphore_mem>> -> memref<1x!tpu.dma_semaphore, #tpu.memory_space<semaphore_mem>>
        %dma_start3A_483 = tpu.memref_squeeze %dma_start3A_482 : memref<1x!tpu.dma_semaphore, #tpu.memory_space<semaphore_mem>> -> memref<!tpu.dma_semaphore, #tpu.memory_space<semaphore_mem>>
        tpu.enqueue_indirect_dma source(%dma_start3A_481 : memref<10001x128xf32, #tpu.memory_space<hbm>>) target(%dma_start3A_477 : memref<80x128xf32, #tpu.memory_space<vmem>>) offsets(%dma_start3A_478 : memref<80xi32, #tpu.memory_space<vmem>>) semaphore(%dma_start3A_483 : memref<!tpu.dma_semaphore, #tpu.memory_space<semaphore_mem>>)
      } else {
      }
      %while3A_447 = arith.constant 0 : i32
      scf.yield %while3A_447 : i32
    }
    %min3A = arith.constant 3 : i32
    %min3A_163 = arith.minsi %max3A_127, %min3A : i32
    %while3A_164 = arith.constant 0 : i32
    %while3A_165 = arith.constant 0 : i32
    %while3A_166 = arith.subi %min3A_163, %while3A_164 : i32
    %while3A_167 = arith.addi %while3A_164, %while3A_166 : i32
    %while3A_168 = arith.constant 1 : i32
    %while3A_169 = arith.divsi %while3A_166, %while3A_168 : i32
    %while3A_170 = arith.muli %while3A_169, %while3A_168 : i32
    %while3A_171 = arith.addi %while3A_164, %while3A_170 : i32
    %while3A_172 = arith.constant 1 : i32
    %while3A_173 = scf.for %while3A_388 = %while3A_164 to %while3A_171 step %while3A_172 iter_args(%while3A_389 = %while3A_165) -> (i32)  : i32 {
      %sub3A_390 = arith.subi %max3A_127, %min3A_163 : i32
      %add3A_391 = arith.addi %sub3A_390, %while3A_388 : i32
      %jit3A_392 = arith.constant 3 : i32
      %eq3A = arith.constant 0 : i32
      %eq3A_393 = arith.cmpi eq, %jit3A_392, %eq3A : i32
      %jit3A_394 = arith.constant 1 : i32
      %select_n3A_395 = arith.select %eq3A_393, %jit3A_394, %jit3A_392 : i32
      %rem3A_396 = arith.remsi %add3A_391, %select_n3A_395 : i32
      %ne3A_397 = arith.constant 0 : i32
      %ne3A_398 = arith.cmpi ne, %rem3A_396, %ne3A_397 : i32
      %lt3A = arith.constant 0 : i32
      %lt3A_399 = arith.cmpi slt, %rem3A_396, %lt3A : i32
      %lt3A_400 = arith.constant 0 : i32
      %lt3A_401 = arith.cmpi slt, %select_n3A_395, %lt3A_400 : i32
      %ne3A_402 = arith.xori %lt3A_399, %lt3A_401 : i1
      %and3A_403 = arith.andi %ne3A_402, %ne3A_398 : i1
      %add3A_404 = arith.addi %rem3A_396, %select_n3A_395 : i32
      %select_n3A_405 = arith.select %and3A_403, %add3A_404, %rem3A_396 : i32
      %mul3A_406 = arith.constant 80 : i32
      %mul3A_407 = arith.muli %add3A_391, %mul3A_406 : i32
      %dma_wait3A = arith.constant 0 : i32
      %dma_wait3A_408 = arith.constant 0 : i32
      %dma_wait3A_409 = tpu.memref_slice %arg11[%select_n3A_405, %dma_wait3A, %dma_wait3A_408] : memref<3x80x128xf32, #tpu.memory_space<vmem>> -> memref<1x80x128xf32, #tpu.memory_space<vmem>>
      %dma_wait3A_410 = tpu.memref_squeeze %dma_wait3A_409 : memref<1x80x128xf32, #tpu.memory_space<vmem>> -> memref<80x128xf32, #tpu.memory_space<vmem>>
      %dma_wait3A_411 = tpu.memref_slice %arg10[%mul3A_407] : memref<10080xi32, #tpu.memory_space<vmem>> -> memref<80xi32, #tpu.memory_space<vmem>>
      %dma_wait3A_412 = arith.constant 0 : i32
      %dma_wait3A_413 = arith.constant 0 : i32
      %dma_wait3A_414 = tpu.memref_slice %arg15[%dma_wait3A_412, %dma_wait3A_413] : memref<5120x128xf32, #tpu.memory_space<vmem_shared>> -> memref<5120x128xf32, #tpu.memory_space<vmem_shared>>
      %dma_wait3A_415 = tpu.memref_slice %arg18[%select_n3A_405] : memref<3x!tpu.dma_semaphore, #tpu.memory_space<semaphore_mem>> -> memref<1x!tpu.dma_semaphore, #tpu.memory_space<semaphore_mem>>
      %dma_wait3A_416 = tpu.memref_squeeze %dma_wait3A_415 : memref<1x!tpu.dma_semaphore, #tpu.memory_space<semaphore_mem>> -> memref<!tpu.dma_semaphore, #tpu.memory_space<semaphore_mem>>
      tpu.wait_indirect_dma semaphore(%dma_wait3A_416 : memref<!tpu.dma_semaphore, #tpu.memory_space<semaphore_mem>>) src(%dma_wait3A_410 : memref<80x128xf32, #tpu.memory_space<vmem>>) dst(%dma_wait3A_414 : memref<5120x128xf32, #tpu.memory_space<vmem_shared>>)
      %while3A_417 = arith.constant 0 : i32
      scf.yield %while3A_417 : i32
    }
    %while3A_174 = arith.constant 1 : i32
    %while3A_175 = scf.for %while3A_388 = %while3A_171 to %while3A_167 step %while3A_174 iter_args(%while3A_389 = %while3A_173) -> (i32)  : i32 {
      %sub3A_390 = arith.subi %max3A_127, %min3A_163 : i32
      %add3A_391 = arith.addi %sub3A_390, %while3A_388 : i32
      %jit3A_392 = arith.constant 3 : i32
      %eq3A = arith.constant 0 : i32
      %eq3A_393 = arith.cmpi eq, %jit3A_392, %eq3A : i32
      %jit3A_394 = arith.constant 1 : i32
      %select_n3A_395 = arith.select %eq3A_393, %jit3A_394, %jit3A_392 : i32
      %rem3A_396 = arith.remsi %add3A_391, %select_n3A_395 : i32
      %ne3A_397 = arith.constant 0 : i32
      %ne3A_398 = arith.cmpi ne, %rem3A_396, %ne3A_397 : i32
      %lt3A = arith.constant 0 : i32
      %lt3A_399 = arith.cmpi slt, %rem3A_396, %lt3A : i32
      %lt3A_400 = arith.constant 0 : i32
      %lt3A_401 = arith.cmpi slt, %select_n3A_395, %lt3A_400 : i32
      %ne3A_402 = arith.xori %lt3A_399, %lt3A_401 : i1
      %and3A_403 = arith.andi %ne3A_402, %ne3A_398 : i1
      %add3A_404 = arith.addi %rem3A_396, %select_n3A_395 : i32
      %select_n3A_405 = arith.select %and3A_403, %add3A_404, %rem3A_396 : i32
      %mul3A_406 = arith.constant 80 : i32
      %mul3A_407 = arith.muli %add3A_391, %mul3A_406 : i32
      %dma_wait3A = arith.constant 0 : i32
      %dma_wait3A_408 = arith.constant 0 : i32
      %dma_wait3A_409 = tpu.memref_slice %arg11[%select_n3A_405, %dma_wait3A, %dma_wait3A_408] : memref<3x80x128xf32, #tpu.memory_space<vmem>> -> memref<1x80x128xf32, #tpu.memory_space<vmem>>
      %dma_wait3A_410 = tpu.memref_squeeze %dma_wait3A_409 : memref<1x80x128xf32, #tpu.memory_space<vmem>> -> memref<80x128xf32, #tpu.memory_space<vmem>>
      %dma_wait3A_411 = tpu.memref_slice %arg10[%mul3A_407] : memref<10080xi32, #tpu.memory_space<vmem>> -> memref<80xi32, #tpu.memory_space<vmem>>
      %dma_wait3A_412 = arith.constant 0 : i32
      %dma_wait3A_413 = arith.constant 0 : i32
      %dma_wait3A_414 = tpu.memref_slice %arg15[%dma_wait3A_412, %dma_wait3A_413] : memref<5120x128xf32, #tpu.memory_space<vmem_shared>> -> memref<5120x128xf32, #tpu.memory_space<vmem_shared>>
      %dma_wait3A_415 = tpu.memref_slice %arg18[%select_n3A_405] : memref<3x!tpu.dma_semaphore, #tpu.memory_space<semaphore_mem>> -> memref<1x!tpu.dma_semaphore, #tpu.memory_space<semaphore_mem>>
      %dma_wait3A_416 = tpu.memref_squeeze %dma_wait3A_415 : memref<1x!tpu.dma_semaphore, #tpu.memory_space<semaphore_mem>> -> memref<!tpu.dma_semaphore, #tpu.memory_space<semaphore_mem>>
      tpu.wait_indirect_dma semaphore(%dma_wait3A_416 : memref<!tpu.dma_semaphore, #tpu.memory_space<semaphore_mem>>) src(%dma_wait3A_410 : memref<80x128xf32, #tpu.memory_space<vmem>>) dst(%dma_wait3A_414 : memref<5120x128xf32, #tpu.memory_space<vmem_shared>>)
      %while3A_417 = arith.constant 0 : i32
      scf.yield %while3A_417 : i32
    }
    %while3A_176 = arith.constant 0 : i32
    %while3A_177 = arith.constant 0 : i32
    %while3A_178 = arith.subi %max3A_127, %while3A_176 : i32
    %while3A_179 = arith.addi %while3A_176, %while3A_178 : i32
    %while3A_180 = arith.constant 1 : i32
    %while3A_181 = arith.divsi %while3A_178, %while3A_180 : i32
    %while3A_182 = arith.muli %while3A_181, %while3A_180 : i32
    %while3A_183 = arith.addi %while3A_176, %while3A_182 : i32
    %while3A_184 = arith.constant 1 : i32
    %while3A_185 = scf.for %while3A_388 = %while3A_176 to %while3A_183 step %while3A_184 iter_args(%while3A_389 = %while3A_177) -> (i32)  : i32 {
      %dma_wait3A = arith.constant 0 : i32
      %dma_wait3A_390 = arith.constant 0 : i32
      %dma_wait3A_391 = tpu.memref_slice %arg6[%dma_wait3A, %dma_wait3A_390] : memref<10240x16xf32, #tpu.memory_space<hbm>> -> memref<80x16xf32, #tpu.memory_space<hbm>>
      %dma_wait3A_392 = arith.constant 0 : i32
      %dma_wait3A_393 = arith.constant 0 : i32
      %dma_wait3A_394 = tpu.memref_slice %arg6[%dma_wait3A_392, %dma_wait3A_393] : memref<10240x16xf32, #tpu.memory_space<hbm>> -> memref<80x16xf32, #tpu.memory_space<hbm>>
      tpu.wait_dma2 semaphore(%arg19 : memref<!tpu.dma_semaphore, #tpu.memory_space<semaphore_mem>>) src(%dma_wait3A_394 : memref<80x16xf32, #tpu.memory_space<hbm>>) dst(%arg12 : memref<80x16xf32, #tpu.memory_space<vmem>>)
      %while3A_395 = arith.constant 0 : i32
      scf.yield %while3A_395 : i32
    }
    %while3A_186 = arith.constant 1 : i32
    %while3A_187 = scf.for %while3A_388 = %while3A_183 to %while3A_179 step %while3A_186 iter_args(%while3A_389 = %while3A_185) -> (i32)  : i32 {
      %dma_wait3A = arith.constant 0 : i32
      %dma_wait3A_390 = arith.constant 0 : i32
      %dma_wait3A_391 = tpu.memref_slice %arg6[%dma_wait3A, %dma_wait3A_390] : memref<10240x16xf32, #tpu.memory_space<hbm>> -> memref<80x16xf32, #tpu.memory_space<hbm>>
      %dma_wait3A_392 = arith.constant 0 : i32
      %dma_wait3A_393 = arith.constant 0 : i32
      %dma_wait3A_394 = tpu.memref_slice %arg6[%dma_wait3A_392, %dma_wait3A_393] : memref<10240x16xf32, #tpu.memory_space<hbm>> -> memref<80x16xf32, #tpu.memory_space<hbm>>
      tpu.wait_dma2 semaphore(%arg19 : memref<!tpu.dma_semaphore, #tpu.memory_space<semaphore_mem>>) src(%dma_wait3A_394 : memref<80x16xf32, #tpu.memory_space<hbm>>) dst(%arg12 : memref<80x16xf32, #tpu.memory_space<vmem>>)
      %while3A_395 = arith.constant 0 : i32
      scf.yield %while3A_395 : i32
    }
    %mul3A_188 = arith.constant 20000 : i32
    %mul3A_189 = arith.muli %arg1, %mul3A_188 : i32
    %add3A_190 = arith.constant 10000 : i32
    %add3A_191 = arith.addi %mul3A_189, %add3A_190 : i32
    "tpu.region"() ({
      %run_scoped3A_388 = tpu.sem_alloc : memref<!tpu.dma_semaphore, #tpu.memory_space<semaphore_mem>>
      %dma_start3A_389 = tpu.memref_slice %arg3[%add3A_191] : memref<320000xi32, #tpu.memory_space<hbm>> -> memref<10000xi32, #tpu.memory_space<hbm>>
      %dma_start3A_390 = tpu.memref_slice %arg3[%add3A_191] : memref<320000xi32, #tpu.memory_space<hbm>> -> memref<10000xi32, #tpu.memory_space<hbm>>
      tpu.enqueue_dma source(%dma_start3A_390 : memref<10000xi32, #tpu.memory_space<hbm>>) target(%arg7 : memref<10000xi32, #tpu.memory_space<vmem>>) target_semaphore(%run_scoped3A_388 : memref<!tpu.dma_semaphore, #tpu.memory_space<semaphore_mem>>)
      %dma_wait3A = tpu.memref_slice %arg3[%add3A_191] : memref<320000xi32, #tpu.memory_space<hbm>> -> memref<10000xi32, #tpu.memory_space<hbm>>
      %dma_wait3A_391 = tpu.memref_slice %arg3[%add3A_191] : memref<320000xi32, #tpu.memory_space<hbm>> -> memref<10000xi32, #tpu.memory_space<hbm>>
      tpu.wait_dma2 semaphore(%run_scoped3A_388 : memref<!tpu.dma_semaphore, #tpu.memory_space<semaphore_mem>>) src(%dma_wait3A_391 : memref<10000xi32, #tpu.memory_space<hbm>>) dst(%arg7 : memref<10000xi32, #tpu.memory_space<vmem>>)
      tpu.yield
    }) : () -> ()
    "tpu.region"() ({
      %run_scoped3A_388 = tpu.sem_alloc : memref<!tpu.dma_semaphore, #tpu.memory_space<semaphore_mem>>
      %dma_start3A_389 = tpu.memref_slice %arg4[%add3A_191] : memref<320000xi32, #tpu.memory_space<hbm>> -> memref<10000xi32, #tpu.memory_space<hbm>>
      %dma_start3A_390 = tpu.memref_slice %arg4[%add3A_191] : memref<320000xi32, #tpu.memory_space<hbm>> -> memref<10000xi32, #tpu.memory_space<hbm>>
      tpu.enqueue_dma source(%dma_start3A_390 : memref<10000xi32, #tpu.memory_space<hbm>>) target(%arg8 : memref<10000xi32, #tpu.memory_space<vmem>>) target_semaphore(%run_scoped3A_388 : memref<!tpu.dma_semaphore, #tpu.memory_space<semaphore_mem>>)
      %dma_wait3A = tpu.memref_slice %arg4[%add3A_191] : memref<320000xi32, #tpu.memory_space<hbm>> -> memref<10000xi32, #tpu.memory_space<hbm>>
      %dma_wait3A_391 = tpu.memref_slice %arg4[%add3A_191] : memref<320000xi32, #tpu.memory_space<hbm>> -> memref<10000xi32, #tpu.memory_space<hbm>>
      tpu.wait_dma2 semaphore(%run_scoped3A_388 : memref<!tpu.dma_semaphore, #tpu.memory_space<semaphore_mem>>) src(%dma_wait3A_391 : memref<10000xi32, #tpu.memory_space<hbm>>) dst(%arg8 : memref<10000xi32, #tpu.memory_space<vmem>>)
      tpu.yield
    }) : () -> ()
    %scan3A_192 = arith.constant 0 : i32
    %scan3A_193 = arith.constant 0 : i32
    %scan3A_194 = arith.constant 625 : i32
    %scan3A_195 = arith.addi %scan3A_193, %scan3A_194 : i32
    %scan3A_196 = arith.constant 1 : i32
    %scan3A_197 = scf.for %scan3A_388 = %scan3A_193 to %scan3A_195 step %scan3A_196 iter_args(%scan3A_389 = %scan3A_192) -> (i32)  : i32 {
      %mul3A_390 = arith.constant 16 : i32
      %mul3A_391 = arith.muli %scan3A_388, %mul3A_390 : i32
      %get3A = arith.index_cast %mul3A_391 : i32 to index
      %get3A_392 = tpu.vector_load %arg8[%get3A] {strides = array<i32>} : memref<10000xi32, #tpu.memory_space<vmem>>, vector<16xi32>,
      %mul3A_393 = arith.constant 16 : i32
      %mul3A_394 = arith.muli %scan3A_388, %mul3A_393 : i32
      %get3A_395 = arith.index_cast %mul3A_394 : i32 to index
      %get3A_396 = tpu.vector_load %arg7[%get3A_395] {strides = array<i32>} : memref<10000xi32, #tpu.memory_space<vmem>>, vector<16xi32>,
      %sub3A_397 = vector.broadcast %mul3A_36 : i32 to vector<16xi32>
      %sub3A_398 = arith.subi %get3A_392, %sub3A_397 : vector<16xi32>
      %ge3A = arith.constant 0 : i32
      %ge3A_399 = vector.broadcast %ge3A : i32 to vector<16xi32>
      %ge3A_400 = arith.cmpi sge, %sub3A_398, %ge3A_399 : vector<16xi32>
      %lt3A = arith.constant 5120 : i32
      %lt3A_401 = vector.broadcast %lt3A : i32 to vector<16xi32>
      %lt3A_402 = arith.cmpi slt, %sub3A_398, %lt3A_401 : vector<16xi32>
      %and3A_403 = arith.andi %ge3A_400, %lt3A_402 : vector<16xi1>
      %jit3A_404 = arith.constant 0 : i32
      %jit3A_405 = arith.constant 1 : i32
      %broadcast_in_dim3A_406 = vector.broadcast %jit3A_404 : i32 to vector<16xi32>
      %broadcast_in_dim3A_407 = vector.broadcast %jit3A_405 : i32 to vector<16xi32>
      %select_n3A_408 = arith.select %and3A_403, %broadcast_in_dim3A_406, %broadcast_in_dim3A_407 : vector<16xi1>, vector<16xi32>
      %masked_sort3A = arith.constant dense<true> : vector<16xi1>
      %masked_sort3A_409 = arith.constant -2147483648 : i32
      %masked_sort3A_410 = vector.broadcast %masked_sort3A_409 : i32 to vector<16xi32>
      %masked_sort3A_411 = arith.xori %select_n3A_408, %masked_sort3A_410 : vector<16xi32>
      %masked_sort3A_412, %masked_sort3A_413, %masked_sort3A_414 = tpu.sort %masked_sort3A_411, %sub3A_398 masked %masked_sort3A : (vector<16xi32>, vector<16xi32>, vector<16xi1>) -> (vector<16xi1>, vector<16xi32>, vector<16xi32>)
      %masked_sort3A_415 = arith.xori %masked_sort3A_413, %masked_sort3A_410 : vector<16xi32>
      %masked_sort3A_416 = arith.constant dense<true> : vector<16xi1>
      %masked_sort3A_417 = arith.constant -2147483648 : i32
      %masked_sort3A_418 = vector.broadcast %masked_sort3A_417 : i32 to vector<16xi32>
      %masked_sort3A_419 = arith.xori %select_n3A_408, %masked_sort3A_418 : vector<16xi32>
      %masked_sort3A_420, %masked_sort3A_421, %masked_sort3A_422 = tpu.sort %masked_sort3A_419, %get3A_396 masked %masked_sort3A_416 : (vector<16xi32>, vector<16xi32>, vector<16xi1>) -> (vector<16xi1>, vector<16xi32>, vector<16xi32>)
      %masked_sort3A_423 = arith.xori %masked_sort3A_421, %masked_sort3A_418 : vector<16xi32>
      %swap3A_424 = arith.index_cast %scan3A_389 : i32 to index
      %swap3A_425 = tpu.vector_load %arg10[%swap3A_424] {strides = array<i32>} : memref<10080xi32, #tpu.memory_space<vmem>>, vector<16xi32>,
      tpu.vector_store %arg10[%swap3A_424], %masked_sort3A_414 {strides = array<i32>} : memref<10080xi32, #tpu.memory_space<vmem>>, vector<16xi32>,
      %swap3A_426 = arith.index_cast %scan3A_389 : i32 to index
      %swap3A_427 = tpu.vector_load %arg9[%swap3A_426] {strides = array<i32>} : memref<10080xi32, #tpu.memory_space<vmem>>, vector<16xi32>,
      tpu.vector_store %arg9[%swap3A_426], %masked_sort3A_422 {strides = array<i32>} : memref<10080xi32, #tpu.memory_space<vmem>>, vector<16xi32>,
      %reduce_sum3A = arith.constant true
      %reduce_sum3A_428 = vector.broadcast %reduce_sum3A : i1 to vector<16xi1>
      %reduce_sum3A_429 = tpu.scan <sum>, %select_n3A_408 masked %reduce_sum3A_428 : vector<16xi32>, vector<16xi1> -> vector<16xi32>
      %reduce_sum3A_430 = vector.extract %reduce_sum3A_429[15] : i32 from vector<16xi32>
      %sub3A_431 = arith.constant 16 : i32
      %sub3A_432 = arith.subi %sub3A_431, %reduce_sum3A_430 : i32
      %add3A_433 = arith.addi %scan3A_389, %sub3A_432 : i32
      scf.yield %add3A_433 : i32
    }
    %scan3A_198 = arith.constant 625 : i32
    %broadcast_in_dim3A_199 = arith.constant 0 : i32
    %broadcast_in_dim3A_200 = vector.broadcast %broadcast_in_dim3A_199 : i32 to vector<16xi32>
    %add3A_201 = arith.constant 0 : i32
    %add3A_202 = arith.addi %scan3A_197, %add3A_201 : i32
    %swap3A_203 = arith.index_cast %add3A_202 : i32 to index
    %swap3A_204 = tpu.vector_load %arg10[%swap3A_203] {strides = array<i32>} : memref<10080xi32, #tpu.memory_space<vmem>>, vector<16xi32>,
    tpu.vector_store %arg10[%swap3A_203], %broadcast_in_dim3A_200 {strides = array<i32>} : memref<10080xi32, #tpu.memory_space<vmem>>, vector<16xi32>,
    %broadcast_in_dim3A_205 = arith.constant 10000 : i32
    %broadcast_in_dim3A_206 = vector.broadcast %broadcast_in_dim3A_205 : i32 to vector<16xi32>
    %add3A_207 = arith.constant 0 : i32
    %add3A_208 = arith.addi %scan3A_197, %add3A_207 : i32
    %swap3A_209 = arith.index_cast %add3A_208 : i32 to index
    %swap3A_210 = tpu.vector_load %arg9[%swap3A_209] {strides = array<i32>} : memref<10080xi32, #tpu.memory_space<vmem>>, vector<16xi32>,
    tpu.vector_store %arg9[%swap3A_209], %broadcast_in_dim3A_206 {strides = array<i32>} : memref<10080xi32, #tpu.memory_space<vmem>>, vector<16xi32>,
    %broadcast_in_dim3A_211 = arith.constant 0 : i32
    %broadcast_in_dim3A_212 = vector.broadcast %broadcast_in_dim3A_211 : i32 to vector<16xi32>
    %add3A_213 = arith.constant 16 : i32
    %add3A_214 = arith.addi %scan3A_197, %add3A_213 : i32
    %swap3A_215 = arith.index_cast %add3A_214 : i32 to index
    %swap3A_216 = tpu.vector_load %arg10[%swap3A_215] {strides = array<i32>} : memref<10080xi32, #tpu.memory_space<vmem>>, vector<16xi32>,
    tpu.vector_store %arg10[%swap3A_215], %broadcast_in_dim3A_212 {strides = array<i32>} : memref<10080xi32, #tpu.memory_space<vmem>>, vector<16xi32>,
    %broadcast_in_dim3A_217 = arith.constant 10000 : i32
    %broadcast_in_dim3A_218 = vector.broadcast %broadcast_in_dim3A_217 : i32 to vector<16xi32>
    %add3A_219 = arith.constant 16 : i32
    %add3A_220 = arith.addi %scan3A_197, %add3A_219 : i32
    %swap3A_221 = arith.index_cast %add3A_220 : i32 to index
    %swap3A_222 = tpu.vector_load %arg9[%swap3A_221] {strides = array<i32>} : memref<10080xi32, #tpu.memory_space<vmem>>, vector<16xi32>,
    tpu.vector_store %arg9[%swap3A_221], %broadcast_in_dim3A_218 {strides = array<i32>} : memref<10080xi32, #tpu.memory_space<vmem>>, vector<16xi32>,
    %broadcast_in_dim3A_223 = arith.constant 0 : i32
    %broadcast_in_dim3A_224 = vector.broadcast %broadcast_in_dim3A_223 : i32 to vector<16xi32>
    %add3A_225 = arith.constant 32 : i32
    %add3A_226 = arith.addi %scan3A_197, %add3A_225 : i32
    %swap3A_227 = arith.index_cast %add3A_226 : i32 to index
    %swap3A_228 = tpu.vector_load %arg10[%swap3A_227] {strides = array<i32>} : memref<10080xi32, #tpu.memory_space<vmem>>, vector<16xi32>,
    tpu.vector_store %arg10[%swap3A_227], %broadcast_in_dim3A_224 {strides = array<i32>} : memref<10080xi32, #tpu.memory_space<vmem>>, vector<16xi32>,
    %broadcast_in_dim3A_229 = arith.constant 10000 : i32
    %broadcast_in_dim3A_230 = vector.broadcast %broadcast_in_dim3A_229 : i32 to vector<16xi32>
    %add3A_231 = arith.constant 32 : i32
    %add3A_232 = arith.addi %scan3A_197, %add3A_231 : i32
    %swap3A_233 = arith.index_cast %add3A_232 : i32 to index
    %swap3A_234 = tpu.vector_load %arg9[%swap3A_233] {strides = array<i32>} : memref<10080xi32, #tpu.memory_space<vmem>>, vector<16xi32>,
    tpu.vector_store %arg9[%swap3A_233], %broadcast_in_dim3A_230 {strides = array<i32>} : memref<10080xi32, #tpu.memory_space<vmem>>, vector<16xi32>,
    %broadcast_in_dim3A_235 = arith.constant 0 : i32
    %broadcast_in_dim3A_236 = vector.broadcast %broadcast_in_dim3A_235 : i32 to vector<16xi32>
    %add3A_237 = arith.constant 48 : i32
    %add3A_238 = arith.addi %scan3A_197, %add3A_237 : i32
    %swap3A_239 = arith.index_cast %add3A_238 : i32 to index
    %swap3A_240 = tpu.vector_load %arg10[%swap3A_239] {strides = array<i32>} : memref<10080xi32, #tpu.memory_space<vmem>>, vector<16xi32>,
    tpu.vector_store %arg10[%swap3A_239], %broadcast_in_dim3A_236 {strides = array<i32>} : memref<10080xi32, #tpu.memory_space<vmem>>, vector<16xi32>,
    %broadcast_in_dim3A_241 = arith.constant 10000 : i32
    %broadcast_in_dim3A_242 = vector.broadcast %broadcast_in_dim3A_241 : i32 to vector<16xi32>
    %add3A_243 = arith.constant 48 : i32
    %add3A_244 = arith.addi %scan3A_197, %add3A_243 : i32
    %swap3A_245 = arith.index_cast %add3A_244 : i32 to index
    %swap3A_246 = tpu.vector_load %arg9[%swap3A_245] {strides = array<i32>} : memref<10080xi32, #tpu.memory_space<vmem>>, vector<16xi32>,
    tpu.vector_store %arg9[%swap3A_245], %broadcast_in_dim3A_242 {strides = array<i32>} : memref<10080xi32, #tpu.memory_space<vmem>>, vector<16xi32>,
    %broadcast_in_dim3A_247 = arith.constant 0 : i32
    %broadcast_in_dim3A_248 = vector.broadcast %broadcast_in_dim3A_247 : i32 to vector<16xi32>
    %add3A_249 = arith.constant 64 : i32
    %add3A_250 = arith.addi %scan3A_197, %add3A_249 : i32
    %swap3A_251 = arith.index_cast %add3A_250 : i32 to index
    %swap3A_252 = tpu.vector_load %arg10[%swap3A_251] {strides = array<i32>} : memref<10080xi32, #tpu.memory_space<vmem>>, vector<16xi32>,
    tpu.vector_store %arg10[%swap3A_251], %broadcast_in_dim3A_248 {strides = array<i32>} : memref<10080xi32, #tpu.memory_space<vmem>>, vector<16xi32>,
    %broadcast_in_dim3A_253 = arith.constant 10000 : i32
    %broadcast_in_dim3A_254 = vector.broadcast %broadcast_in_dim3A_253 : i32 to vector<16xi32>
    %add3A_255 = arith.constant 64 : i32
    %add3A_256 = arith.addi %scan3A_197, %add3A_255 : i32
    %swap3A_257 = arith.index_cast %add3A_256 : i32 to index
    %swap3A_258 = tpu.vector_load %arg9[%swap3A_257] {strides = array<i32>} : memref<10080xi32, #tpu.memory_space<vmem>>, vector<16xi32>,
    tpu.vector_store %arg9[%swap3A_257], %broadcast_in_dim3A_254 {strides = array<i32>} : memref<10080xi32, #tpu.memory_space<vmem>>, vector<16xi32>,
    %add3A_259 = arith.constant 80 : i32
    %add3A_260 = arith.addi %scan3A_197, %add3A_259 : i32
    %sub3A_261 = arith.constant 1 : i32
    %sub3A_262 = arith.subi %add3A_260, %sub3A_261 : i32
    %jit3A_263 = arith.constant 80 : i32
    %div3A_264 = arith.divsi %sub3A_262, %jit3A_263 : i32
    %sign3A_265 = arith.constant 0 : i32
    %sign3A_266 = arith.cmpi sgt, %sub3A_262, %sign3A_265 : i32
    %sign3A_267 = arith.extui %sign3A_266 : i1 to i32
    %sign3A_268 = arith.constant 0 : i32
    %sign3A_269 = arith.cmpi slt, %sub3A_262, %sign3A_268 : i32
    %sign3A_270 = arith.extui %sign3A_269 : i1 to i32
    %sign3A_271 = arith.subi %sign3A_267, %sign3A_270 : i32
    %sign3A_272 = arith.constant 0 : i32
    %sign3A_273 = arith.cmpi sgt, %jit3A_263, %sign3A_272 : i32
    %sign3A_274 = arith.extui %sign3A_273 : i1 to i32
    %sign3A_275 = arith.constant 0 : i32
    %sign3A_276 = arith.cmpi slt, %jit3A_263, %sign3A_275 : i32
    %sign3A_277 = arith.extui %sign3A_276 : i1 to i32
    %sign3A_278 = arith.subi %sign3A_274, %sign3A_277 : i32
    %ne3A_279 = arith.cmpi ne, %sign3A_271, %sign3A_278 : i32
    %rem3A_280 = arith.remsi %sub3A_262, %jit3A_263 : i32
    %ne3A_281 = arith.constant 0 : i32
    %ne3A_282 = arith.cmpi ne, %rem3A_280, %ne3A_281 : i32
    %and3A_283 = arith.andi %ne3A_279, %ne3A_282 : i1
    %sub3A_284 = arith.constant 1 : i32
    %sub3A_285 = arith.subi %div3A_264, %sub3A_284 : i32
    %select_n3A_286 = arith.select %and3A_283, %sub3A_285, %div3A_264 : i32
    %max3A_287 = arith.constant 1 : i32
    %max3A_288 = arith.maxsi %select_n3A_286, %max3A_287 : i32
    %sub3A_289 = arith.constant 1 : i32
    %sub3A_290 = arith.subi %max3A_288, %sub3A_289 : i32
    %mul3A_291 = arith.constant 80 : i32
    %mul3A_292 = arith.muli %sub3A_290, %mul3A_291 : i32
    %sub3A_293 = arith.subi %scan3A_197, %mul3A_292 : i32
    %scan3A_294 = arith.constant 0 : i32
    %scan3A_295 = arith.constant 0 : i32
    %scan3A_296 = arith.constant 80 : i32
    %scan3A_297 = arith.addi %scan3A_295, %scan3A_296 : i32
    %scan3A_298 = arith.constant 1 : i32
    %scan3A_299 = scf.for %scan3A_388 = %scan3A_295 to %scan3A_297 step %scan3A_298 iter_args(%scan3A_389 = %scan3A_294) -> (i32)  : i32 {
      %lt3A = arith.cmpi slt, %scan3A_388, %sub3A_293 : i32
      %select_n3A_390 = arith.select %lt3A, %broadcast_in_dim3A_2, %broadcast_in_dim3A_0 : vector<16xf32>
      %swap3A_391 = arith.index_cast %scan3A_388 : i32 to index
      %swap3A_392 = arith.constant 0 : index
      %swap3A_393 = tpu.vector_load %arg13[%swap3A_391, %swap3A_392] {strides = array<i32>} : memref<80x16xf32, #tpu.memory_space<vmem>>, vector<16xf32>,
      tpu.vector_store %arg13[%swap3A_391, %swap3A_392], %select_n3A_390 {strides = array<i32>} : memref<80x16xf32, #tpu.memory_space<vmem>>, vector<16xf32>,
      %scan3A_394 = arith.constant 0 : i32
      scf.yield %scan3A_394 : i32
    }
    %scan3A_300 = arith.constant 80 : i32
    %dma_start3A_301 = arith.constant 0 : i32
    %dma_start3A_302 = arith.constant 0 : i32
    %dma_start3A_303 = arith.constant 0 : i32
    %dma_start3A_304 = arith.constant 0 : i32
    %dma_start3A_305 = tpu.memref_slice %arg11[%dma_start3A_301, %dma_start3A_303, %dma_start3A_304] : memref<3x80x128xf32, #tpu.memory_space<vmem>> -> memref<1x80x128xf32, #tpu.memory_space<vmem>>
    %dma_start3A_306 = tpu.memref_squeeze %dma_start3A_305 : memref<1x80x128xf32, #tpu.memory_space<vmem>> -> memref<80x128xf32, #tpu.memory_space<vmem>>
    %dma_start3A_307 = arith.constant 0 : i32
    %dma_start3A_308 = tpu.memref_slice %arg9[%dma_start3A_307] : memref<10080xi32, #tpu.memory_space<vmem>> -> memref<80xi32, #tpu.memory_space<vmem>>
    %dma_start3A_309 = arith.constant 0 : i32
    %dma_start3A_310 = arith.constant 0 : i32
    %dma_start3A_311 = tpu.memref_slice %arg2[%dma_start3A_309, %dma_start3A_310] : memref<10001x128xf32, #tpu.memory_space<hbm>> -> memref<10001x128xf32, #tpu.memory_space<hbm>>
    %dma_start3A_312 = tpu.memref_slice %arg17[%dma_start3A_302] : memref<3x!tpu.dma_semaphore, #tpu.memory_space<semaphore_mem>> -> memref<1x!tpu.dma_semaphore, #tpu.memory_space<semaphore_mem>>
    %dma_start3A_313 = tpu.memref_squeeze %dma_start3A_312 : memref<1x!tpu.dma_semaphore, #tpu.memory_space<semaphore_mem>> -> memref<!tpu.dma_semaphore, #tpu.memory_space<semaphore_mem>>
    tpu.enqueue_indirect_dma source(%dma_start3A_311 : memref<10001x128xf32, #tpu.memory_space<hbm>>) target(%dma_start3A_306 : memref<80x128xf32, #tpu.memory_space<vmem>>) offsets(%dma_start3A_308 : memref<80xi32, #tpu.memory_space<vmem>>) semaphore(%dma_start3A_313 : memref<!tpu.dma_semaphore, #tpu.memory_space<semaphore_mem>>)
    %while3A_314 = arith.constant 0 : i32
    %while3A_315 = arith.constant 0 : i32
    %while3A_316 = arith.subi %max3A_288, %while3A_314 : i32
    %while3A_317 = arith.addi %while3A_314, %while3A_316 : i32
    %while3A_318 = arith.constant 1 : i32
    %while3A_319 = arith.divsi %while3A_316, %while3A_318 : i32
    %while3A_320 = arith.muli %while3A_319, %while3A_318 : i32
    %while3A_321 = arith.addi %while3A_314, %while3A_320 : i32
    %while3A_322 = arith.constant 1 : i32
    %while3A_323 = scf.for %while3A_388 = %while3A_314 to %while3A_321 step %while3A_322 iter_args(%while3A_389 = %while3A_315) -> (i32)  : i32 {
      %jit3A_390 = arith.constant 3 : i32
      %eq3A = arith.constant 0 : i32
      %eq3A_391 = arith.cmpi eq, %jit3A_390, %eq3A : i32
      %jit3A_392 = arith.constant 1 : i32
      %select_n3A_393 = arith.select %eq3A_391, %jit3A_392, %jit3A_390 : i32
      %rem3A_394 = arith.remsi %while3A_388, %select_n3A_393 : i32
      %ne3A_395 = arith.constant 0 : i32
      %ne3A_396 = arith.cmpi ne, %rem3A_394, %ne3A_395 : i32
      %lt3A = arith.constant 0 : i32
      %lt3A_397 = arith.cmpi slt, %rem3A_394, %lt3A : i32
      %lt3A_398 = arith.constant 0 : i32
      %lt3A_399 = arith.cmpi slt, %select_n3A_393, %lt3A_398 : i32
      %ne3A_400 = arith.xori %lt3A_397, %lt3A_399 : i1
      %and3A_401 = arith.andi %ne3A_400, %ne3A_396 : i1
      %add3A_402 = arith.addi %rem3A_394, %select_n3A_393 : i32
      %select_n3A_403 = arith.select %and3A_401, %add3A_402, %rem3A_394 : i32
      %dma_wait3A = arith.constant 0 : i32
      %dma_wait3A_404 = arith.constant 0 : i32
      %dma_wait3A_405 = tpu.memref_slice %arg11[%select_n3A_403, %dma_wait3A, %dma_wait3A_404] : memref<3x80x128xf32, #tpu.memory_space<vmem>> -> memref<1x80x128xf32, #tpu.memory_space<vmem>>
      %dma_wait3A_406 = tpu.memref_squeeze %dma_wait3A_405 : memref<1x80x128xf32, #tpu.memory_space<vmem>> -> memref<80x128xf32, #tpu.memory_space<vmem>>
      %dma_wait3A_407 = arith.constant 0 : i32
      %dma_wait3A_408 = arith.constant 0 : i32
      %dma_wait3A_409 = tpu.memref_slice %arg2[%dma_wait3A_407, %dma_wait3A_408] : memref<10001x128xf32, #tpu.memory_space<hbm>> -> memref<80x128xf32, #tpu.memory_space<hbm>>
      %dma_wait3A_410 = tpu.memref_slice %arg17[%select_n3A_403] : memref<3x!tpu.dma_semaphore, #tpu.memory_space<semaphore_mem>> -> memref<1x!tpu.dma_semaphore, #tpu.memory_space<semaphore_mem>>
      %dma_wait3A_411 = tpu.memref_squeeze %dma_wait3A_410 : memref<1x!tpu.dma_semaphore, #tpu.memory_space<semaphore_mem>> -> memref<!tpu.dma_semaphore, #tpu.memory_space<semaphore_mem>>
      %dma_wait3A_412 = arith.constant 0 : i32
      %dma_wait3A_413 = arith.constant 0 : i32
      %dma_wait3A_414 = tpu.memref_slice %arg11[%select_n3A_403, %dma_wait3A_412, %dma_wait3A_413] : memref<3x80x128xf32, #tpu.memory_space<vmem>> -> memref<1x80x128xf32, #tpu.memory_space<vmem>>
      %dma_wait3A_415 = tpu.memref_squeeze %dma_wait3A_414 : memref<1x80x128xf32, #tpu.memory_space<vmem>> -> memref<80x128xf32, #tpu.memory_space<vmem>>
      %dma_wait3A_416 = arith.constant 0 : i32
      %dma_wait3A_417 = arith.constant 0 : i32
      %dma_wait3A_418 = tpu.memref_slice %arg2[%dma_wait3A_416, %dma_wait3A_417] : memref<10001x128xf32, #tpu.memory_space<hbm>> -> memref<80x128xf32, #tpu.memory_space<hbm>>
      tpu.wait_dma2 semaphore(%dma_wait3A_411 : memref<!tpu.dma_semaphore, #tpu.memory_space<semaphore_mem>>) src(%dma_wait3A_418 : memref<80x128xf32, #tpu.memory_space<hbm>>) dst(%dma_wait3A_415 : memref<80x128xf32, #tpu.memory_space<vmem>>)
      %mul3A_419 = arith.constant 80 : i32
      %mul3A_420 = arith.muli %while3A_388, %mul3A_419 : i32
      %dma_start3A_421 = arith.constant 0 : i32
      %dma_start3A_422 = arith.constant 0 : i32
      %dma_start3A_423 = tpu.memref_slice %arg11[%select_n3A_403, %dma_start3A_421, %dma_start3A_422] : memref<3x80x128xf32, #tpu.memory_space<vmem>> -> memref<1x80x128xf32, #tpu.memory_space<vmem>>
      %dma_start3A_424 = tpu.memref_squeeze %dma_start3A_423 : memref<1x80x128xf32, #tpu.memory_space<vmem>> -> memref<80x128xf32, #tpu.memory_space<vmem>>
      %dma_start3A_425 = tpu.memref_slice %arg10[%mul3A_420] : memref<10080xi32, #tpu.memory_space<vmem>> -> memref<80xi32, #tpu.memory_space<vmem>>
      %dma_start3A_426 = arith.constant 0 : i32
      %dma_start3A_427 = arith.constant 0 : i32
      %dma_start3A_428 = tpu.memref_slice %arg15[%dma_start3A_426, %dma_start3A_427] : memref<5120x128xf32, #tpu.memory_space<vmem_shared>> -> memref<5120x128xf32, #tpu.memory_space<vmem_shared>>
      %dma_start3A_429 = tpu.memref_slice %arg18[%select_n3A_403] : memref<3x!tpu.dma_semaphore, #tpu.memory_space<semaphore_mem>> -> memref<1x!tpu.dma_semaphore, #tpu.memory_space<semaphore_mem>>
      %dma_start3A_430 = tpu.memref_squeeze %dma_start3A_429 : memref<1x!tpu.dma_semaphore, #tpu.memory_space<semaphore_mem>> -> memref<!tpu.dma_semaphore, #tpu.memory_space<semaphore_mem>>
      tpu.enqueue_indirect_dma source(%dma_start3A_424 : memref<80x128xf32, #tpu.memory_space<vmem>>) target(%dma_start3A_428 : memref<5120x128xf32, #tpu.memory_space<vmem_shared>>) offsets(%dma_start3A_425 : memref<80xi32, #tpu.memory_space<vmem>>) semaphore(%dma_start3A_430 : memref<!tpu.dma_semaphore, #tpu.memory_space<semaphore_mem>>) {add = true}
      %sub3A_431 = arith.constant 1 : i32
      %sub3A_432 = arith.subi %max3A_288, %sub3A_431 : i32
      %ne3A_433 = arith.cmpi ne, %while3A_388, %sub3A_432 : i32
      %convert_element_type3A = arith.extui %ne3A_433 : i1 to i32
      %cond3A = arith.constant 0 : i32
      %cond3A_434 = arith.cmpi ne, %convert_element_type3A, %cond3A : i32
      scf.if %cond3A_434 {
        %mul3A_448 = arith.constant 80 : i32
        %mul3A_449 = arith.muli %while3A_388, %mul3A_448 : i32
        %dma_start3A_450 = tpu.memref_slice %arg10[%mul3A_449] : memref<10080xi32, #tpu.memory_space<vmem>> -> memref<80xi32, #tpu.memory_space<vmem>>
        %dma_start3A_451 = arith.constant 0 : i32
        %dma_start3A_452 = arith.constant 0 : i32
        %dma_start3A_453 = tpu.memref_slice %arg16[%dma_start3A_451, %dma_start3A_452] : memref<5120x16xf32, #tpu.memory_space<vmem_shared>> -> memref<5120x16xf32, #tpu.memory_space<vmem_shared>>
        tpu.enqueue_indirect_dma source(%arg12 : memref<80x16xf32, #tpu.memory_space<vmem>>) target(%dma_start3A_453 : memref<5120x16xf32, #tpu.memory_space<vmem_shared>>) offsets(%dma_start3A_450 : memref<80xi32, #tpu.memory_space<vmem>>) semaphore(%arg19 : memref<!tpu.dma_semaphore, #tpu.memory_space<semaphore_mem>>) {add = true}
      } else {
      }
      %sub3A_435 = arith.constant 1 : i32
      %sub3A_436 = arith.subi %max3A_288, %sub3A_435 : i32
      %eq3A_437 = arith.cmpi eq, %while3A_388, %sub3A_436 : i32
      %convert_element_type3A_438 = arith.extui %eq3A_437 : i1 to i32
      %cond3A_439 = arith.constant 0 : i32
      %cond3A_440 = arith.cmpi ne, %convert_element_type3A_438, %cond3A_439 : i32
      scf.if %cond3A_440 {
        %mul3A_448 = arith.constant 80 : i32
        %mul3A_449 = arith.muli %while3A_388, %mul3A_448 : i32
        %dma_start3A_450 = tpu.memref_slice %arg10[%mul3A_449] : memref<10080xi32, #tpu.memory_space<vmem>> -> memref<80xi32, #tpu.memory_space<vmem>>
        %dma_start3A_451 = arith.constant 0 : i32
        %dma_start3A_452 = arith.constant 0 : i32
        %dma_start3A_453 = tpu.memref_slice %arg16[%dma_start3A_451, %dma_start3A_452] : memref<5120x16xf32, #tpu.memory_space<vmem_shared>> -> memref<5120x16xf32, #tpu.memory_space<vmem_shared>>
        tpu.enqueue_indirect_dma source(%arg13 : memref<80x16xf32, #tpu.memory_space<vmem>>) target(%dma_start3A_453 : memref<5120x16xf32, #tpu.memory_space<vmem_shared>>) offsets(%dma_start3A_450 : memref<80xi32, #tpu.memory_space<vmem>>) semaphore(%arg19 : memref<!tpu.dma_semaphore, #tpu.memory_space<semaphore_mem>>) {add = true}
      } else {
      }
      %add3A_441 = arith.constant 1 : i32
      %add3A_442 = arith.addi %while3A_388, %add3A_441 : i32
      %lt3A_443 = arith.cmpi slt, %add3A_442, %max3A_288 : i32
      %convert_element_type3A_444 = arith.extui %lt3A_443 : i1 to i32
      %cond3A_445 = arith.constant 0 : i32
      %cond3A_446 = arith.cmpi ne, %convert_element_type3A_444, %cond3A_445 : i32
      scf.if %cond3A_446 {
        %ge3A = arith.constant 2 : i32
        %ge3A_448 = arith.cmpi sge, %while3A_388, %ge3A : i32
        %convert_element_type3A_449 = arith.extui %ge3A_448 : i1 to i32
        %cond3A_450 = arith.constant 0 : i32
        %cond3A_451 = arith.cmpi ne, %convert_element_type3A_449, %cond3A_450 : i32
        scf.if %cond3A_451 {
          %add3A_484 = arith.constant 1 : i32
          %add3A_485 = arith.addi %while3A_388, %add3A_484 : i32
          %sub3A_486 = arith.constant 3 : i32
          %sub3A_487 = arith.subi %add3A_485, %sub3A_486 : i32
          %jit3A_488 = arith.constant 3 : i32
          %eq3A_489 = arith.constant 0 : i32
          %eq3A_490 = arith.cmpi eq, %jit3A_488, %eq3A_489 : i32
          %jit3A_491 = arith.constant 1 : i32
          %select_n3A_492 = arith.select %eq3A_490, %jit3A_491, %jit3A_488 : i32
          %rem3A_493 = arith.remsi %sub3A_487, %select_n3A_492 : i32
          %ne3A_494 = arith.constant 0 : i32
          %ne3A_495 = arith.cmpi ne, %rem3A_493, %ne3A_494 : i32
          %lt3A_496 = arith.constant 0 : i32
          %lt3A_497 = arith.cmpi slt, %rem3A_493, %lt3A_496 : i32
          %lt3A_498 = arith.constant 0 : i32
          %lt3A_499 = arith.cmpi slt, %select_n3A_492, %lt3A_498 : i32
          %ne3A_500 = arith.xori %lt3A_497, %lt3A_499 : i1
          %and3A_501 = arith.andi %ne3A_500, %ne3A_495 : i1
          %add3A_502 = arith.addi %rem3A_493, %select_n3A_492 : i32
          %select_n3A_503 = arith.select %and3A_501, %add3A_502, %rem3A_493 : i32
          %mul3A_504 = arith.constant 80 : i32
          %mul3A_505 = arith.muli %sub3A_487, %mul3A_504 : i32
          %dma_wait3A_506 = arith.constant 0 : i32
          %dma_wait3A_507 = arith.constant 0 : i32
          %dma_wait3A_508 = tpu.memref_slice %arg11[%select_n3A_503, %dma_wait3A_506, %dma_wait3A_507] : memref<3x80x128xf32, #tpu.memory_space<vmem>> -> memref<1x80x128xf32, #tpu.memory_space<vmem>>
          %dma_wait3A_509 = tpu.memref_squeeze %dma_wait3A_508 : memref<1x80x128xf32, #tpu.memory_space<vmem>> -> memref<80x128xf32, #tpu.memory_space<vmem>>
          %dma_wait3A_510 = tpu.memref_slice %arg10[%mul3A_505] : memref<10080xi32, #tpu.memory_space<vmem>> -> memref<80xi32, #tpu.memory_space<vmem>>
          %dma_wait3A_511 = arith.constant 0 : i32
          %dma_wait3A_512 = arith.constant 0 : i32
          %dma_wait3A_513 = tpu.memref_slice %arg15[%dma_wait3A_511, %dma_wait3A_512] : memref<5120x128xf32, #tpu.memory_space<vmem_shared>> -> memref<5120x128xf32, #tpu.memory_space<vmem_shared>>
          %dma_wait3A_514 = tpu.memref_slice %arg18[%select_n3A_503] : memref<3x!tpu.dma_semaphore, #tpu.memory_space<semaphore_mem>> -> memref<1x!tpu.dma_semaphore, #tpu.memory_space<semaphore_mem>>
          %dma_wait3A_515 = tpu.memref_squeeze %dma_wait3A_514 : memref<1x!tpu.dma_semaphore, #tpu.memory_space<semaphore_mem>> -> memref<!tpu.dma_semaphore, #tpu.memory_space<semaphore_mem>>
          tpu.wait_indirect_dma semaphore(%dma_wait3A_515 : memref<!tpu.dma_semaphore, #tpu.memory_space<semaphore_mem>>) src(%dma_wait3A_509 : memref<80x128xf32, #tpu.memory_space<vmem>>) dst(%dma_wait3A_513 : memref<5120x128xf32, #tpu.memory_space<vmem_shared>>)
        } else {
        }
        %add3A_452 = arith.constant 1 : i32
        %add3A_453 = arith.addi %while3A_388, %add3A_452 : i32
        %add3A_454 = arith.constant 1 : i32
        %add3A_455 = arith.addi %while3A_388, %add3A_454 : i32
        %jit3A_456 = arith.constant 3 : i32
        %eq3A_457 = arith.constant 0 : i32
        %eq3A_458 = arith.cmpi eq, %jit3A_456, %eq3A_457 : i32
        %jit3A_459 = arith.constant 1 : i32
        %select_n3A_460 = arith.select %eq3A_458, %jit3A_459, %jit3A_456 : i32
        %rem3A_461 = arith.remsi %add3A_455, %select_n3A_460 : i32
        %ne3A_462 = arith.constant 0 : i32
        %ne3A_463 = arith.cmpi ne, %rem3A_461, %ne3A_462 : i32
        %lt3A_464 = arith.constant 0 : i32
        %lt3A_465 = arith.cmpi slt, %rem3A_461, %lt3A_464 : i32
        %lt3A_466 = arith.constant 0 : i32
        %lt3A_467 = arith.cmpi slt, %select_n3A_460, %lt3A_466 : i32
        %ne3A_468 = arith.xori %lt3A_465, %lt3A_467 : i1
        %and3A_469 = arith.andi %ne3A_468, %ne3A_463 : i1
        %add3A_470 = arith.addi %rem3A_461, %select_n3A_460 : i32
        %select_n3A_471 = arith.select %and3A_469, %add3A_470, %rem3A_461 : i32
        %mul3A_472 = arith.constant 80 : i32
        %mul3A_473 = arith.muli %add3A_453, %mul3A_472 : i32
        %dma_start3A_474 = arith.constant 0 : i32
        %dma_start3A_475 = arith.constant 0 : i32
        %dma_start3A_476 = tpu.memref_slice %arg11[%select_n3A_471, %dma_start3A_474, %dma_start3A_475] : memref<3x80x128xf32, #tpu.memory_space<vmem>> -> memref<1x80x128xf32, #tpu.memory_space<vmem>>
        %dma_start3A_477 = tpu.memref_squeeze %dma_start3A_476 : memref<1x80x128xf32, #tpu.memory_space<vmem>> -> memref<80x128xf32, #tpu.memory_space<vmem>>
        %dma_start3A_478 = tpu.memref_slice %arg9[%mul3A_473] : memref<10080xi32, #tpu.memory_space<vmem>> -> memref<80xi32, #tpu.memory_space<vmem>>
        %dma_start3A_479 = arith.constant 0 : i32
        %dma_start3A_480 = arith.constant 0 : i32
        %dma_start3A_481 = tpu.memref_slice %arg2[%dma_start3A_479, %dma_start3A_480] : memref<10001x128xf32, #tpu.memory_space<hbm>> -> memref<10001x128xf32, #tpu.memory_space<hbm>>
        %dma_start3A_482 = tpu.memref_slice %arg17[%select_n3A_471] : memref<3x!tpu.dma_semaphore, #tpu.memory_space<semaphore_mem>> -> memref<1x!tpu.dma_semaphore, #tpu.memory_space<semaphore_mem>>
        %dma_start3A_483 = tpu.memref_squeeze %dma_start3A_482 : memref<1x!tpu.dma_semaphore, #tpu.memory_space<semaphore_mem>> -> memref<!tpu.dma_semaphore, #tpu.memory_space<semaphore_mem>>
        tpu.enqueue_indirect_dma source(%dma_start3A_481 : memref<10001x128xf32, #tpu.memory_space<hbm>>) target(%dma_start3A_477 : memref<80x128xf32, #tpu.memory_space<vmem>>) offsets(%dma_start3A_478 : memref<80xi32, #tpu.memory_space<vmem>>) semaphore(%dma_start3A_483 : memref<!tpu.dma_semaphore, #tpu.memory_space<semaphore_mem>>)
      } else {
      }
      %while3A_447 = arith.constant 0 : i32
      scf.yield %while3A_447 : i32
    }
    %while3A_324 = arith.constant 1 : i32
    %while3A_325 = scf.for %while3A_388 = %while3A_321 to %while3A_317 step %while3A_324 iter_args(%while3A_389 = %while3A_323) -> (i32)  : i32 {
      %jit3A_390 = arith.constant 3 : i32
      %eq3A = arith.constant 0 : i32
      %eq3A_391 = arith.cmpi eq, %jit3A_390, %eq3A : i32
      %jit3A_392 = arith.constant 1 : i32
      %select_n3A_393 = arith.select %eq3A_391, %jit3A_392, %jit3A_390 : i32
      %rem3A_394 = arith.remsi %while3A_388, %select_n3A_393 : i32
      %ne3A_395 = arith.constant 0 : i32
      %ne3A_396 = arith.cmpi ne, %rem3A_394, %ne3A_395 : i32
      %lt3A = arith.constant 0 : i32
      %lt3A_397 = arith.cmpi slt, %rem3A_394, %lt3A : i32
      %lt3A_398 = arith.constant 0 : i32
      %lt3A_399 = arith.cmpi slt, %select_n3A_393, %lt3A_398 : i32
      %ne3A_400 = arith.xori %lt3A_397, %lt3A_399 : i1
      %and3A_401 = arith.andi %ne3A_400, %ne3A_396 : i1
      %add3A_402 = arith.addi %rem3A_394, %select_n3A_393 : i32
      %select_n3A_403 = arith.select %and3A_401, %add3A_402, %rem3A_394 : i32
      %dma_wait3A = arith.constant 0 : i32
      %dma_wait3A_404 = arith.constant 0 : i32
      %dma_wait3A_405 = tpu.memref_slice %arg11[%select_n3A_403, %dma_wait3A, %dma_wait3A_404] : memref<3x80x128xf32, #tpu.memory_space<vmem>> -> memref<1x80x128xf32, #tpu.memory_space<vmem>>
      %dma_wait3A_406 = tpu.memref_squeeze %dma_wait3A_405 : memref<1x80x128xf32, #tpu.memory_space<vmem>> -> memref<80x128xf32, #tpu.memory_space<vmem>>
      %dma_wait3A_407 = arith.constant 0 : i32
      %dma_wait3A_408 = arith.constant 0 : i32
      %dma_wait3A_409 = tpu.memref_slice %arg2[%dma_wait3A_407, %dma_wait3A_408] : memref<10001x128xf32, #tpu.memory_space<hbm>> -> memref<80x128xf32, #tpu.memory_space<hbm>>
      %dma_wait3A_410 = tpu.memref_slice %arg17[%select_n3A_403] : memref<3x!tpu.dma_semaphore, #tpu.memory_space<semaphore_mem>> -> memref<1x!tpu.dma_semaphore, #tpu.memory_space<semaphore_mem>>
      %dma_wait3A_411 = tpu.memref_squeeze %dma_wait3A_410 : memref<1x!tpu.dma_semaphore, #tpu.memory_space<semaphore_mem>> -> memref<!tpu.dma_semaphore, #tpu.memory_space<semaphore_mem>>
      %dma_wait3A_412 = arith.constant 0 : i32
      %dma_wait3A_413 = arith.constant 0 : i32
      %dma_wait3A_414 = tpu.memref_slice %arg11[%select_n3A_403, %dma_wait3A_412, %dma_wait3A_413] : memref<3x80x128xf32, #tpu.memory_space<vmem>> -> memref<1x80x128xf32, #tpu.memory_space<vmem>>
      %dma_wait3A_415 = tpu.memref_squeeze %dma_wait3A_414 : memref<1x80x128xf32, #tpu.memory_space<vmem>> -> memref<80x128xf32, #tpu.memory_space<vmem>>
      %dma_wait3A_416 = arith.constant 0 : i32
      %dma_wait3A_417 = arith.constant 0 : i32
      %dma_wait3A_418 = tpu.memref_slice %arg2[%dma_wait3A_416, %dma_wait3A_417] : memref<10001x128xf32, #tpu.memory_space<hbm>> -> memref<80x128xf32, #tpu.memory_space<hbm>>
      tpu.wait_dma2 semaphore(%dma_wait3A_411 : memref<!tpu.dma_semaphore, #tpu.memory_space<semaphore_mem>>) src(%dma_wait3A_418 : memref<80x128xf32, #tpu.memory_space<hbm>>) dst(%dma_wait3A_415 : memref<80x128xf32, #tpu.memory_space<vmem>>)
      %mul3A_419 = arith.constant 80 : i32
      %mul3A_420 = arith.muli %while3A_388, %mul3A_419 : i32
      %dma_start3A_421 = arith.constant 0 : i32
      %dma_start3A_422 = arith.constant 0 : i32
      %dma_start3A_423 = tpu.memref_slice %arg11[%select_n3A_403, %dma_start3A_421, %dma_start3A_422] : memref<3x80x128xf32, #tpu.memory_space<vmem>> -> memref<1x80x128xf32, #tpu.memory_space<vmem>>
      %dma_start3A_424 = tpu.memref_squeeze %dma_start3A_423 : memref<1x80x128xf32, #tpu.memory_space<vmem>> -> memref<80x128xf32, #tpu.memory_space<vmem>>
      %dma_start3A_425 = tpu.memref_slice %arg10[%mul3A_420] : memref<10080xi32, #tpu.memory_space<vmem>> -> memref<80xi32, #tpu.memory_space<vmem>>
      %dma_start3A_426 = arith.constant 0 : i32
      %dma_start3A_427 = arith.constant 0 : i32
      %dma_start3A_428 = tpu.memref_slice %arg15[%dma_start3A_426, %dma_start3A_427] : memref<5120x128xf32, #tpu.memory_space<vmem_shared>> -> memref<5120x128xf32, #tpu.memory_space<vmem_shared>>
      %dma_start3A_429 = tpu.memref_slice %arg18[%select_n3A_403] : memref<3x!tpu.dma_semaphore, #tpu.memory_space<semaphore_mem>> -> memref<1x!tpu.dma_semaphore, #tpu.memory_space<semaphore_mem>>
      %dma_start3A_430 = tpu.memref_squeeze %dma_start3A_429 : memref<1x!tpu.dma_semaphore, #tpu.memory_space<semaphore_mem>> -> memref<!tpu.dma_semaphore, #tpu.memory_space<semaphore_mem>>
      tpu.enqueue_indirect_dma source(%dma_start3A_424 : memref<80x128xf32, #tpu.memory_space<vmem>>) target(%dma_start3A_428 : memref<5120x128xf32, #tpu.memory_space<vmem_shared>>) offsets(%dma_start3A_425 : memref<80xi32, #tpu.memory_space<vmem>>) semaphore(%dma_start3A_430 : memref<!tpu.dma_semaphore, #tpu.memory_space<semaphore_mem>>) {add = true}
      %sub3A_431 = arith.constant 1 : i32
      %sub3A_432 = arith.subi %max3A_288, %sub3A_431 : i32
      %ne3A_433 = arith.cmpi ne, %while3A_388, %sub3A_432 : i32
      %convert_element_type3A = arith.extui %ne3A_433 : i1 to i32
      %cond3A = arith.constant 0 : i32
      %cond3A_434 = arith.cmpi ne, %convert_element_type3A, %cond3A : i32
      scf.if %cond3A_434 {
        %mul3A_448 = arith.constant 80 : i32
        %mul3A_449 = arith.muli %while3A_388, %mul3A_448 : i32
        %dma_start3A_450 = tpu.memref_slice %arg10[%mul3A_449] : memref<10080xi32, #tpu.memory_space<vmem>> -> memref<80xi32, #tpu.memory_space<vmem>>
        %dma_start3A_451 = arith.constant 0 : i32
        %dma_start3A_452 = arith.constant 0 : i32
        %dma_start3A_453 = tpu.memref_slice %arg16[%dma_start3A_451, %dma_start3A_452] : memref<5120x16xf32, #tpu.memory_space<vmem_shared>> -> memref<5120x16xf32, #tpu.memory_space<vmem_shared>>
        tpu.enqueue_indirect_dma source(%arg12 : memref<80x16xf32, #tpu.memory_space<vmem>>) target(%dma_start3A_453 : memref<5120x16xf32, #tpu.memory_space<vmem_shared>>) offsets(%dma_start3A_450 : memref<80xi32, #tpu.memory_space<vmem>>) semaphore(%arg19 : memref<!tpu.dma_semaphore, #tpu.memory_space<semaphore_mem>>) {add = true}
      } else {
      }
      %sub3A_435 = arith.constant 1 : i32
      %sub3A_436 = arith.subi %max3A_288, %sub3A_435 : i32
      %eq3A_437 = arith.cmpi eq, %while3A_388, %sub3A_436 : i32
      %convert_element_type3A_438 = arith.extui %eq3A_437 : i1 to i32
      %cond3A_439 = arith.constant 0 : i32
      %cond3A_440 = arith.cmpi ne, %convert_element_type3A_438, %cond3A_439 : i32
      scf.if %cond3A_440 {
        %mul3A_448 = arith.constant 80 : i32
        %mul3A_449 = arith.muli %while3A_388, %mul3A_448 : i32
        %dma_start3A_450 = tpu.memref_slice %arg10[%mul3A_449] : memref<10080xi32, #tpu.memory_space<vmem>> -> memref<80xi32, #tpu.memory_space<vmem>>
        %dma_start3A_451 = arith.constant 0 : i32
        %dma_start3A_452 = arith.constant 0 : i32
        %dma_start3A_453 = tpu.memref_slice %arg16[%dma_start3A_451, %dma_start3A_452] : memref<5120x16xf32, #tpu.memory_space<vmem_shared>> -> memref<5120x16xf32, #tpu.memory_space<vmem_shared>>
        tpu.enqueue_indirect_dma source(%arg13 : memref<80x16xf32, #tpu.memory_space<vmem>>) target(%dma_start3A_453 : memref<5120x16xf32, #tpu.memory_space<vmem_shared>>) offsets(%dma_start3A_450 : memref<80xi32, #tpu.memory_space<vmem>>) semaphore(%arg19 : memref<!tpu.dma_semaphore, #tpu.memory_space<semaphore_mem>>) {add = true}
      } else {
      }
      %add3A_441 = arith.constant 1 : i32
      %add3A_442 = arith.addi %while3A_388, %add3A_441 : i32
      %lt3A_443 = arith.cmpi slt, %add3A_442, %max3A_288 : i32
      %convert_element_type3A_444 = arith.extui %lt3A_443 : i1 to i32
      %cond3A_445 = arith.constant 0 : i32
      %cond3A_446 = arith.cmpi ne, %convert_element_type3A_444, %cond3A_445 : i32
      scf.if %cond3A_446 {
        %ge3A = arith.constant 2 : i32
        %ge3A_448 = arith.cmpi sge, %while3A_388, %ge3A : i32
        %convert_element_type3A_449 = arith.extui %ge3A_448 : i1 to i32
        %cond3A_450 = arith.constant 0 : i32
        %cond3A_451 = arith.cmpi ne, %convert_element_type3A_449, %cond3A_450 : i32
        scf.if %cond3A_451 {
          %add3A_484 = arith.constant 1 : i32
          %add3A_485 = arith.addi %while3A_388, %add3A_484 : i32
          %sub3A_486 = arith.constant 3 : i32
          %sub3A_487 = arith.subi %add3A_485, %sub3A_486 : i32
          %jit3A_488 = arith.constant 3 : i32
          %eq3A_489 = arith.constant 0 : i32
          %eq3A_490 = arith.cmpi eq, %jit3A_488, %eq3A_489 : i32
          %jit3A_491 = arith.constant 1 : i32
          %select_n3A_492 = arith.select %eq3A_490, %jit3A_491, %jit3A_488 : i32
          %rem3A_493 = arith.remsi %sub3A_487, %select_n3A_492 : i32
          %ne3A_494 = arith.constant 0 : i32
          %ne3A_495 = arith.cmpi ne, %rem3A_493, %ne3A_494 : i32
          %lt3A_496 = arith.constant 0 : i32
          %lt3A_497 = arith.cmpi slt, %rem3A_493, %lt3A_496 : i32
          %lt3A_498 = arith.constant 0 : i32
          %lt3A_499 = arith.cmpi slt, %select_n3A_492, %lt3A_498 : i32
          %ne3A_500 = arith.xori %lt3A_497, %lt3A_499 : i1
          %and3A_501 = arith.andi %ne3A_500, %ne3A_495 : i1
          %add3A_502 = arith.addi %rem3A_493, %select_n3A_492 : i32
          %select_n3A_503 = arith.select %and3A_501, %add3A_502, %rem3A_493 : i32
          %mul3A_504 = arith.constant 80 : i32
          %mul3A_505 = arith.muli %sub3A_487, %mul3A_504 : i32
          %dma_wait3A_506 = arith.constant 0 : i32
          %dma_wait3A_507 = arith.constant 0 : i32
          %dma_wait3A_508 = tpu.memref_slice %arg11[%select_n3A_503, %dma_wait3A_506, %dma_wait3A_507] : memref<3x80x128xf32, #tpu.memory_space<vmem>> -> memref<1x80x128xf32, #tpu.memory_space<vmem>>
          %dma_wait3A_509 = tpu.memref_squeeze %dma_wait3A_508 : memref<1x80x128xf32, #tpu.memory_space<vmem>> -> memref<80x128xf32, #tpu.memory_space<vmem>>
          %dma_wait3A_510 = tpu.memref_slice %arg10[%mul3A_505] : memref<10080xi32, #tpu.memory_space<vmem>> -> memref<80xi32, #tpu.memory_space<vmem>>
          %dma_wait3A_511 = arith.constant 0 : i32
          %dma_wait3A_512 = arith.constant 0 : i32
          %dma_wait3A_513 = tpu.memref_slice %arg15[%dma_wait3A_511, %dma_wait3A_512] : memref<5120x128xf32, #tpu.memory_space<vmem_shared>> -> memref<5120x128xf32, #tpu.memory_space<vmem_shared>>
          %dma_wait3A_514 = tpu.memref_slice %arg18[%select_n3A_503] : memref<3x!tpu.dma_semaphore, #tpu.memory_space<semaphore_mem>> -> memref<1x!tpu.dma_semaphore, #tpu.memory_space<semaphore_mem>>
          %dma_wait3A_515 = tpu.memref_squeeze %dma_wait3A_514 : memref<1x!tpu.dma_semaphore, #tpu.memory_space<semaphore_mem>> -> memref<!tpu.dma_semaphore, #tpu.memory_space<semaphore_mem>>
          tpu.wait_indirect_dma semaphore(%dma_wait3A_515 : memref<!tpu.dma_semaphore, #tpu.memory_space<semaphore_mem>>) src(%dma_wait3A_509 : memref<80x128xf32, #tpu.memory_space<vmem>>) dst(%dma_wait3A_513 : memref<5120x128xf32, #tpu.memory_space<vmem_shared>>)
        } else {
        }
        %add3A_452 = arith.constant 1 : i32
        %add3A_453 = arith.addi %while3A_388, %add3A_452 : i32
        %add3A_454 = arith.constant 1 : i32
        %add3A_455 = arith.addi %while3A_388, %add3A_454 : i32
        %jit3A_456 = arith.constant 3 : i32
        %eq3A_457 = arith.constant 0 : i32
        %eq3A_458 = arith.cmpi eq, %jit3A_456, %eq3A_457 : i32
        %jit3A_459 = arith.constant 1 : i32
        %select_n3A_460 = arith.select %eq3A_458, %jit3A_459, %jit3A_456 : i32
        %rem3A_461 = arith.remsi %add3A_455, %select_n3A_460 : i32
        %ne3A_462 = arith.constant 0 : i32
        %ne3A_463 = arith.cmpi ne, %rem3A_461, %ne3A_462 : i32
        %lt3A_464 = arith.constant 0 : i32
        %lt3A_465 = arith.cmpi slt, %rem3A_461, %lt3A_464 : i32
        %lt3A_466 = arith.constant 0 : i32
        %lt3A_467 = arith.cmpi slt, %select_n3A_460, %lt3A_466 : i32
        %ne3A_468 = arith.xori %lt3A_465, %lt3A_467 : i1
        %and3A_469 = arith.andi %ne3A_468, %ne3A_463 : i1
        %add3A_470 = arith.addi %rem3A_461, %select_n3A_460 : i32
        %select_n3A_471 = arith.select %and3A_469, %add3A_470, %rem3A_461 : i32
        %mul3A_472 = arith.constant 80 : i32
        %mul3A_473 = arith.muli %add3A_453, %mul3A_472 : i32
        %dma_start3A_474 = arith.constant 0 : i32
        %dma_start3A_475 = arith.constant 0 : i32
        %dma_start3A_476 = tpu.memref_slice %arg11[%select_n3A_471, %dma_start3A_474, %dma_start3A_475] : memref<3x80x128xf32, #tpu.memory_space<vmem>> -> memref<1x80x128xf32, #tpu.memory_space<vmem>>
        %dma_start3A_477 = tpu.memref_squeeze %dma_start3A_476 : memref<1x80x128xf32, #tpu.memory_space<vmem>> -> memref<80x128xf32, #tpu.memory_space<vmem>>
        %dma_start3A_478 = tpu.memref_slice %arg9[%mul3A_473] : memref<10080xi32, #tpu.memory_space<vmem>> -> memref<80xi32, #tpu.memory_space<vmem>>
        %dma_start3A_479 = arith.constant 0 : i32
        %dma_start3A_480 = arith.constant 0 : i32
        %dma_start3A_481 = tpu.memref_slice %arg2[%dma_start3A_479, %dma_start3A_480] : memref<10001x128xf32, #tpu.memory_space<hbm>> -> memref<10001x128xf32, #tpu.memory_space<hbm>>
        %dma_start3A_482 = tpu.memref_slice %arg17[%select_n3A_471] : memref<3x!tpu.dma_semaphore, #tpu.memory_space<semaphore_mem>> -> memref<1x!tpu.dma_semaphore, #tpu.memory_space<semaphore_mem>>
        %dma_start3A_483 = tpu.memref_squeeze %dma_start3A_482 : memref<1x!tpu.dma_semaphore, #tpu.memory_space<semaphore_mem>> -> memref<!tpu.dma_semaphore, #tpu.memory_space<semaphore_mem>>
        tpu.enqueue_indirect_dma source(%dma_start3A_481 : memref<10001x128xf32, #tpu.memory_space<hbm>>) target(%dma_start3A_477 : memref<80x128xf32, #tpu.memory_space<vmem>>) offsets(%dma_start3A_478 : memref<80xi32, #tpu.memory_space<vmem>>) semaphore(%dma_start3A_483 : memref<!tpu.dma_semaphore, #tpu.memory_space<semaphore_mem>>)
      } else {
      }
      %while3A_447 = arith.constant 0 : i32
      scf.yield %while3A_447 : i32
    }
    %min3A_326 = arith.constant 3 : i32
    %min3A_327 = arith.minsi %max3A_288, %min3A_326 : i32
    %while3A_328 = arith.constant 0 : i32
    %while3A_329 = arith.constant 0 : i32
    %while3A_330 = arith.subi %min3A_327, %while3A_328 : i32
    %while3A_331 = arith.addi %while3A_328, %while3A_330 : i32
    %while3A_332 = arith.constant 1 : i32
    %while3A_333 = arith.divsi %while3A_330, %while3A_332 : i32
    %while3A_334 = arith.muli %while3A_333, %while3A_332 : i32
    %while3A_335 = arith.addi %while3A_328, %while3A_334 : i32
    %while3A_336 = arith.constant 1 : i32
    %while3A_337 = scf.for %while3A_388 = %while3A_328 to %while3A_335 step %while3A_336 iter_args(%while3A_389 = %while3A_329) -> (i32)  : i32 {
      %sub3A_390 = arith.subi %max3A_288, %min3A_327 : i32
      %add3A_391 = arith.addi %sub3A_390, %while3A_388 : i32
      %jit3A_392 = arith.constant 3 : i32
      %eq3A = arith.constant 0 : i32
      %eq3A_393 = arith.cmpi eq, %jit3A_392, %eq3A : i32
      %jit3A_394 = arith.constant 1 : i32
      %select_n3A_395 = arith.select %eq3A_393, %jit3A_394, %jit3A_392 : i32
      %rem3A_396 = arith.remsi %add3A_391, %select_n3A_395 : i32
      %ne3A_397 = arith.constant 0 : i32
      %ne3A_398 = arith.cmpi ne, %rem3A_396, %ne3A_397 : i32
      %lt3A = arith.constant 0 : i32
      %lt3A_399 = arith.cmpi slt, %rem3A_396, %lt3A : i32
      %lt3A_400 = arith.constant 0 : i32
      %lt3A_401 = arith.cmpi slt, %select_n3A_395, %lt3A_400 : i32
      %ne3A_402 = arith.xori %lt3A_399, %lt3A_401 : i1
      %and3A_403 = arith.andi %ne3A_402, %ne3A_398 : i1
      %add3A_404 = arith.addi %rem3A_396, %select_n3A_395 : i32
      %select_n3A_405 = arith.select %and3A_403, %add3A_404, %rem3A_396 : i32
      %mul3A_406 = arith.constant 80 : i32
      %mul3A_407 = arith.muli %add3A_391, %mul3A_406 : i32
      %dma_wait3A = arith.constant 0 : i32
      %dma_wait3A_408 = arith.constant 0 : i32
      %dma_wait3A_409 = tpu.memref_slice %arg11[%select_n3A_405, %dma_wait3A, %dma_wait3A_408] : memref<3x80x128xf32, #tpu.memory_space<vmem>> -> memref<1x80x128xf32, #tpu.memory_space<vmem>>
      %dma_wait3A_410 = tpu.memref_squeeze %dma_wait3A_409 : memref<1x80x128xf32, #tpu.memory_space<vmem>> -> memref<80x128xf32, #tpu.memory_space<vmem>>
      %dma_wait3A_411 = tpu.memref_slice %arg10[%mul3A_407] : memref<10080xi32, #tpu.memory_space<vmem>> -> memref<80xi32, #tpu.memory_space<vmem>>
      %dma_wait3A_412 = arith.constant 0 : i32
      %dma_wait3A_413 = arith.constant 0 : i32
      %dma_wait3A_414 = tpu.memref_slice %arg15[%dma_wait3A_412, %dma_wait3A_413] : memref<5120x128xf32, #tpu.memory_space<vmem_shared>> -> memref<5120x128xf32, #tpu.memory_space<vmem_shared>>
      %dma_wait3A_415 = tpu.memref_slice %arg18[%select_n3A_405] : memref<3x!tpu.dma_semaphore, #tpu.memory_space<semaphore_mem>> -> memref<1x!tpu.dma_semaphore, #tpu.memory_space<semaphore_mem>>
      %dma_wait3A_416 = tpu.memref_squeeze %dma_wait3A_415 : memref<1x!tpu.dma_semaphore, #tpu.memory_space<semaphore_mem>> -> memref<!tpu.dma_semaphore, #tpu.memory_space<semaphore_mem>>
      tpu.wait_indirect_dma semaphore(%dma_wait3A_416 : memref<!tpu.dma_semaphore, #tpu.memory_space<semaphore_mem>>) src(%dma_wait3A_410 : memref<80x128xf32, #tpu.memory_space<vmem>>) dst(%dma_wait3A_414 : memref<5120x128xf32, #tpu.memory_space<vmem_shared>>)
      %while3A_417 = arith.constant 0 : i32
      scf.yield %while3A_417 : i32
    }
    %while3A_338 = arith.constant 1 : i32
    %while3A_339 = scf.for %while3A_388 = %while3A_335 to %while3A_331 step %while3A_338 iter_args(%while3A_389 = %while3A_337) -> (i32)  : i32 {
      %sub3A_390 = arith.subi %max3A_288, %min3A_327 : i32
      %add3A_391 = arith.addi %sub3A_390, %while3A_388 : i32
      %jit3A_392 = arith.constant 3 : i32
      %eq3A = arith.constant 0 : i32
      %eq3A_393 = arith.cmpi eq, %jit3A_392, %eq3A : i32
      %jit3A_394 = arith.constant 1 : i32
      %select_n3A_395 = arith.select %eq3A_393, %jit3A_394, %jit3A_392 : i32
      %rem3A_396 = arith.remsi %add3A_391, %select_n3A_395 : i32
      %ne3A_397 = arith.constant 0 : i32
      %ne3A_398 = arith.cmpi ne, %rem3A_396, %ne3A_397 : i32
      %lt3A = arith.constant 0 : i32
      %lt3A_399 = arith.cmpi slt, %rem3A_396, %lt3A : i32
      %lt3A_400 = arith.constant 0 : i32
      %lt3A_401 = arith.cmpi slt, %select_n3A_395, %lt3A_400 : i32
      %ne3A_402 = arith.xori %lt3A_399, %lt3A_401 : i1
      %and3A_403 = arith.andi %ne3A_402, %ne3A_398 : i1
      %add3A_404 = arith.addi %rem3A_396, %select_n3A_395 : i32
      %select_n3A_405 = arith.select %and3A_403, %add3A_404, %rem3A_396 : i32
      %mul3A_406 = arith.constant 80 : i32
      %mul3A_407 = arith.muli %add3A_391, %mul3A_406 : i32
      %dma_wait3A = arith.constant 0 : i32
      %dma_wait3A_408 = arith.constant 0 : i32
      %dma_wait3A_409 = tpu.memref_slice %arg11[%select_n3A_405, %dma_wait3A, %dma_wait3A_408] : memref<3x80x128xf32, #tpu.memory_space<vmem>> -> memref<1x80x128xf32, #tpu.memory_space<vmem>>
      %dma_wait3A_410 = tpu.memref_squeeze %dma_wait3A_409 : memref<1x80x128xf32, #tpu.memory_space<vmem>> -> memref<80x128xf32, #tpu.memory_space<vmem>>
      %dma_wait3A_411 = tpu.memref_slice %arg10[%mul3A_407] : memref<10080xi32, #tpu.memory_space<vmem>> -> memref<80xi32, #tpu.memory_space<vmem>>
      %dma_wait3A_412 = arith.constant 0 : i32
      %dma_wait3A_413 = arith.constant 0 : i32
      %dma_wait3A_414 = tpu.memref_slice %arg15[%dma_wait3A_412, %dma_wait3A_413] : memref<5120x128xf32, #tpu.memory_space<vmem_shared>> -> memref<5120x128xf32, #tpu.memory_space<vmem_shared>>
      %dma_wait3A_415 = tpu.memref_slice %arg18[%select_n3A_405] : memref<3x!tpu.dma_semaphore, #tpu.memory_space<semaphore_mem>> -> memref<1x!tpu.dma_semaphore, #tpu.memory_space<semaphore_mem>>
      %dma_wait3A_416 = tpu.memref_squeeze %dma_wait3A_415 : memref<1x!tpu.dma_semaphore, #tpu.memory_space<semaphore_mem>> -> memref<!tpu.dma_semaphore, #tpu.memory_space<semaphore_mem>>
      tpu.wait_indirect_dma semaphore(%dma_wait3A_416 : memref<!tpu.dma_semaphore, #tpu.memory_space<semaphore_mem>>) src(%dma_wait3A_410 : memref<80x128xf32, #tpu.memory_space<vmem>>) dst(%dma_wait3A_414 : memref<5120x128xf32, #tpu.memory_space<vmem_shared>>)
      %while3A_417 = arith.constant 0 : i32
      scf.yield %while3A_417 : i32
    }
    %while3A_340 = arith.constant 0 : i32
    %while3A_341 = arith.constant 0 : i32
    %while3A_342 = arith.subi %max3A_288, %while3A_340 : i32
    %while3A_343 = arith.addi %while3A_340, %while3A_342 : i32
    %while3A_344 = arith.constant 1 : i32
    %while3A_345 = arith.divsi %while3A_342, %while3A_344 : i32
    %while3A_346 = arith.muli %while3A_345, %while3A_344 : i32
    %while3A_347 = arith.addi %while3A_340, %while3A_346 : i32
    %while3A_348 = arith.constant 1 : i32
    %while3A_349 = scf.for %while3A_388 = %while3A_340 to %while3A_347 step %while3A_348 iter_args(%while3A_389 = %while3A_341) -> (i32)  : i32 {
      %dma_wait3A = arith.constant 0 : i32
      %dma_wait3A_390 = arith.constant 0 : i32
      %dma_wait3A_391 = tpu.memref_slice %arg6[%dma_wait3A, %dma_wait3A_390] : memref<10240x16xf32, #tpu.memory_space<hbm>> -> memref<80x16xf32, #tpu.memory_space<hbm>>
      %dma_wait3A_392 = arith.constant 0 : i32
      %dma_wait3A_393 = arith.constant 0 : i32
      %dma_wait3A_394 = tpu.memref_slice %arg6[%dma_wait3A_392, %dma_wait3A_393] : memref<10240x16xf32, #tpu.memory_space<hbm>> -> memref<80x16xf32, #tpu.memory_space<hbm>>
      tpu.wait_dma2 semaphore(%arg19 : memref<!tpu.dma_semaphore, #tpu.memory_space<semaphore_mem>>) src(%dma_wait3A_394 : memref<80x16xf32, #tpu.memory_space<hbm>>) dst(%arg12 : memref<80x16xf32, #tpu.memory_space<vmem>>)
      %while3A_395 = arith.constant 0 : i32
      scf.yield %while3A_395 : i32
    }
    %while3A_350 = arith.constant 1 : i32
    %while3A_351 = scf.for %while3A_388 = %while3A_347 to %while3A_343 step %while3A_350 iter_args(%while3A_389 = %while3A_349) -> (i32)  : i32 {
      %dma_wait3A = arith.constant 0 : i32
      %dma_wait3A_390 = arith.constant 0 : i32
      %dma_wait3A_391 = tpu.memref_slice %arg6[%dma_wait3A, %dma_wait3A_390] : memref<10240x16xf32, #tpu.memory_space<hbm>> -> memref<80x16xf32, #tpu.memory_space<hbm>>
      %dma_wait3A_392 = arith.constant 0 : i32
      %dma_wait3A_393 = arith.constant 0 : i32
      %dma_wait3A_394 = tpu.memref_slice %arg6[%dma_wait3A_392, %dma_wait3A_393] : memref<10240x16xf32, #tpu.memory_space<hbm>> -> memref<80x16xf32, #tpu.memory_space<hbm>>
      tpu.wait_dma2 semaphore(%arg19 : memref<!tpu.dma_semaphore, #tpu.memory_space<semaphore_mem>>) src(%dma_wait3A_394 : memref<80x16xf32, #tpu.memory_space<hbm>>) dst(%arg12 : memref<80x16xf32, #tpu.memory_space<vmem>>)
      %while3A_395 = arith.constant 0 : i32
      scf.yield %while3A_395 : i32
    }
    %barrier3A_352 = arith.constant 0 : index
    tpu.barrier barrier_id(%barrier3A_352)
    %mul3A_353 = arith.constant 5120 : i32
    %mul3A_354 = arith.muli %arg0, %mul3A_353 : i32
    %add3A_355 = arith.addi %mul3A_354, %mul3A_16 : i32
    %add3A_356 = arith.constant 0 : i32
    %add3A_357 = arith.addi %mul3A_16, %add3A_356 : i32
    %add3A_358 = arith.constant 0 : i32
    %add3A_359 = arith.addi %add3A_355, %add3A_358 : i32
    "tpu.region"() ({
      %run_scoped3A_388 = tpu.sem_alloc : memref<!tpu.dma_semaphore, #tpu.memory_space<semaphore_mem>>
      %dma_start3A_389 = arith.constant 0 : i32
      %dma_start3A_390 = tpu.memref_slice %arg5[%add3A_359, %dma_start3A_389] : memref<10240x128xf32, #tpu.memory_space<hbm>> -> memref<80x128xf32, #tpu.memory_space<hbm>>
      %dma_start3A_391 = arith.constant 0 : i32
      %dma_start3A_392 = tpu.memref_slice %arg15[%add3A_357, %dma_start3A_391] : memref<5120x128xf32, #tpu.memory_space<vmem_shared>> -> memref<80x128xf32, #tpu.memory_space<vmem_shared>>
      tpu.enqueue_dma source(%dma_start3A_392 : memref<80x128xf32, #tpu.memory_space<vmem_shared>>) target(%dma_start3A_390 : memref<80x128xf32, #tpu.memory_space<hbm>>) target_semaphore(%run_scoped3A_388 : memref<!tpu.dma_semaphore, #tpu.memory_space<semaphore_mem>>)
      %dma_wait3A = arith.constant 0 : i32
      %dma_wait3A_393 = tpu.memref_slice %arg5[%add3A_359, %dma_wait3A] : memref<10240x128xf32, #tpu.memory_space<hbm>> -> memref<80x128xf32, #tpu.memory_space<hbm>>
      %dma_wait3A_394 = arith.constant 0 : i32
      %dma_wait3A_395 = tpu.memref_slice %arg15[%add3A_357, %dma_wait3A_394] : memref<5120x128xf32, #tpu.memory_space<vmem_shared>> -> memref<80x128xf32, #tpu.memory_space<vmem_shared>>
      tpu.wait_dma2 semaphore(%run_scoped3A_388 : memref<!tpu.dma_semaphore, #tpu.memory_space<semaphore_mem>>) src(%dma_wait3A_395 : memref<80x128xf32, #tpu.memory_space<vmem_shared>>) dst(%dma_wait3A_393 : memref<80x128xf32, #tpu.memory_space<hbm>>)
      tpu.yield
    }) : () -> ()
    %add3A_360 = arith.constant 0 : i32
    %add3A_361 = arith.addi %mul3A_16, %add3A_360 : i32
    %add3A_362 = arith.constant 0 : i32
    %add3A_363 = arith.addi %add3A_355, %add3A_362 : i32
    "tpu.region"() ({
      %run_scoped3A_388 = tpu.sem_alloc : memref<!tpu.dma_semaphore, #tpu.memory_space<semaphore_mem>>
      %dma_start3A_389 = arith.constant 0 : i32
      %dma_start3A_390 = tpu.memref_slice %arg6[%add3A_363, %dma_start3A_389] : memref<10240x16xf32, #tpu.memory_space<hbm>> -> memref<80x16xf32, #tpu.memory_space<hbm>>
      %dma_start3A_391 = arith.constant 0 : i32
      %dma_start3A_392 = tpu.memref_slice %arg16[%add3A_361, %dma_start3A_391] : memref<5120x16xf32, #tpu.memory_space<vmem_shared>> -> memref<80x16xf32, #tpu.memory_space<vmem_shared>>
      tpu.enqueue_dma source(%dma_start3A_392 : memref<80x16xf32, #tpu.memory_space<vmem_shared>>) target(%dma_start3A_390 : memref<80x16xf32, #tpu.memory_space<hbm>>) target_semaphore(%run_scoped3A_388 : memref<!tpu.dma_semaphore, #tpu.memory_space<semaphore_mem>>)
      %dma_wait3A = arith.constant 0 : i32
      %dma_wait3A_393 = tpu.memref_slice %arg6[%add3A_363, %dma_wait3A] : memref<10240x16xf32, #tpu.memory_space<hbm>> -> memref<80x16xf32, #tpu.memory_space<hbm>>
      %dma_wait3A_394 = arith.constant 0 : i32
      %dma_wait3A_395 = tpu.memref_slice %arg16[%add3A_361, %dma_wait3A_394] : memref<5120x16xf32, #tpu.memory_space<vmem_shared>> -> memref<80x16xf32, #tpu.memory_space<vmem_shared>>
      tpu.wait_dma2 semaphore(%run_scoped3A_388 : memref<!tpu.dma_semaphore, #tpu.memory_space<semaphore_mem>>) src(%dma_wait3A_395 : memref<80x16xf32, #tpu.memory_space<vmem_shared>>) dst(%dma_wait3A_393 : memref<80x16xf32, #tpu.memory_space<hbm>>)
      tpu.yield
    }) : () -> ()
    %add3A_364 = arith.constant 80 : i32
    %add3A_365 = arith.addi %mul3A_16, %add3A_364 : i32
    %add3A_366 = arith.constant 80 : i32
    %add3A_367 = arith.addi %add3A_355, %add3A_366 : i32
    "tpu.region"() ({
      %run_scoped3A_388 = tpu.sem_alloc : memref<!tpu.dma_semaphore, #tpu.memory_space<semaphore_mem>>
      %dma_start3A_389 = arith.constant 0 : i32
      %dma_start3A_390 = tpu.memref_slice %arg5[%add3A_367, %dma_start3A_389] : memref<10240x128xf32, #tpu.memory_space<hbm>> -> memref<80x128xf32, #tpu.memory_space<hbm>>
      %dma_start3A_391 = arith.constant 0 : i32
      %dma_start3A_392 = tpu.memref_slice %arg15[%add3A_365, %dma_start3A_391] : memref<5120x128xf32, #tpu.memory_space<vmem_shared>> -> memref<80x128xf32, #tpu.memory_space<vmem_shared>>
      tpu.enqueue_dma source(%dma_start3A_392 : memref<80x128xf32, #tpu.memory_space<vmem_shared>>) target(%dma_start3A_390 : memref<80x128xf32, #tpu.memory_space<hbm>>) target_semaphore(%run_scoped3A_388 : memref<!tpu.dma_semaphore, #tpu.memory_space<semaphore_mem>>)
      %dma_wait3A = arith.constant 0 : i32
      %dma_wait3A_393 = tpu.memref_slice %arg5[%add3A_367, %dma_wait3A] : memref<10240x128xf32, #tpu.memory_space<hbm>> -> memref<80x128xf32, #tpu.memory_space<hbm>>
      %dma_wait3A_394 = arith.constant 0 : i32
      %dma_wait3A_395 = tpu.memref_slice %arg15[%add3A_365, %dma_wait3A_394] : memref<5120x128xf32, #tpu.memory_space<vmem_shared>> -> memref<80x128xf32, #tpu.memory_space<vmem_shared>>
      tpu.wait_dma2 semaphore(%run_scoped3A_388 : memref<!tpu.dma_semaphore, #tpu.memory_space<semaphore_mem>>) src(%dma_wait3A_395 : memref<80x128xf32, #tpu.memory_space<vmem_shared>>) dst(%dma_wait3A_393 : memref<80x128xf32, #tpu.memory_space<hbm>>)
      tpu.yield
    }) : () -> ()
    %add3A_368 = arith.constant 80 : i32
    %add3A_369 = arith.addi %mul3A_16, %add3A_368 : i32
    %add3A_370 = arith.constant 80 : i32
    %add3A_371 = arith.addi %add3A_355, %add3A_370 : i32
    "tpu.region"() ({
      %run_scoped3A_388 = tpu.sem_alloc : memref<!tpu.dma_semaphore, #tpu.memory_space<semaphore_mem>>
      %dma_start3A_389 = arith.constant 0 : i32
      %dma_start3A_390 = tpu.memref_slice %arg6[%add3A_371, %dma_start3A_389] : memref<10240x16xf32, #tpu.memory_space<hbm>> -> memref<80x16xf32, #tpu.memory_space<hbm>>
      %dma_start3A_391 = arith.constant 0 : i32
      %dma_start3A_392 = tpu.memref_slice %arg16[%add3A_369, %dma_start3A_391] : memref<5120x16xf32, #tpu.memory_space<vmem_shared>> -> memref<80x16xf32, #tpu.memory_space<vmem_shared>>
      tpu.enqueue_dma source(%dma_start3A_392 : memref<80x16xf32, #tpu.memory_space<vmem_shared>>) target(%dma_start3A_390 : memref<80x16xf32, #tpu.memory_space<hbm>>) target_semaphore(%run_scoped3A_388 : memref<!tpu.dma_semaphore, #tpu.memory_space<semaphore_mem>>)
      %dma_wait3A = arith.constant 0 : i32
      %dma_wait3A_393 = tpu.memref_slice %arg6[%add3A_371, %dma_wait3A] : memref<10240x16xf32, #tpu.memory_space<hbm>> -> memref<80x16xf32, #tpu.memory_space<hbm>>
      %dma_wait3A_394 = arith.constant 0 : i32
      %dma_wait3A_395 = tpu.memref_slice %arg16[%add3A_369, %dma_wait3A_394] : memref<5120x16xf32, #tpu.memory_space<vmem_shared>> -> memref<80x16xf32, #tpu.memory_space<vmem_shared>>
      tpu.wait_dma2 semaphore(%run_scoped3A_388 : memref<!tpu.dma_semaphore, #tpu.memory_space<semaphore_mem>>) src(%dma_wait3A_395 : memref<80x16xf32, #tpu.memory_space<vmem_shared>>) dst(%dma_wait3A_393 : memref<80x16xf32, #tpu.memory_space<hbm>>)
      tpu.yield
    }) : () -> ()
    %add3A_372 = arith.constant 160 : i32
    %add3A_373 = arith.addi %mul3A_16, %add3A_372 : i32
    %add3A_374 = arith.constant 160 : i32
    %add3A_375 = arith.addi %add3A_355, %add3A_374 : i32
    "tpu.region"() ({
      %run_scoped3A_388 = tpu.sem_alloc : memref<!tpu.dma_semaphore, #tpu.memory_space<semaphore_mem>>
      %dma_start3A_389 = arith.constant 0 : i32
      %dma_start3A_390 = tpu.memref_slice %arg5[%add3A_375, %dma_start3A_389] : memref<10240x128xf32, #tpu.memory_space<hbm>> -> memref<80x128xf32, #tpu.memory_space<hbm>>
      %dma_start3A_391 = arith.constant 0 : i32
      %dma_start3A_392 = tpu.memref_slice %arg15[%add3A_373, %dma_start3A_391] : memref<5120x128xf32, #tpu.memory_space<vmem_shared>> -> memref<80x128xf32, #tpu.memory_space<vmem_shared>>
      tpu.enqueue_dma source(%dma_start3A_392 : memref<80x128xf32, #tpu.memory_space<vmem_shared>>) target(%dma_start3A_390 : memref<80x128xf32, #tpu.memory_space<hbm>>) target_semaphore(%run_scoped3A_388 : memref<!tpu.dma_semaphore, #tpu.memory_space<semaphore_mem>>)
      %dma_wait3A = arith.constant 0 : i32
      %dma_wait3A_393 = tpu.memref_slice %arg5[%add3A_375, %dma_wait3A] : memref<10240x128xf32, #tpu.memory_space<hbm>> -> memref<80x128xf32, #tpu.memory_space<hbm>>
      %dma_wait3A_394 = arith.constant 0 : i32
      %dma_wait3A_395 = tpu.memref_slice %arg15[%add3A_373, %dma_wait3A_394] : memref<5120x128xf32, #tpu.memory_space<vmem_shared>> -> memref<80x128xf32, #tpu.memory_space<vmem_shared>>
      tpu.wait_dma2 semaphore(%run_scoped3A_388 : memref<!tpu.dma_semaphore, #tpu.memory_space<semaphore_mem>>) src(%dma_wait3A_395 : memref<80x128xf32, #tpu.memory_space<vmem_shared>>) dst(%dma_wait3A_393 : memref<80x128xf32, #tpu.memory_space<hbm>>)
      tpu.yield
    }) : () -> ()
    %add3A_376 = arith.constant 160 : i32
    %add3A_377 = arith.addi %mul3A_16, %add3A_376 : i32
    %add3A_378 = arith.constant 160 : i32
    %add3A_379 = arith.addi %add3A_355, %add3A_378 : i32
    "tpu.region"() ({
      %run_scoped3A_388 = tpu.sem_alloc : memref<!tpu.dma_semaphore, #tpu.memory_space<semaphore_mem>>
      %dma_start3A_389 = arith.constant 0 : i32
      %dma_start3A_390 = tpu.memref_slice %arg6[%add3A_379, %dma_start3A_389] : memref<10240x16xf32, #tpu.memory_space<hbm>> -> memref<80x16xf32, #tpu.memory_space<hbm>>
      %dma_start3A_391 = arith.constant 0 : i32
      %dma_start3A_392 = tpu.memref_slice %arg16[%add3A_377, %dma_start3A_391] : memref<5120x16xf32, #tpu.memory_space<vmem_shared>> -> memref<80x16xf32, #tpu.memory_space<vmem_shared>>
      tpu.enqueue_dma source(%dma_start3A_392 : memref<80x16xf32, #tpu.memory_space<vmem_shared>>) target(%dma_start3A_390 : memref<80x16xf32, #tpu.memory_space<hbm>>) target_semaphore(%run_scoped3A_388 : memref<!tpu.dma_semaphore, #tpu.memory_space<semaphore_mem>>)
      %dma_wait3A = arith.constant 0 : i32
      %dma_wait3A_393 = tpu.memref_slice %arg6[%add3A_379, %dma_wait3A] : memref<10240x16xf32, #tpu.memory_space<hbm>> -> memref<80x16xf32, #tpu.memory_space<hbm>>
      %dma_wait3A_394 = arith.constant 0 : i32
      %dma_wait3A_395 = tpu.memref_slice %arg16[%add3A_377, %dma_wait3A_394] : memref<5120x16xf32, #tpu.memory_space<vmem_shared>> -> memref<80x16xf32, #tpu.memory_space<vmem_shared>>
      tpu.wait_dma2 semaphore(%run_scoped3A_388 : memref<!tpu.dma_semaphore, #tpu.memory_space<semaphore_mem>>) src(%dma_wait3A_395 : memref<80x16xf32, #tpu.memory_space<vmem_shared>>) dst(%dma_wait3A_393 : memref<80x16xf32, #tpu.memory_space<hbm>>)
      tpu.yield
    }) : () -> ()
    %add3A_380 = arith.constant 240 : i32
    %add3A_381 = arith.addi %mul3A_16, %add3A_380 : i32
    %add3A_382 = arith.constant 240 : i32
    %add3A_383 = arith.addi %add3A_355, %add3A_382 : i32
    "tpu.region"() ({
      %run_scoped3A_388 = tpu.sem_alloc : memref<!tpu.dma_semaphore, #tpu.memory_space<semaphore_mem>>
      %dma_start3A_389 = arith.constant 0 : i32
      %dma_start3A_390 = tpu.memref_slice %arg5[%add3A_383, %dma_start3A_389] : memref<10240x128xf32, #tpu.memory_space<hbm>> -> memref<80x128xf32, #tpu.memory_space<hbm>>
      %dma_start3A_391 = arith.constant 0 : i32
      %dma_start3A_392 = tpu.memref_slice %arg15[%add3A_381, %dma_start3A_391] : memref<5120x128xf32, #tpu.memory_space<vmem_shared>> -> memref<80x128xf32, #tpu.memory_space<vmem_shared>>
      tpu.enqueue_dma source(%dma_start3A_392 : memref<80x128xf32, #tpu.memory_space<vmem_shared>>) target(%dma_start3A_390 : memref<80x128xf32, #tpu.memory_space<hbm>>) target_semaphore(%run_scoped3A_388 : memref<!tpu.dma_semaphore, #tpu.memory_space<semaphore_mem>>)
      %dma_wait3A = arith.constant 0 : i32
      %dma_wait3A_393 = tpu.memref_slice %arg5[%add3A_383, %dma_wait3A] : memref<10240x128xf32, #tpu.memory_space<hbm>> -> memref<80x128xf32, #tpu.memory_space<hbm>>
      %dma_wait3A_394 = arith.constant 0 : i32
      %dma_wait3A_395 = tpu.memref_slice %arg15[%add3A_381, %dma_wait3A_394] : memref<5120x128xf32, #tpu.memory_space<vmem_shared>> -> memref<80x128xf32, #tpu.memory_space<vmem_shared>>
      tpu.wait_dma2 semaphore(%run_scoped3A_388 : memref<!tpu.dma_semaphore, #tpu.memory_space<semaphore_mem>>) src(%dma_wait3A_395 : memref<80x128xf32, #tpu.memory_space<vmem_shared>>) dst(%dma_wait3A_393 : memref<80x128xf32, #tpu.memory_space<hbm>>)
      tpu.yield
    }) : () -> ()
    %add3A_384 = arith.constant 240 : i32
    %add3A_385 = arith.addi %mul3A_16, %add3A_384 : i32
    %add3A_386 = arith.constant 240 : i32
    %add3A_387 = arith.addi %add3A_355, %add3A_386 : i32
    "tpu.region"() ({
      %run_scoped3A_388 = tpu.sem_alloc : memref<!tpu.dma_semaphore, #tpu.memory_space<semaphore_mem>>
      %dma_start3A_389 = arith.constant 0 : i32
      %dma_start3A_390 = tpu.memref_slice %arg6[%add3A_387, %dma_start3A_389] : memref<10240x16xf32, #tpu.memory_space<hbm>> -> memref<80x16xf32, #tpu.memory_space<hbm>>
      %dma_start3A_391 = arith.constant 0 : i32
      %dma_start3A_392 = tpu.memref_slice %arg16[%add3A_385, %dma_start3A_391] : memref<5120x16xf32, #tpu.memory_space<vmem_shared>> -> memref<80x16xf32, #tpu.memory_space<vmem_shared>>
      tpu.enqueue_dma source(%dma_start3A_392 : memref<80x16xf32, #tpu.memory_space<vmem_shared>>) target(%dma_start3A_390 : memref<80x16xf32, #tpu.memory_space<hbm>>) target_semaphore(%run_scoped3A_388 : memref<!tpu.dma_semaphore, #tpu.memory_space<semaphore_mem>>)
      %dma_wait3A = arith.constant 0 : i32
      %dma_wait3A_393 = tpu.memref_slice %arg6[%add3A_387, %dma_wait3A] : memref<10240x16xf32, #tpu.memory_space<hbm>> -> memref<80x16xf32, #tpu.memory_space<hbm>>
      %dma_wait3A_394 = arith.constant 0 : i32
      %dma_wait3A_395 = tpu.memref_slice %arg16[%add3A_385, %dma_wait3A_394] : memref<5120x16xf32, #tpu.memory_space<vmem_shared>> -> memref<80x16xf32, #tpu.memory_space<vmem_shared>>
      tpu.wait_dma2 semaphore(%run_scoped3A_388 : memref<!tpu.dma_semaphore, #tpu.memory_space<semaphore_mem>>) src(%dma_wait3A_395 : memref<80x16xf32, #tpu.memory_space<vmem_shared>>) dst(%dma_wait3A_393 : memref<80x16xf32, #tpu.memory_space<hbm>>)
      tpu.yield
    }) : () -> ()
    return
  }
}

module attributes {stable_mosaic.version = 14 : i64} {
  func.func @_combine_body(%arg0: i32, %arg1: memref<80x128xf32, #tpu.memory_space<vmem>>, %arg2: memref<80x16xf32, #tpu.memory_space<vmem>>, %arg3: memref<80x128xf32, #tpu.memory_space<vmem>>) attributes {dimension_semantics = [#tpu.dimension_semantics<arbitrary>], iteration_bounds = array<i64: 125>, scalar_prefetch = 0 : i64, scratch_operands = 0 : i64, tpu.core_type = #tpu.core_type<tc>, window_params = [{transform_indices = @transform_0, window_bounds = array<i64: 80, 128>}, {transform_indices = @transform_1, window_bounds = array<i64: 80, 16>}, {transform_indices = @transform_2, window_bounds = array<i64: 80, 128>}]} {
    %get3A = arith.constant 0 : index
    %get3A_0 = arith.constant 0 : index
    %get3A_1 = vector.load %arg1[%get3A, %get3A_0] : memref<80x128xf32, #tpu.memory_space<vmem>>, vector<80x128xf32>
    %get3A_2 = arith.constant 0 : index
    %get3A_3 = arith.constant 0 : index
    %get3A_4 = vector.load %arg2[%get3A_2, %get3A_3] : memref<80x16xf32, #tpu.memory_space<vmem>>, vector<80x1xf32>
    %gt3A = arith.constant 0.000000e+00 : f32
    %gt3A_5 = vector.broadcast %gt3A : f32 to vector<80x1xf32>
    %gt3A_6 = arith.cmpf ogt, %get3A_4, %gt3A_5 : vector<80x1xf32>
    %max3A = arith.constant 1.000000e+00 : f32
    %max3A_7 = vector.broadcast %max3A : f32 to vector<80x1xf32>
    %max3A_8 = arith.maximumf %get3A_4, %max3A_7 : vector<80x1xf32>
    %div3A = vector.broadcast %max3A_8 : vector<80x1xf32> to vector<80x128xf32>
    %div3A_9 = arith.divf %get3A_1, %div3A : vector<80x128xf32>
    %jit3A = arith.constant 0.000000e+00 : f32
    %broadcast_in_dim3A = vector.shape_cast %gt3A_6 : vector<80x1xi1> to vector<80x1xi1>
    %broadcast_in_dim3A_10 = vector.broadcast %broadcast_in_dim3A : vector<80x1xi1> to vector<80x128xi1>
    %broadcast_in_dim3A_11 = vector.broadcast %jit3A : f32 to vector<80x128xf32>
    %select_n3A = arith.select %broadcast_in_dim3A_10, %div3A_9, %broadcast_in_dim3A_11 : vector<80x128xi1>, vector<80x128xf32>
    %swap3A = arith.constant 0 : index
    %swap3A_12 = arith.constant 0 : index
    %swap3A_13 = vector.load %arg3[%swap3A, %swap3A_12] : memref<80x128xf32, #tpu.memory_space<vmem>>, vector<80x128xf32>
    tpu.vector_store %arg3[%swap3A, %swap3A_12], %select_n3A {strides = array<i32>} : memref<80x128xf32, #tpu.memory_space<vmem>>, vector<80x128xf32>,
    return
  }
  func.func @transform_0(%arg0: i32) -> (i32, i32) {
    %c0_i32 = arith.constant 0 : i32
    %c0_i32_0 = arith.constant 0 : i32
    return %arg0, %c0_i32 : i32, i32
  }
  func.func @transform_1(%arg0: i32) -> (i32, i32) {
    %c0_i32 = arith.constant 0 : i32
    %c0_i32_0 = arith.constant 0 : i32
    return %arg0, %c0_i32 : i32, i32
  }
  func.func @transform_2(%arg0: i32) -> (i32, i32) {
    %c0_i32 = arith.constant 0 : i32
    %c0_i32_0 = arith.constant 0 : i32
    return %arg0, %c0_i32 : i32, i32
  }
}

</mosaic_0001>

<sc_bundles>
// kernel: kernel.4.cloned.1.call-start
scs
__scs_entry_jumppad:
0x0: {  	(pc) =	sbr.rel $0x88, $3  }
0x1: {  	(tag) =	ssettag $0x0;
	lr =	simm.s32 $0x1  }
0x2: {  	[smem:$0x3F9F] =	sst lr;
	_ =	strace $0xD0000000  }
0x3: {  	_ = 	snop  }
0x4: {  	_ = 	snop  }
0x5: {  	_ = 	snop  }
0x6: {  	_ = 	snop  }
0x7: {  	_ = 	snop  }
__scs_overlays_trampoline_lowered:
0x8: {  	[smem:$0x3FAE] =	sst s0  }
0x9: {  	[smem:$0x3FAF] =	sst s1  }
0xa: {  	[smem:$0x3FB0] =	sst s2  }
0xb: {  	[smem:$0x3FB1] =	sst s3  }
0xc: {  	[smem:$0x3FB2] =	sst s4  }
0xd: {  	[smem:$0x3FB3] =	sst s5  }
0xe: {  	[smem:$0x3FB4] =	sst s6  }
0xf: {  	[smem:$0x3FB5] =	sst s7  }
0x10: {  	[smem:$0x3FB6] =	sst s8  }
0x11: {  	[smem:$0x3FB7] =	sst s9;
	s0 =	simm.s32 @!p0 $0x0  }
0x12: {  	s1 =	sld [smem:$0x3F9D];
	s0 =	simm.s32 @p0 $0x1  }
0x13: {  	[smem:$0x3FB8] =	sst s0;
	s0 =	simm.s32 @!p1 $0x0  }
0x14: {  	s2 =	sld [smem:$0x3F9C];
	s0 =	simm.s32 @p1 $0x1  }
0x15: {  	[smem:$0x3FB9] =	sst s0;
	s0 =	simm.s32 @!p2 $0x0  }
0x16: {  	s3 =	sld [smem:$0x3FDB];
	s0 =	simm.s32 @p2 $0x1  }
0x17: {  	s4 =	simm.s32 $0x1BF5;
	[smem:$0x3FBB] =	sst s0  }
0x18: {  	s0 =	sld [smem:$0x3F9E];
	_ =	swait.ge [sflag:s4], $0x0  }
0x19: {  	s7 =	sld [smem:$0x3F9F]  }
0x1a: {  	s8 =	sadd.s32 $0xFFFFE003, lr  }
0x1b: {  	s9 =	sadd.s32 $0xFFFFFEF7, lr;
	s5 =	simm.s32 $0xFFFFFFFF;
	p2 =	slt.u32 s8, $0xFFFFF086  }
0x1c: {  	p1 =	slt.u32 s9, $0xF7A;
	s5 =	simm.s32 @!p2 $0x0  }
0x1d: {  	s5 =	simm.s32 @p1 $0x1;
	p0 =	seq.s32 s7, s2  }
0x1e: {  	s7 =	smul.u32 @!p0 $0xF7A, s2;
	p2 =	seq.s32 @!p0 s5, $0x0  }
0x1f: {  	s9 =	smul.u32 $0xF7A, s1;
	s8 =	simm.s32 @!p0 $0x1BF5;
	p2 =	por !p2, p0  }
0x20: {  	[sflag:s8] =	ssyncset.s32 @!p0 $0xFFFFF086;
	s6 =	sadd.s32 @!p0 s3, s7;
	s7 =	simm.s32 @!p0 $0x108  }
0x21: {  	s3 =	sadd.s32 s3, s9;
	s6 =	sadd.s32 @!p0 $0x88, s6;
	s7 =	simm.s32 @p2 $0x1082  }
0x22: {  	[simem:s7], [sflag:s8] =	dma.local @!p0 [hbm:s6], $0xF7A  }
0x23: {  	s9 =	sor.u32 $0xD0000000, s2;
	s6 =	simm.s32 $0x108;
	_ =	swait.ge @!p0 [sflag:s8], $0x0  }
0x24: {  	s3 =	sadd.s32 $0x88, s3;
	s6 =	simm.s32 @!p1 $0x1082;
	[sflag:s4] =	ssyncset.s32 $0xFFFFF086  }
0x25: {  	[simem:s6], [sflag:s4] =	dma.local [hbm:s3], $0xF7A  }
0x26: {  	[smem:$0x3F9F] =	sst s1;
	(tag) =	ssettag s2;
	_ =	strace s9  }
0x27: {  	s1 =	sld [smem:$0x3FAF]  }
0x28: {  	s2 =	sld [smem:$0x3FB0]  }
0x29: {  	s4 =	sld [smem:$0x3FB2]  }
0x2a: {  	p0 =	seq.s32 s5, $0x0;
	s5 =	sld [smem:$0x3FB3]  }
0x2b: {  	s6 =	sld [smem:$0x3FB4]  }
0x2c: {  	s7 =	sld [smem:$0x3FB5]  }
0x2d: {  	s3 =	simm.s32 $0x108;
	s8 =	sld [smem:$0x3FB6]  }
0x2e: {  	s3 =	simm.s32 @!p0 $0x1082;
	s9 =	sld [smem:$0x3FB7]  }
0x2f: {  	lr =	sadd.s32 s0, s3;
	s0 =	sld [smem:$0x3FAE]  }
0x30: {  	s3 =	sld [smem:$0x3FB1]  }
0x31: {  	[smem:$0x3FBA] =	sst s10  }
0x32: {  	s10 =	sld [smem:$0x3FB8];
	_ =	sdelay $0x3  }
0x33: {  	p0 =	seq.s32 s10, $0x1;
	s10 =	sld [smem:$0x3FBA];
	_ =	sdelay $0x3  }
0x34: {  	[smem:$0x3FBA] =	sst s10  }
0x35: {  	s10 =	sld [smem:$0x3FB9];
	_ =	sdelay $0x3  }
0x36: {  	p1 =	seq.s32 s10, $0x1;
	s10 =	sld [smem:$0x3FBA];
	_ =	sdelay $0x3  }
0x37: {  	[smem:$0x3FBA] =	sst s10  }
0x38: {  	s10 =	sld [smem:$0x3FBB]  }
0x39: {  	_ = 	snop;
	(pc) =	sbr.ind lr, $3  }
0x3a: {  	_ = 	snop  }
0x3b: {  	_ = 	snop  }
0x3c: {  	p2 =	seq.s32 s10, $0x1;
	s10 =	sld [smem:$0x3FBA]  }
0x3d: {  	_ =	shalt  }
0x3e: {  	_ =	shalt  }
0x3f: {  	_ =	shalt  }
0x40: {  	_ =	shalt  }
0x41: {  	_ =	shalt  }
0x42: {  	_ =	shalt  }
0x43: {  	_ =	shalt  }
0x44: {  	_ =	shalt  }
0x45: {  	_ =	shalt  }
0x46: {  	_ =	shalt  }
0x47: {  	_ =	shalt  }
0x48: {  	_ =	shalt  }
0x49: {  	_ =	shalt  }
0x4a: {  	_ =	shalt  }
0x4b: {  	_ =	shalt  }
0x4c: {  	_ =	shalt  }
0x4d: {  	_ =	shalt  }
0x4e: {  	_ =	shalt  }
0x4f: {  	_ =	shalt  }
0x50: {  	_ =	shalt  }
0x51: {  	_ =	shalt  }
0x52: {  	_ =	shalt  }
0x53: {  	_ =	shalt  }
0x54: {  	_ =	shalt  }
0x55: {  	_ =	shalt  }
0x56: {  	_ =	shalt  }
0x57: {  	_ =	shalt  }
0x58: {  	_ =	shalt  }
0x59: {  	_ =	shalt  }
0x5a: {  	_ =	shalt  }
0x5b: {  	_ =	shalt  }
0x5c: {  	_ =	shalt  }
0x5d: {  	_ =	shalt  }
0x5e: {  	_ =	shalt  }
0x5f: {  	_ =	shalt  }
0x60: {  	_ =	shalt  }
0x61: {  	_ =	shalt  }
0x62: {  	_ =	shalt  }
0x63: {  	_ =	shalt  }
0x64: {  	_ =	shalt  }
0x65: {  	_ =	shalt  }
0x66: {  	_ =	shalt  }
0x67: {  	_ =	shalt  }
0x68: {  	_ =	shalt  }
0x69: {  	_ =	shalt  }
0x6a: {  	_ =	shalt  }
0x6b: {  	_ =	shalt  }
0x6c: {  	_ =	shalt  }
0x6d: {  	_ =	shalt  }
0x6e: {  	_ =	shalt  }
0x6f: {  	_ =	shalt  }
0x70: {  	_ =	shalt  }
0x71: {  	_ =	shalt  }
0x72: {  	_ =	shalt  }
0x73: {  	_ =	shalt  }
0x74: {  	_ =	shalt  }
0x75: {  	_ =	shalt  }
0x76: {  	_ =	shalt  }
0x77: {  	_ =	shalt  }
0x78: {  	_ =	shalt  }
0x79: {  	_ =	shalt  }
0x7a: {  	_ =	shalt  }
0x7b: {  	_ =	shalt  }
0x7c: {  	_ =	shalt  }
0x7d: {  	_ =	shalt  }
0x7e: {  	_ =	shalt  }
0x7f: {  	_ =	shalt  }
0x80: {  	_ =	shalt  }
0x81: {  	_ =	shalt  }
0x82: {  	_ =	shalt  }
0x83: {  	_ =	shalt  }
0x84: {  	_ =	shalt  }
0x85: {  	_ =	shalt  }
0x86: {  	_ =	shalt  }
0x87: {  	_ =	shalt  }
.Lfunc_end0:
.L_simem_size_0:
called_computation_lowered:
.L_overlay_start_0:
0x88: {  	s2 =	sld [smem:$0x3FD9]  }
0x89: {  	s3 =	sld [smem:$0x3FFE];
	_ =	sdelay $0x1  }
0x8a: {  	s1 =	srdreg.scid  }
0x8b: {  	s0 =	sand.u32 $0x1, s1  }
0x8c: {  	s17 =	sshll.u32 s0, $0xA;
	s2 =	sadd.s32 s3, s2  }
0x8d: {  	s2 =	sadd.s32 s2, s17  }
0x8e: {  	[smem:$0x3FC6] =	sst s2  }
0x8f: {  	_ = 	snop  }
0x90: {  	s2 =	sld [smem:$0x3FD0];
	(tm) =	ssettm $0x1  }
0x91: {  	s18 =	sld [smem:$0x3FFB];
	_ =	sdelay $0x3  }
0x92: {  	_ =	strace s18  }
0x93: {  	s3 =	sld [smem:$0x3FFC];
	_ =	sdelay $0x3  }
0x94: {  	_ =	strace s3  }
0x95: {  	s3 =	sld [smem:$0x3FFD];
	_ =	sdelay $0x3  }
0x96: {  	_ =	strace s3  }
0x97: {  	_ =	strace $0x8FFFFFFF  }
0x98: {  	s19 =	sld [smem:$0x3FDB];
	_ =	sdelay $0x1  }
0x99: {  	s4 =	simm.s32 $_scs_section_size  }
0x9a: {  	s5 =	simm.s32 $_size__tile_overlayer_lowered;
	s6 =	simm.s32 $_tile_overlayer_lowered  }
0x9b: {  	s22 =	simm.s32 $0x1BFF;
	s21 =	sshll.u32 s6, $0x1;
	s3 =	sadd.s32 s4, s19  }
0x9c: {  	s7 =	simm.s32 $0x0;
	s20 =	sshll.u32 s5, $0x1;
	s5 =	sadd.s32 s21, s3  }
0x9d: {  	[timem:s7], [sflag:s22] =	dma.local [hbm:s5], s20  }
0x9e: {  	_ =	swait.ge [sflag:s22], s20  }
0x9f: {  	s4 =	ssub.s32 $0x0, s20;
	[sflag:s22] =	ssyncset.done $0x0  }
0xa0: {  	[sflag:s22] =	ssyncadd.s32 s4;
	_ =	sdelay $0x1  }
0xa1: {  	s23 =	simm.s32 $0x1B8B  }
0xa2: {  	_ =	swait.ge [sflag:s23], $0x1  }
0xa3: {  	[sflag:s23] =	ssyncset.done $0x0  }
0xa4: {  	s25 =	simm.s32 $0x1B8E;
	s24 =	sld [smem:$0x3FFE];
	[sflag:s23] =	ssyncadd.s32 $0xFFFFFFFF  }
0xa5: {  	s26 =	simm.s32 $execute0_lowered;
	[smem:$0x3FD2] =	sst s25  }
0xa6: {  	s5 =	sshll.u32 s26, $0x1;
	_ =	strace $0x80000046;
	[dreg:$0x1] =	wrdreg $0xFFFFFFFF  }
0xa7: {  	s28 =	simm.s32 $_size_execute0_lowered;
	s3 =	sadd.s32 s3, s5;
	[dreg:$0x0] =	wrdreg $0x0  }
0xa8: {  	s5 =	sshll.u32 s28, $0x1;
	[dreg:$0x2] =	wrdreg s3  }
0xa9: {  	[dreg:$0x3] =	wrdreg s5  }
0xaa: {  	[dreg:$0x4] =	wrdreg $0xC0  }
0xab: {  	_ =	task [dreg:s7], $0x5FFFF  }
0xac: {  	[dreg:$0x1] =	wrdreg $0xFFFFFFFF  }
0xad: {  	[dreg:$0x0] =	wrdreg $0x60  }
0xae: {  	[dreg:$0x2] =	wrdreg s24  }
0xaf: {  	[dreg:$0x3] =	wrdreg s2  }
0xb0: {  	[dreg:$0x4] =	wrdreg $0x123E00  }
0xb1: {  	[dreg:$0x5] =	wrdreg $0x1C3E00  }
0xb2: {  	[dreg:$0x6] =	wrdreg $0x9  }
0xb3: {  	_ =	task.clear_ibuf [dreg:s7], $0x7FFFF;
	_ =	strace $0x90000046  }
0xb4: {  	s29 =	simm.s32 $0x9;
	_ =	strace $0x80000048  }
0xb5: {  	_ =	swait.ge [sflag:s29], $0x1  }
0xb6: {  	[sflag:s29] =	ssyncadd.s32 $0xFFFFFFFF  }
0xb7: {  	_ =	strace $0x90000048  }
0xb8: {  	_ =	sfence  }
0xb9: {  	s30 =	sld [smem:$0x0];
	_ =	sdelay $0x2  }
0xba: {  	s31 =	sshll.u32 s1, $0xD;
	s1 =	sshrl.u32 s1, $0x2  }
0xbb: {  	s3 =	sand.u32 $0x4000, s31;
	s1 =	sadd.s32 s1, s30  }
0xbc: {  	s0 =	sor.u32 s3, s0;
	s1 =	sshll.u32 s1, $0x11  }
0xbd: {  	s0 =	sor.u32 s1, s0  }
0xbe: {  	s0 =	sadd.s32 $0x8F2B, s0  }
0xbf: {  	[sflag:s0] =	ssyncadd.remote.s32 $0x1  }
0xc0: {  	_ =	sfence.sel $0xFFFF  }
0xc1: {  	[dreg:$0x0] =	wrdreg $0xFFFFFFFF;
	(pc) =	sbr.abs _section_cstart, $3  }
0xc2: {  	[dreg:$0x1] =	wrdreg $0xFFFFFFFF  }
0xc3: {  	_ =	task.clear_ibuf [dreg:s7], $0x2FFFF;
	_ =	strace $0x9FFFFFFF  }
0xc4: {  	(tm) =	ssettm $0x7FFFFFFF  }
0xc5: {  	_ =	shalt  }
tec
execute0_lowered:
.L_overlay_start_1:
0x0: {  	(tag) =	ssettag $0x1  }
0x1: {  	s0 =	rddreg [dreg:$0x0]  }
0x2: {  	s3 =	rddreg [dreg:$0x1]  }
0x3: {  	s1 =	rddreg [dreg:$0x2]  }
0x4: {  	s2 =	rddreg [dreg:$0x3];
	s14 =	stileid.u32  }
0x5: {  	s4 =	simm.s32 $0x0;
	s7 =	srdreg.scid;
	s8 =	smul.u32 $0x140, s14  }
0x6: {  	[smem:$0x7FF] =	sst s4;
	s5 =	sadd.s32 $0xA200, s0;
	s10 =	smul.u32 $0x28000, s14  }
0x7: {  	s6 =	sadd.s32 $0x400, s0;
	s9 =	sadd.s32 $0x36400, s0;
	s12 =	smul.u32 $0x5000, s14  }
0x8: {  	s7 =	sand.u32 $0x1, s7;
	s0 =	sadd.s32 $0x31400, s0;
	s14 =	smul.u32 $0x4E20, s14  }
0x9: {  	_ =	strace $0x80000047;
	s11 =	ssub.s32 $0x2, s7;
	s7 =	smul.u32 $0x1400, s7  }
0xa: {  	s13 =	sshrl.u32 s11, $0x1;
	s10 =	sshrl.u32 s10, $0x2;
	s19 =	sshrl.u32 s12, $0x2  }
0xb: {  	s12 =	sadd.s32 $0x50, s8;
	s20 =	sshrl.u32 s14, $0x3;
	s11 =	ssub.s32 s11, s13  }
0xc: {  	s25 =	sadd.s32 s10, s1;
	s14 =	sadd.s32 s6, s20;
	s21 =	sadd.s32 $0x4E2, s20  }
0xd: {  	s15 =	sadd.s32 s8, s7;
	s13 =	sadd.s32 s3, s20;
	s18 =	sshll.u32 s12, $0x7  }
0xe: {  	s10 =	sadd.s32 s19, s2;
	s20 =	sshll.u32 s12, $0x4;
	[dreg:$0x7] =	wrdreg s14  }
0xf: {  	[dreg:$0x8] =	wrdreg s13;
	s6 =	sadd.s32 s6, s21;
	s22 =	sshll.u32 s15, $0x4  }
0x10: {  	s3 =	sadd.s32 s3, s21;
	s24 =	sadd.s32 $0x50, s15;
	[dreg:$0xf] =	wrdreg s10  }
0x11: {  	s28 =	sadd.s32 $0xA0, s15;
	s30 =	sadd.s32 $0xF0, s15;
	[dreg:$0x9] =	wrdreg s6  }
0x12: {  	s19 =	sshll.u32 s15, $0x1;
	s12 =	sadd.s32 s20, s2;
	[dreg:$0xa] =	wrdreg s3  }
0x13: {  	s23 =	sadd.s32 s9, s22;
	s26 =	sshll.u32 s24, $0x4;
	[dreg:$0x15] =	wrdreg s12  }
0x14: {  	s16 =	sshll.u32 s30, $0x4;
	[dreg:$0xb] =	wrdreg s23;
	s6 =	sadd.s32 s9, s26  }
0x15: {  	s3 =	sshll.u32 s24, $0x1;
	s17 =	sadd.s32 s9, s16;
	[dreg:$0xc] =	wrdreg s6  }
0x16: {  	s31 =	sshll.u32 s28, $0x4;
	s3 =	sadd.s32 s0, s3;
	[dreg:$0xe] =	wrdreg s17  }
0x17: {  	s21 =	sshll.u32 s28, $0x1;
	s16 =	sadd.s32 s18, s1;
	[dreg:$0x12] =	wrdreg s3  }
0x18: {  	s22 =	sshll.u32 s30, $0x1;
	s6 =	sadd.s32 s9, s31;
	[dreg:$0x10] =	wrdreg s16  }
0x19: {  	s24 =	sadd.s32 $0xF0, s8;
	s3 =	sadd.s32 s0, s21;
	[dreg:$0xd] =	wrdreg s6  }
0x1a: {  	s28 =	sshll.u32 s24, $0x7;
	s31 =	smax.u32 s11, $0x1;
	[dreg:$0x13] =	wrdreg s3  }
0x1b: {  	s30 =	sshll.u32 s24, $0x4;
	s15 =	sadd.s32 s28, s1;
	[dreg:$0x1a] =	wrdreg s31  }
0x1c: {  	s17 =	sadd.s32 s30, s2;
	[dreg:$0x18] =	wrdreg s15  }
0x1d: {  	s23 =	sadd.s32 $0xA0, s8;
	s6 =	sadd.s32 s0, s19;
	[dreg:$0x19] =	wrdreg s17  }
0x1e: {  	s26 =	sshll.u32 s23, $0x7;
	s0 =	sadd.s32 s0, s22;
	[dreg:$0x11] =	wrdreg s6  }
0x1f: {  	s13 =	sadd.s32 s26, s1;
	[dreg:$0x14] =	wrdreg s0;
	s0 =	sshll.u32 s23, $0x4  }
0x20: {  	v1 =	vimm.f32 $1.000000000e+00;
	s29 =	simm.s32 $0x8;
	v2 =	vimm.f32 $0.0e+00;
	[dreg:$0x16] =	wrdreg s13;
	s14 =	sadd.s32 s0, s2  }
0x21: {  	v3 =	vimm.s32 $0x0;
	v4 =	vimm.s32 $0x2710;
	v0 =	vmov s7;
	s7 =	simm.s32 $0x7;
	s0 =	simm.s32 $0x50;
	[dreg:$0x17] =	wrdreg s14  }
.LBB2_1:
0x22: {  	s3 =	simm.s32 $0x0  }
.LBB2_2:
0x23: {  	p0 =	sne.s32 s3, $0x13C0  }
.Ltmp0:
0x24: {  	_ = 	snop;
	(pc) =	sbr.rel @p0 .LBB2_2-.Ltmp0, $4  }
0x25: {  	_ = 	snop  }
0x26: {  	s6 =	sshra.s32 s3, $0x2  }
0x27: {  	[tilespmem:s6+$0x114E0] =	vst v1  }
0x28: {  	s3 =	sadd.s32 $0x40, s3;
	[tilespmem:s6+$0x11EE0] =	vst v2  }
0x29: {  	s3 =	simm.s32 $0x0  }
0x2a: {  	s6 =	sand.u32 $0xFE00, s3  }
0x2b: {  	s8 =	sand.u32 $0x70, s3;
	s9 =	sshrl.u32 s6, $0x2  }
0x2c: {  	s6 =	simm.s32 $0x40;
	s8 =	sor.u32 s8, s9  }
.LBB2_4:
0x2d: {  	p0 =	sne.s32 s6, $0x9FC0  }
0x2e: {  	[tilespmem:s8+$0x9CE0] =	vst v2;
	s3 =	sadd.s32 $0x10, s3;
	s8 =	smov.u32 s6;
	s6 =	sadd.s32 $0x40, s6  }
.Ltmp1:
0x2f: {  	(pc) =	sbr.rel @p0 .LBB2_4-.Ltmp1, $4  }
0x30: {  	_ = 	snop  }
0x31: {  	s8 =	sand.u32 $0xFE00, s8  }
0x32: {  	s9 =	sand.u32 $0x70, s3;
	s8 =	sshrl.u32 s8, $0x2  }
0x33: {  	s8 =	sor.u32 s9, s8  }
0x34: {  	[tilespmem:s8+$0x9CE0] =	vst v2;
	s3 =	simm.s32 $0x9CE0  }
0x35: {  	[spmem:s25] =	stream.linear.scatter [tilespmem:s3], [sflag:$0x8], $0x2800, $0x38;
	[tilespmem:$0x1D7E0] =	vst v63  }
0x36: {  	_ =	swait.ge [sflag:s29], $0x2800  }
0x37: {  	[sflag:s29] =	ssyncset.done $0x0  }
0x38: {  	s6 =	simm.s32 $0x11EE0;
	[sflag:s29] =	ssyncadd.s32 $0xFFFFD800  }
0x39: {  	[spmem:s10] =	stream.linear.scatter [tilespmem:s6], [sflag:$0x8], $0x500, $0x38;
	[tilespmem:$0x1D7E0] =	vst v63  }
0x3a: {  	_ =	swait.ge [sflag:s29], $0x500  }
0x3b: {  	[sflag:s29] =	ssyncset.done $0x0  }
0x3c: {  	[sflag:s29] =	ssyncadd.s32 $0xFFFFFB00  }
0x3d: {  	[spmem:s16] =	stream.linear.scatter [tilespmem:s3], [sflag:$0x8], $0x2800, $0x38;
	[tilespmem:$0x1D7E0] =	vst v63  }
0x3e: {  	_ =	swait.ge [sflag:s29], $0x2800  }
0x3f: {  	[sflag:s29] =	ssyncset.done $0x0  }
0x40: {  	[sflag:s29] =	ssyncadd.s32 $0xFFFFD800  }
0x41: {  	[spmem:s12] =	stream.linear.scatter [tilespmem:s6], [sflag:$0x8], $0x500, $0x38;
	[tilespmem:$0x1D7E0] =	vst v63  }
0x42: {  	_ =	swait.ge [sflag:s29], $0x500  }
0x43: {  	[sflag:s29] =	ssyncset.done $0x0  }
0x44: {  	[sflag:s29] =	ssyncadd.s32 $0xFFFFFB00  }
0x45: {  	[spmem:s13] =	stream.linear.scatter [tilespmem:s3], [sflag:$0x8], $0x2800, $0x38;
	[tilespmem:$0x1D7E0] =	vst v63  }
0x46: {  	_ =	swait.ge [sflag:s29], $0x2800  }
0x47: {  	[sflag:s29] =	ssyncset.done $0x0  }
0x48: {  	[sflag:s29] =	ssyncadd.s32 $0xFFFFD800  }
0x49: {  	[spmem:s14] =	stream.linear.scatter [tilespmem:s6], [sflag:$0x8], $0x500, $0x38;
	[tilespmem:$0x1D7E0] =	vst v63  }
0x4a: {  	_ =	swait.ge [sflag:s29], $0x500  }
0x4b: {  	[sflag:s29] =	ssyncset.done $0x0  }
0x4c: {  	[sflag:s29] =	ssyncadd.s32 $0xFFFFFB00  }
0x4d: {  	[spmem:s15] =	stream.linear.scatter [tilespmem:s3], [sflag:$0x8], $0x2800, $0x38;
	[tilespmem:$0x1D7E0] =	vst v63  }
0x4e: {  	_ =	swait.ge [sflag:s29], $0x2800  }
0x4f: {  	[sflag:s29] =	ssyncset.done $0x0  }
0x50: {  	[sflag:s29] =	ssyncadd.s32 $0xFFFFD800  }
0x51: {  	[spmem:s17] =	stream.linear.scatter [tilespmem:s6], [sflag:$0x8], $0x500, $0x38;
	[tilespmem:$0x1D7E0] =	vst v63  }
0x52: {  	_ =	swait.ge [sflag:s29], $0x500  }
0x53: {  	[sflag:s29] =	ssyncset.done $0x0  }
0x54: {  	s22 =	simm.s32 $0x0;
	s23 =	rddreg [dreg:$0x7];
	[sflag:s29] =	ssyncadd.s32 $0xFFFFFB00  }
0x55: {  	[tilespmem:s22], [sflag:$0x8] =	stream.linear.gather [hbm4b:s23+s22], $0x2710, $0x38;
	[tilespmem:$0x1D7E0] =	vst v63  }
0x56: {  	_ =	swait.ge [sflag:s29], $0x2710  }
0x57: {  	[sflag:s29] =	ssyncset.done $0x0  }
0x58: {  	s26 =	simm.s32 $0x2710;
	s24 =	rddreg [dreg:$0x8];
	[sflag:s29] =	ssyncadd.s32 $0xFFFFD8F0  }
0x59: {  	[tilespmem:s26], [sflag:$0x8] =	stream.linear.gather [hbm4b:s24+s22], $0x2710, $0x38;
	[tilespmem:$0x1D7E0] =	vst v63  }
0x5a: {  	_ =	swait.ge [sflag:s29], $0x2710  }
0x5b: {  	[sflag:s29] =	ssyncset.done $0x0  }
0x5c: {  	s28 =	simm.s32 $0x0;
	[sflag:s29] =	ssyncadd.s32 $0xFFFFD8F0  }
0x5d: {  	v5 =	vld [tilespmem:s28+$0x2710];
	_ =	sdelay $0x4  }
0x5e: {  	v6 =	vld [tilespmem:s28+$0x0];
	v5 =	vsub.s32 v5, v0  }
0x5f: {  	vm0 =	vgt.u32 v5, $0x13FF  }
0x60: {  	v7 =	vsel vm0, $0x1, v3  }
0x61: {  	v8 =	vor.u32 $0x80000000, v7;
	(xrf0) =	vadd.scan.msk.s32 $0xffff, v7  }
0x62: {  	(xrf1) =	vsort.ascd.msk.u32 $0xffff, v8, v5  }
0x63: {  	(xrf1) =	vsort.ascd.msk.u32 $0xffff, v8, v6;
	_ =	sdelay $0x3  }
0x64: {  	v5, _, _ =	vpop (xrf0)  }
0x65: {  	(v2sf) =	vpush v5, $0xF;
	_ =	sdelay $0x7  }
0x66: {  	_, v5, _ =	vpop (xrf1)  }
0x67: {  	[tilespmem:s22+$0x7580] =	vst v5;
	_, v5, _ =	vpop (xrf1)  }
0x68: {  	s30 =	simm.s32 $0x10;
	[tilespmem:s22+$0x4E20] =	vst v5  }
0x69: {  	v6 =	vld [tilespmem:s30+$0x2710];
	_ =	sdelay $0x3  }
0x6a: {  	s31 =	spop (v2sf)  }
0x6b: {  	s3 =	simm.s32 $0x80;
	v5 =	vld [tilespmem:s30+$0x0];
	v6 =	vsub.s32 v6, v0;
	s6 =	ssub.s32 $0x0, s31  }
.LBB2_6:
0x6c: {  	p0 =	sne.s32 s3, $0x9C00  }
0x6d: {  	vm0 =	vgt.u32 v6, $0x13FF;
	s6 =	sadd.s32 $0x10, s6;
	s8 =	smov.u32 s3;
	s3 =	sadd.s32 $0x40, s3  }
0x6e: {  	v7 =	vsel vm0, $0x1, v3  }
0x6f: {  	v8 =	vor.u32 $0x80000000, v7;
	(xrf0) =	vadd.scan.msk.s32 $0xffff, v7  }
0x70: {  	(xrf1) =	vsort.ascd.msk.u32 $0xffff, v8, v6  }
0x71: {  	(xrf1) =	vsort.ascd.msk.u32 $0xffff, v8, v5;
	_ =	sdelay $0x3  }
0x72: {  	v5, _, _ =	vpop (xrf0)  }
0x73: {  	(v2sf) =	vpush v5, $0xF;
	_ =	sdelay $0x7  }
0x74: {  	_, v5, _ =	vpop (xrf1)  }
0x75: {  	[tilespmem:s6+$0x7580] =	vst v5;
	_, v5, _ =	vpop (xrf1)  }
0x76: {  	s8 =	sshra.s32 s8, $0x2;
	[tilespmem:s6+$0x4E20] =	vst v5  }
0x77: {  	v6 =	vld [tilespmem:s8+$0x2710]  }
.Ltmp2:
0x78: {  	(pc) =	sbr.rel @p0 .LBB2_6-.Ltmp2, $3  }
0x79: {  	_ =	sdelay $0x1  }
0x7a: {  	s9 =	spop (v2sf)  }
0x7b: {  	v5 =	vld [tilespmem:s8+$0x0];
	v6 =	vsub.s32 v6, v0;
	s6 =	ssub.s32 s6, s9  }
0x7c: {  	vm0 =	vgt.u32 v6, $0x13FF  }
0x7d: {  	v7 =	vsel vm0, $0x1, v3  }
0x7e: {  	(xrf0) =	vadd.scan.msk.s32 $0xffff, v7;
	_ =	sdelay $0x5  }
0x7f: {  	v8, _, _ =	vpop (xrf0)  }
0x80: {  	(v2sf) =	vpush v8, $0xF;
	_ =	sdelay $0xb  }
0x81: {  	v7 =	vor.u32 $0x80000000, v7  }
0x82: {  	(xrf1) =	vsort.ascd.msk.u32 $0xffff, v7, v6  }
0x83: {  	(xrf1) =	vsort.ascd.msk.u32 $0xffff, v7, v5  }
0x84: {  	s3 =	sadd.s32 $0x10, s6;
	s30 =	spop (v2sf)  }
0x85: {  	s6 =	ssub.s32 s3, s30  }
0x86: {  	s6 =	sadd.s32 $0x10, s6  }
0x87: {  	s8 =	sadd.s32 $0x4F, s6  }
0x88: {  	s9 =	smulhi.u32 $0x66666667, s8;
	s10 =	sshra.s32 s8, $0x1F  }
0x89: {  	s10 =	smul.u32 $0x66666667, s10;
	_ =	sdelay $0x1  }
0x8a: {  	s9 =	sadd.s32 s10, s9  }
0x8b: {  	s10 =	sshrl.u32 s9, $0x1F;
	s9 =	sshra.s32 s9, $0x5  }
0x8c: {  	s9 =	sadd.s32 s10, s9  }
0x8d: {  	s10 =	smul.u32 $0xFFFFFFB0, s9  }
0x8e: {  	s11 =	ssub.s32 $0xFFFFFFB1, s6  }
0x8f: {  	_, v5, _ =	vpop (xrf1);
	p0 =	slt.s32 s8, $0x1;
	p1 =	sne.s32 s10, s11  }
0x90: {  	[tilespmem:s3+$0x7580] =	vst v5;
	_, v5, _ =	vpop (xrf1);
	p0 =	por !p0, !p1  }
0x91: {  	[tilespmem:s3+$0x4E20] =	vst v5;
	s3 =	simm.s32 $0x1;
	p0 =	por !p0, !p0  }
0x92: {  	[tilespmem:s6+$0x7580] =	vst v3;
	s3 =	simm.s32 @!p0 $0x0  }
0x93: {  	[tilespmem:s6+$0x4E20] =	vst v4;
	s8 =	ssub.s32 s9, s3  }
0x94: {  	[tilespmem:s6+$0x7590] =	vst v3;
	p0 =	sgt.s32 s8, $0x1;
	s9 =	smov.u32 s8  }
0x95: {  	[tilespmem:s6+$0x4E30] =	vst v4;
	s9 =	simm.s32 @!p0 $0x1  }
0x96: {  	[tilespmem:s6+$0x75A0] =	vst v3;
	s31 =	smul.u32 $0xFFFFFFB0, s9  }
0x97: {  	[tilespmem:s6+$0x4E40] =	vst v4  }
0x98: {  	[tilespmem:s6+$0x75B0] =	vst v3;
	s3 =	sadd.s32 s6, s31  }
0x99: {  	[tilespmem:s6+$0x4E50] =	vst v4;
	s3 =	sadd.s32 $0x50, s3  }
0x9a: {  	[tilespmem:s6+$0x75C0] =	vst v3;
	p6 =	sgt.s32 s3, $0x0  }
0x9b: {  	[tilespmem:s6+$0x4E60] =	vst v4;
	s6 =	simm.s32 $0x119E0;
	v5 =	vpsel !p6, $0x0, v1  }
0x9c: {  	s10 =	simm.s32 $0x1;
	[tilespmem:s6+$0x0] =	vst v5  }
.LBB2_8:
0x9d: {  	p1 =	sne.s32 s10, $0x4F  }
.Ltmp3:
0x9e: {  	_ = 	snop;
	(pc) =	sbr.rel @p1 .LBB2_8-.Ltmp3, $4  }
0x9f: {  	_ = 	snop  }
0xa0: {  	p0 =	slt.s32 s10, s3;
	s10 =	sadd.s32 $0x1, s10  }
0xa1: {  	s6 =	sadd.s32 $0x10, s6;
	v5 =	vpsel !p0, $0x0, v1  }
0xa2: {  	[tilespmem:s6+$0x0] =	vst v5  }
0xa3: {  	[bflag:$0x0] =	sbarrier.arrive $0xFFFF;
	s3 =	simm.s32 $0x9CE0  }
0xa4: {  	s6 =	simm.s32 $0x4E20;
	s10 =	sshll.u32 s9, $0x2;
	s24 =	simm.s32 $0x0  }
0xa5: {  	s12 =	simm.s32 $0xFFFFFFFE;
	s28 =	simm.s32 $0x1;
	s13 =	simm.s32 $0xC4E0  }
0xa6: {  	s11 =	simm.s32 $0x4E70;
	s15 =	simm.s32 $0x7580;
	s14 =	simm.s32 $0x4  }
0xa7: {  	[tilespmem:s3], [sflag:$0x1] =	stream.indirect.gather [hbm4b:s5+s0], $0x80, s6, s0, $0xb8;
	[tilespmem:$0x1D7E0] =	vst v63  }
0xa8: {  	s17 =	simm.s32 $0x75D0;
	s18 =	simm.s32 $0xC4E0;
	s3 =	smulhi.u32 $0xAAAAAAAB, s24  }
0xa9: {  	s19 =	simm.s32 $0x4EC0;
	s20 =	simm.s32 $0x1;
	s6 =	smulhi.u32 $0xAAAAAAAB, s28  }
0xaa: {  	p0 =	sle.s32 s8, $0x1;
	s21 =	smulhi.u32 $0xAAAAAAAB, s12;
	s3 =	sshrl.u32 s3, $0x1  }
0xab: {  	s26 =	sadd.s32 $0xFFFFFFFC, s10;
	p1 =	sne.s32 s10, $0x4;
	s16 =	smul.u32 $0xFFFFFFF4, s3  }
0xac: {  	p2 =	por @!p0 $0x1, $0x1;
	s22 =	sshrl.u32 s6, $0x1;
	s3 =	smul.u32 $0xFFFE2000, s3  }
0xad: {  	s21 =	sshrl.u32 s21, $0x1;
	s6 =	smul.u32 $0xFFFFFFF4, s22;
	s16 =	sshra.s32 s16, $0x2  }
0xae: {  	[dreg:$0x5] =	wrdreg s26;
	s30 =	smul.u32 $0xFFFFFFF4, s21;
	s16 =	sadd.s32 $0x0, s16  }
0xaf: {  	p2 =	por p2, p0;
	s21 =	smul.u32 $0xFFFE2000, s22;
	s26 =	sadd.s32 $0x1, s16  }
0xb0: {  	s3 =	sshra.s32 s3, $0x2;
	s6 =	sshra.s32 s6, $0x2;
	_ =	swait.ge [sflag:s26], $0x2800  }
0xb1: {  	s3 =	sadd.s32 $0x9CE0, s3;
	s6 =	sadd.s32 $0x2, s6;
	[sflag:s26] =	ssyncset.done $0x0  }
0xb2: {  	s16 =	sadd.s32 $0x4, s16;
	s31 =	rddreg [dreg:$0x5];
	[sflag:s26] =	ssyncadd.s32 $0xFFFFD800  }
.Ltmp4:
0xb3: {  	p3 =	seq.s32 s31, $0x0;
	s26 =	simm.s32 $0x119E0;
	(pc) =	sbr.rel @!p1 .LBB2_11-.Ltmp4, $4  }
0xb4: {  	[spmem:s1] =	stream.indirect.scatter.add.f32 [tilespmem:s3], [sflag:s16], $0x80, s15, s0, $0xb8;
	[tilespmem:$0x1D7E0] =	vst v63  }
0xb5: {  	s31 =	simm.s32 $0xECE0;
	s26 =	simm.s32 @!p3 $0x114E0;
	s16 =	simm.s32 @!p2 $0x0  }
0xb6: {  	[spmem:s2] =	stream.indirect.scatter.add.f32 [tilespmem:s26], [sflag:$0x7], $0x10, s15, s0, $0xb8;
	[tilespmem:$0x1D7E0] =	vst v63  }
0xb7: {  	s3 =	simm.s32 $0x2;
	s15 =	sadd.s32 @!p0 $0x0, s6;
	s6 =	sshra.s32 s30, $0x2  }
.LBB2_10:
0xb8: {  	s22 =	sadd.s32 $0x2, s6  }
0xb9: {  	s12 =	sadd.s32 $0x1, s12;
	s6 =	smov.u32 s14;
	s14 =	sadd.s32 $0x4, s14  }
0xba: {  	s26 =	smov.u32 s17;
	s28 =	smov.u32 s18;
	s30 =	smulhi.u32 $0xAAAAAAAB, s20  }
0xbb: {  	s23 =	smov.u32 s20;
	s24 =	simm.s32 @!p0 $0x50;
	s17 =	sadd.s32 $0x50, s17  }
0xbc: {  	s18 =	sadd.s32 $0x2800, s18;
	s20 =	sadd.s32 $0x1, s20;
	s16 =	sadd.s32 @!p2 s16, s22  }
0xbd: {  	p1 =	sne.s32 s10, s14;
	s21 =	sshra.s32 s21, $0x2;
	_ =	swait.ge @!p2 [sflag:s16], $0x2800  }
0xbe: {  	s22 =	sshrl.u32 s30, $0x1;
	s30 =	smulhi.u32 $0xAAAAAAAB, s3;
	[sflag:s16] =	ssyncset.done @!p2 $0x0  }
0xbf: {  	s13 =	sadd.s32 s21, s13;
	s21 =	smul.u32 $0xFFFFFFF4, s22;
	[sflag:s16] =	ssyncadd.s32 @!p2 $0xFFFFD800  }
0xc0: {  	[tilespmem:s13], [sflag:s15] =	stream.indirect.gather @!p0 [hbm4b:s5+s24], $0x80, s11, s24, $0xb8;
	[tilespmem:$0x1D7E0] =	vst v63  }
0xc1: {  	s3 =	sadd.s32 $0x1, s3;
	s22 =	smul.u32 $0xFFFE2000, s22;
	s11 =	smov.u32 s19  }
0xc2: {  	s13 =	smov.u32 s31;
	s15 =	sshra.s32 s21, $0x2;
	s24 =	sshra.s32 s6, $0x2  }
0xc3: {  	s19 =	sadd.s32 $0x50, s19;
	s16 =	sshra.s32 s22, $0x2;
	s21 =	smulhi.u32 $0xAAAAAAAB, s12  }
0xc4: {  	s22 =	sshrl.u32 s30, $0x1;
	p0 =	sle.s32 s8, s20;
	s31 =	sadd.s32 $0x2800, s31  }
0xc5: {  	s15 =	sadd.s32 s24, s15;
	s28 =	sadd.s32 s16, s28;
	s16 =	smul.u32 $0xFFFFFFF4, s22  }
0xc6: {  	p2 =	slt.u32 @!p0 s23, $0x2;
	s23 =	sshra.s32 @!p0 s6, $0x2;
	s24 =	sadd.s32 $0x1, s15  }
0xc7: {  	s15 =	sadd.s32 $0x4, s15;
	p2 =	por p2, p0;
	_ =	swait.ge [sflag:s24], $0x2800  }
0xc8: {  	s21 =	sshrl.u32 s21, $0x1;
	s16 =	sshra.s32 s16, $0x2;
	[sflag:s24] =	ssyncset.done $0x0  }
0xc9: {  	s30 =	rddreg [dreg:$0x5];
	[sflag:s24] =	ssyncadd.s32 $0xFFFFD800;
	s24 =	sadd.s32 $0x2, s16  }
.Ltmp5:
0xca: {  	p3 =	seq.s32 s30, s6;
	s30 =	simm.s32 $0x119E0;
	(pc) =	sbr.rel @p1 .LBB2_10-.Ltmp5, $4  }
0xcb: {  	[spmem:s1] =	stream.indirect.scatter.add.f32 [tilespmem:s28], [sflag:s15], $0x80, s26, s0, $0xb8;
	[tilespmem:$0x1D7E0] =	vst v63  }
0xcc: {  	s16 =	sshra.s32 @!p2 s6, $0x2;
	s30 =	simm.s32 @!p3 $0x114E0;
	s28 =	smul.u32 $0xFFFFFFF4, s21  }
0xcd: {  	[spmem:s2] =	stream.indirect.scatter.add.f32 [tilespmem:s30], [sflag:$0x7], $0x10, s26, s0, $0xb8;
	[tilespmem:$0x1D7E0] =	vst v63  }
0xce: {  	s15 =	sadd.s32 @!p0 s23, s24;
	s21 =	smul.u32 $0xFFFE2000, s22;
	s6 =	sshra.s32 s28, $0x2  }
.LBB2_11:
0xcf: {  	s3 =	sadd.s32 $0x2, s6  }
0xd0: {  	s3 =	sadd.s32 @!p2 s16, s3  }
0xd1: {  	_ =	swait.ge @!p2 [sflag:s3], $0x2800  }
0xd2: {  	s24 =	sshra.s32 s21, $0x2;
	[sflag:s3] =	ssyncset.done @!p2 $0x0  }
0xd3: {  	s8 =	simm.s32 @!p0 $0x50;
	s6 =	sadd.s32 s24, s13;
	[sflag:s3] =	ssyncadd.s32 @!p2 $0xFFFFD800  }
0xd4: {  	[tilespmem:s6], [sflag:s15] =	stream.indirect.gather @!p0 [hbm4b:s5+s8], $0x80, s11, s8, $0xb8;
	[tilespmem:$0x1D7E0] =	vst v63  }
0xd5: {  	p0 =	slt.s32 s9, $0x3;
	s6 =	smov.u32 s9  }
0xd6: {  	s6 =	simm.s32 @!p0 $0x3  }
0xd7: {  	s26 =	ssub.s32 s9, s6  }
0xd8: {  	p0 =	sne.s32 s6, $0x1;
	s28 =	smulhi.u32 $0xAAAAAAAB, s26  }
.Ltmp6:
0xd9: {  	_ = 	snop;
	(pc) =	sbr.rel @!p0 .LBB2_13-.Ltmp6, $4  }
0xda: {  	s30 =	sshll.u32 s6, $0x2;
	s3 =	sshrl.u32 s28, $0x1  }
0xdb: {  	s10 =	ssub.s32 s10, s30;
	s31 =	smul.u32 $0xFFFFFFF4, s3  }
0xdc: {  	s6 =	sadd.s32 $0xFFFFFFFF, s6;
	s10 =	sshra.s32 s10, $0x2  }
0xdd: {  	s8 =	sadd.s32 $0x1, s26;
	s3 =	sadd.s32 $0x4, s10;
	s10 =	sshra.s32 s31, $0x2  }
.LBB2_12:
0xde: {  	s11 =	smulhi.u32 $0xAAAAAAAB, s8;
	s10 =	sadd.s32 s10, s3;
	p0 =	sne.s32 s6, $0x1  }
.Ltmp7:
0xdf: {  	s6 =	sadd.s32 $0xFFFFFFFF, s6;
	_ =	swait.ge [sflag:s10], $0x2800;
	(pc) =	sbr.rel @p0 .LBB2_12-.Ltmp7, $3  }
0xe0: {  	s11 =	sshrl.u32 s11, $0x1;
	[sflag:s10] =	ssyncset.done $0x0  }
0xe1: {  	s11 =	smul.u32 $0xFFFFFFF4, s11;
	[sflag:s10] =	ssyncadd.s32 $0xFFFFD800;
	_ =	sdelay $0x1  }
0xe2: {  	s8 =	sadd.s32 $0x1, s8;
	s3 =	sadd.s32 $0x1, s3;
	s10 =	sshra.s32 s11, $0x2  }
.LBB2_13:
0xe3: {  	s3 =	sadd.s32 s10, s3;
	p0 =	sne.s32 s9, $0x1  }
.Ltmp8:
0xe4: {  	_ =	swait.ge [sflag:s3], $0x2800;
	(pc) =	sbr.rel @!p0 .LBB2_15-.Ltmp8, $4  }
0xe5: {  	[sflag:s3] =	ssyncset.done $0x0  }
0xe6: {  	[sflag:s3] =	ssyncadd.s32 $0xFFFFD800  }
0xe7: {  	_ =	swait.ge [sflag:s7], $0x500  }
0xe8: {  	s3 =	sadd.s32 $0xFFFFFFFF, s9;
	[sflag:s7] =	ssyncset.done $0x0  }
.LBB2_14:
0xe9: {  	p0 =	sne.s32 s3, $0x1;
	s3 =	sadd.s32 $0xFFFFFFFF, s3;
	[sflag:s7] =	ssyncadd.s32 $0xFFFFFB00  }
.Ltmp9:
0xea: {  	(pc) =	sbr.rel @p0 .LBB2_14-.Ltmp9, $3  }
0xeb: {  	_ =	sdelay $0x1  }
0xec: {  	_ =	swait.ge [sflag:s7], $0x500  }
0xed: {  	[sflag:s7] =	ssyncset.done $0x0  }
.LBB2_15:
0xee: {  	[sflag:s7] =	ssyncadd.s32 $0xFFFFFB00;
	s3 =	simm.s32 $0x0;
	s6 =	rddreg [dreg:$0x9]  }
0xef: {  	[tilespmem:s3], [sflag:$0x8] =	stream.linear.gather [hbm4b:s6+s3], $0x2710, $0x38;
	[tilespmem:$0x1D7E0] =	vst v63  }
0xf0: {  	_ =	swait.ge [sflag:s29], $0x2710  }
0xf1: {  	[sflag:s29] =	ssyncset.done $0x0  }
0xf2: {  	s8 =	simm.s32 $0x2710;
	s26 =	rddreg [dreg:$0xa];
	[sflag:s29] =	ssyncadd.s32 $0xFFFFD8F0  }
0xf3: {  	[tilespmem:s8], [sflag:$0x8] =	stream.linear.gather [hbm4b:s26+s3], $0x2710, $0x38;
	[tilespmem:$0x1D7E0] =	vst v63  }
0xf4: {  	_ =	swait.ge [sflag:s29], $0x2710  }
0xf5: {  	[sflag:s29] =	ssyncset.done $0x0  }
0xf6: {  	s28 =	simm.s32 $0x0;
	[sflag:s29] =	ssyncadd.s32 $0xFFFFD8F0  }
0xf7: {  	v5 =	vld [tilespmem:s28+$0x2710];
	_ =	sdelay $0x4  }
0xf8: {  	v6 =	vld [tilespmem:s28+$0x0];
	v5 =	vsub.s32 v5, v0  }
0xf9: {  	vm0 =	vgt.u32 v5, $0x13FF  }
0xfa: {  	v7 =	vsel vm0, $0x1, v3  }
0xfb: {  	v8 =	vor.u32 $0x80000000, v7;
	(xrf0) =	vadd.scan.msk.s32 $0xffff, v7  }
0xfc: {  	(xrf1) =	vsort.ascd.msk.u32 $0xffff, v8, v5  }
0xfd: {  	(xrf1) =	vsort.ascd.msk.u32 $0xffff, v8, v6;
	_ =	sdelay $0x3  }
0xfe: {  	v5, _, _ =	vpop (xrf0)  }
0xff: {  	(v2sf) =	vpush v5, $0xF;
	_ =	sdelay $0x7  }
0x100: {  	_, v5, _ =	vpop (xrf1)  }
0x101: {  	[tilespmem:s3+$0x7580] =	vst v5;
	_, v5, _ =	vpop (xrf1)  }
0x102: {  	s30 =	simm.s32 $0x10;
	[tilespmem:s3+$0x4E20] =	vst v5  }
0x103: {  	v6 =	vld [tilespmem:s30+$0x2710];
	_ =	sdelay $0x3  }
0x104: {  	s31 =	spop (v2sf)  }
0x105: {  	s3 =	simm.s32 $0x80;
	v5 =	vld [tilespmem:s30+$0x0];
	v6 =	vsub.s32 v6, v0;
	s6 =	ssub.s32 $0x0, s31  }
.LBB2_16:
0x106: {  	p0 =	sne.s32 s3, $0x9C00  }
0x107: {  	vm0 =	vgt.u32 v6, $0x13FF;
	s6 =	sadd.s32 $0x10, s6;
	s8 =	smov.u32 s3;
	s3 =	sadd.s32 $0x40, s3  }
0x108: {  	v7 =	vsel vm0, $0x1, v3  }
0x109: {  	v8 =	vor.u32 $0x80000000, v7;
	(xrf0) =	vadd.scan.msk.s32 $0xffff, v7  }
0x10a: {  	(xrf1) =	vsort.ascd.msk.u32 $0xffff, v8, v6  }
0x10b: {  	(xrf1) =	vsort.ascd.msk.u32 $0xffff, v8, v5;
	_ =	sdelay $0x3  }
0x10c: {  	v5, _, _ =	vpop (xrf0)  }
0x10d: {  	(v2sf) =	vpush v5, $0xF;
	_ =	sdelay $0x7  }
0x10e: {  	_, v5, _ =	vpop (xrf1)  }
0x10f: {  	[tilespmem:s6+$0x7580] =	vst v5;
	_, v5, _ =	vpop (xrf1)  }
0x110: {  	s8 =	sshra.s32 s8, $0x2;
	[tilespmem:s6+$0x4E20] =	vst v5  }
0x111: {  	v6 =	vld [tilespmem:s8+$0x2710]  }
.Ltmp10:
0x112: {  	(pc) =	sbr.rel @p0 .LBB2_16-.Ltmp10, $3  }
0x113: {  	_ =	sdelay $0x1  }
0x114: {  	s9 =	spop (v2sf)  }
0x115: {  	v5 =	vld [tilespmem:s8+$0x0];
	v6 =	vsub.s32 v6, v0;
	s6 =	ssub.s32 s6, s9  }
0x116: {  	vm0 =	vgt.u32 v6, $0x13FF  }
0x117: {  	v7 =	vsel vm0, $0x1, v3  }
0x118: {  	(xrf0) =	vadd.scan.msk.s32 $0xffff, v7;
	_ =	sdelay $0x5  }
0x119: {  	v8, _, _ =	vpop (xrf0)  }
0x11a: {  	(v2sf) =	vpush v8, $0xF;
	_ =	sdelay $0xb  }
0x11b: {  	v7 =	vor.u32 $0x80000000, v7  }
0x11c: {  	(xrf1) =	vsort.ascd.msk.u32 $0xffff, v7, v6  }
0x11d: {  	(xrf1) =	vsort.ascd.msk.u32 $0xffff, v7, v5  }
0x11e: {  	s3 =	sadd.s32 $0x10, s6;
	s30 =	spop (v2sf)  }
0x11f: {  	s6 =	ssub.s32 s3, s30  }
0x120: {  	s6 =	sadd.s32 $0x10, s6  }
0x121: {  	s8 =	sadd.s32 $0x4F, s6  }
0x122: {  	s9 =	smulhi.u32 $0x66666667, s8;
	s10 =	sshra.s32 s8, $0x1F  }
0x123: {  	s10 =	smul.u32 $0x66666667, s10;
	_ =	sdelay $0x1  }
0x124: {  	s9 =	sadd.s32 s10, s9  }
0x125: {  	s10 =	sshrl.u32 s9, $0x1F;
	s9 =	sshra.s32 s9, $0x5  }
0x126: {  	s9 =	sadd.s32 s10, s9  }
0x127: {  	s10 =	smul.u32 $0xFFFFFFB0, s9  }
0x128: {  	s11 =	ssub.s32 $0xFFFFFFB1, s6  }
0x129: {  	_, v5, _ =	vpop (xrf1);
	p0 =	slt.s32 s8, $0x1;
	p1 =	sne.s32 s10, s11  }
0x12a: {  	[tilespmem:s3+$0x7580] =	vst v5;
	_, v5, _ =	vpop (xrf1);
	p0 =	por !p0, !p1  }
0x12b: {  	[tilespmem:s3+$0x4E20] =	vst v5;
	s3 =	simm.s32 $0x1;
	p0 =	por !p0, !p0  }
0x12c: {  	[tilespmem:s6+$0x7580] =	vst v3;
	s3 =	simm.s32 @!p0 $0x0  }
0x12d: {  	[tilespmem:s6+$0x4E20] =	vst v4;
	s9 =	ssub.s32 s9, s3  }
0x12e: {  	[tilespmem:s6+$0x7590] =	vst v3;
	p0 =	sgt.s32 s9, $0x1;
	s8 =	smov.u32 s9  }
0x12f: {  	[tilespmem:s6+$0x4E30] =	vst v4;
	s8 =	simm.s32 @!p0 $0x1  }
0x130: {  	[tilespmem:s6+$0x75A0] =	vst v3;
	s31 =	smul.u32 $0xFFFFFFB0, s8  }
0x131: {  	[tilespmem:s6+$0x4E40] =	vst v4  }
0x132: {  	[tilespmem:s6+$0x75B0] =	vst v3;
	s3 =	sadd.s32 s6, s31  }
0x133: {  	[tilespmem:s6+$0x4E50] =	vst v4;
	s3 =	sadd.s32 $0x50, s3  }
0x134: {  	[tilespmem:s6+$0x75C0] =	vst v3;
	p6 =	sgt.s32 s3, $0x0  }
0x135: {  	[tilespmem:s6+$0x4E60] =	vst v4;
	s6 =	simm.s32 $0x119E0;
	v5 =	vpsel !p6, $0x0, v1  }
0x136: {  	s10 =	simm.s32 $0x1;
	[tilespmem:s6+$0x0] =	vst v5  }
.LBB2_18:
0x137: {  	p1 =	sne.s32 s10, $0x4F  }
.Ltmp11:
0x138: {  	_ = 	snop;
	(pc) =	sbr.rel @p1 .LBB2_18-.Ltmp11, $4  }
0x139: {  	_ = 	snop  }
0x13a: {  	p0 =	slt.s32 s10, s3;
	s10 =	sadd.s32 $0x1, s10  }
0x13b: {  	s6 =	sadd.s32 $0x10, s6;
	v5 =	vpsel !p0, $0x0, v1  }
0x13c: {  	[tilespmem:s6+$0x0] =	vst v5  }
0x13d: {  	s3 =	simm.s32 $0x9CE0  }
0x13e: {  	s6 =	simm.s32 $0x4E20;
	s10 =	sshll.u32 s8, $0x2;
	s24 =	simm.s32 $0x0  }
0x13f: {  	s12 =	simm.s32 $0xFFFFFFFE;
	s28 =	simm.s32 $0x1;
	s13 =	simm.s32 $0xC4E0  }
0x140: {  	s11 =	simm.s32 $0x4E70;
	s15 =	simm.s32 $0x7580;
	s14 =	simm.s32 $0x4  }
0x141: {  	[tilespmem:s3], [sflag:$0x1] =	stream.indirect.gather [hbm4b:s5+s0], $0x80, s6, s0, $0xb8;
	[tilespmem:$0x1D7E0] =	vst v63  }
0x142: {  	s17 =	simm.s32 $0x75D0;
	s18 =	simm.s32 $0xC4E0;
	s3 =	smulhi.u32 $0xAAAAAAAB, s24  }
0x143: {  	s19 =	simm.s32 $0x4EC0;
	s20 =	simm.s32 $0x1;
	p0 =	sle.s32 s9, $0x1  }
0x144: {  	s31 =	simm.s32 $0xECE0;
	s6 =	smulhi.u32 $0xAAAAAAAB, s28;
	s3 =	sshrl.u32 s3, $0x1  }
0x145: {  	s26 =	sadd.s32 $0xFFFFFFFC, s10;
	p1 =	sne.s32 s10, $0x4;
	s16 =	smul.u32 $0xFFFFFFF4, s3  }
0x146: {  	s21 =	smulhi.u32 $0xAAAAAAAB, s12;
	p2 =	por @!p0 $0x1, $0x1;
	[dreg:$0x6] =	wrdreg s26  }
0x147: {  	s23 =	sshrl.u32 s6, $0x1;
	s3 =	smul.u32 $0xFFFE2000, s3;
	s16 =	sshra.s32 s16, $0x2  }
0x148: {  	s21 =	sshrl.u32 s21, $0x1;
	s6 =	smul.u32 $0xFFFFFFF4, s23;
	s16 =	sadd.s32 $0x0, s16  }
0x149: {  	p2 =	por p2, p0;
	s30 =	smul.u32 $0xFFFFFFF4, s21;
	s22 =	sadd.s32 $0x1, s16  }
0x14a: {  	s21 =	smul.u32 $0xFFFE2000, s23;
	s3 =	sshra.s32 s3, $0x2;
	_ =	swait.ge [sflag:s22], $0x2800  }
0x14b: {  	s6 =	sshra.s32 s6, $0x2;
	s3 =	sadd.s32 $0x9CE0, s3;
	[sflag:s22] =	ssyncset.done $0x0  }
0x14c: {  	s16 =	sadd.s32 $0x4, s16;
	s24 =	rddreg [dreg:$0x6];
	[sflag:s22] =	ssyncadd.s32 $0xFFFFD800  }
.Ltmp12:
0x14d: {  	p3 =	seq.s32 s24, $0x0;
	s22 =	simm.s32 $0x119E0;
	(pc) =	sbr.rel @!p1 .LBB2_21-.Ltmp12, $4  }
0x14e: {  	[spmem:s1] =	stream.indirect.scatter.add.f32 [tilespmem:s3], [sflag:s16], $0x80, s15, s0, $0xb8;
	[tilespmem:$0x1D7E0] =	vst v63  }
0x14f: {  	s6 =	sadd.s32 $0x2, s6;
	s22 =	simm.s32 @!p3 $0x114E0;
	s16 =	simm.s32 @!p2 $0x0  }
0x150: {  	[spmem:s2] =	stream.indirect.scatter.add.f32 [tilespmem:s22], [sflag:$0x7], $0x10, s15, s0, $0xb8;
	[tilespmem:$0x1D7E0] =	vst v63  }
0x151: {  	s3 =	simm.s32 $0x2;
	s15 =	sadd.s32 @!p0 $0x0, s6;
	s6 =	sshra.s32 s30, $0x2  }
.LBB2_20:
0x152: {  	s22 =	sadd.s32 $0x2, s6  }
0x153: {  	s12 =	sadd.s32 $0x1, s12;
	s6 =	smov.u32 s14;
	s14 =	sadd.s32 $0x4, s14  }
0x154: {  	s26 =	smov.u32 s17;
	s23 =	smov.u32 s18;
	s30 =	smulhi.u32 $0xAAAAAAAB, s20  }
0x155: {  	s24 =	smov.u32 s20;
	s28 =	simm.s32 @!p0 $0x50;
	s17 =	sadd.s32 $0x50, s17  }
0x156: {  	s18 =	sadd.s32 $0x2800, s18;
	s20 =	sadd.s32 $0x1, s20;
	s16 =	sadd.s32 @!p2 s16, s22  }
0x157: {  	p1 =	sne.s32 s10, s14;
	s21 =	sshra.s32 s21, $0x2;
	_ =	swait.ge @!p2 [sflag:s16], $0x2800  }
0x158: {  	s22 =	sshrl.u32 s30, $0x1;
	s30 =	smulhi.u32 $0xAAAAAAAB, s3;
	[sflag:s16] =	ssyncset.done @!p2 $0x0  }
0x159: {  	s13 =	sadd.s32 s21, s13;
	s21 =	smul.u32 $0xFFFFFFF4, s22;
	[sflag:s16] =	ssyncadd.s32 @!p2 $0xFFFFD800  }
0x15a: {  	[tilespmem:s13], [sflag:s15] =	stream.indirect.gather @!p0 [hbm4b:s5+s28], $0x80, s11, s28, $0xb8;
	[tilespmem:$0x1D7E0] =	vst v63  }
0x15b: {  	s3 =	sadd.s32 $0x1, s3;
	s22 =	smul.u32 $0xFFFE2000, s22;
	s11 =	smov.u32 s19  }
0x15c: {  	s13 =	smov.u32 s31;
	s15 =	sshra.s32 s21, $0x2;
	s28 =	sshra.s32 s6, $0x2  }
0x15d: {  	s19 =	sadd.s32 $0x50, s19;
	s16 =	sshra.s32 s22, $0x2;
	s21 =	smulhi.u32 $0xAAAAAAAB, s12  }
0x15e: {  	s22 =	sshrl.u32 s30, $0x1;
	p0 =	sle.s32 s9, s20;
	s31 =	sadd.s32 $0x2800, s31  }
0x15f: {  	s15 =	sadd.s32 s28, s15;
	s23 =	sadd.s32 s16, s23;
	s16 =	smul.u32 $0xFFFFFFF4, s22  }
0x160: {  	p2 =	slt.u32 @!p0 s24, $0x2;
	s24 =	sshra.s32 @!p0 s6, $0x2;
	s28 =	sadd.s32 $0x1, s15  }
0x161: {  	s15 =	sadd.s32 $0x4, s15;
	p2 =	por p2, p0;
	_ =	swait.ge [sflag:s28], $0x2800  }
0x162: {  	s21 =	sshrl.u32 s21, $0x1;
	s16 =	sshra.s32 s16, $0x2;
	[sflag:s28] =	ssyncset.done $0x0  }
0x163: {  	s30 =	rddreg [dreg:$0x6];
	[sflag:s28] =	ssyncadd.s32 $0xFFFFD800;
	s28 =	sadd.s32 $0x2, s16  }
.Ltmp13:
0x164: {  	p3 =	seq.s32 s30, s6;
	s30 =	simm.s32 $0x119E0;
	(pc) =	sbr.rel @p1 .LBB2_20-.Ltmp13, $4  }
0x165: {  	[spmem:s1] =	stream.indirect.scatter.add.f32 [tilespmem:s23], [sflag:s15], $0x80, s26, s0, $0xb8;
	[tilespmem:$0x1D7E0] =	vst v63  }
0x166: {  	s16 =	sshra.s32 @!p2 s6, $0x2;
	s30 =	simm.s32 @!p3 $0x114E0;
	s23 =	smul.u32 $0xFFFFFFF4, s21  }
0x167: {  	[spmem:s2] =	stream.indirect.scatter.add.f32 [tilespmem:s30], [sflag:$0x7], $0x10, s26, s0, $0xb8;
	[tilespmem:$0x1D7E0] =	vst v63  }
0x168: {  	s15 =	sadd.s32 @!p0 s24, s28;
	s21 =	smul.u32 $0xFFFE2000, s22;
	s6 =	sshra.s32 s23, $0x2  }
.LBB2_21:
0x169: {  	s3 =	sadd.s32 $0x2, s6  }
0x16a: {  	s3 =	sadd.s32 @!p2 s16, s3  }
0x16b: {  	_ =	swait.ge @!p2 [sflag:s3], $0x2800  }
0x16c: {  	s24 =	sshra.s32 s21, $0x2;
	[sflag:s3] =	ssyncset.done @!p2 $0x0  }
0x16d: {  	s9 =	simm.s32 @!p0 $0x50;
	s6 =	sadd.s32 s24, s13;
	[sflag:s3] =	ssyncadd.s32 @!p2 $0xFFFFD800  }
0x16e: {  	[tilespmem:s6], [sflag:s15] =	stream.indirect.gather @!p0 [hbm4b:s5+s9], $0x80, s11, s9, $0xb8;
	[tilespmem:$0x1D7E0] =	vst v63  }
0x16f: {  	p0 =	slt.s32 s8, $0x3;
	s6 =	smov.u32 s8  }
0x170: {  	s6 =	simm.s32 @!p0 $0x3  }
0x171: {  	s26 =	ssub.s32 s8, s6  }
0x172: {  	p0 =	sne.s32 s6, $0x1;
	s28 =	smulhi.u32 $0xAAAAAAAB, s26  }
.Ltmp14:
0x173: {  	_ = 	snop;
	(pc) =	sbr.rel @!p0 .LBB2_23-.Ltmp14, $4  }
0x174: {  	s30 =	sshll.u32 s6, $0x2;
	s3 =	sshrl.u32 s28, $0x1  }
0x175: {  	s10 =	ssub.s32 s10, s30;
	s31 =	smul.u32 $0xFFFFFFF4, s3  }
0x176: {  	s6 =	sadd.s32 $0xFFFFFFFF, s6;
	s10 =	sshra.s32 s10, $0x2  }
0x177: {  	s9 =	sadd.s32 $0x1, s26;
	s3 =	sadd.s32 $0x4, s10;
	s10 =	sshra.s32 s31, $0x2  }
.LBB2_22:
0x178: {  	s11 =	smulhi.u32 $0xAAAAAAAB, s9;
	s10 =	sadd.s32 s10, s3;
	p0 =	sne.s32 s6, $0x1  }
.Ltmp15:
0x179: {  	s6 =	sadd.s32 $0xFFFFFFFF, s6;
	_ =	swait.ge [sflag:s10], $0x2800;
	(pc) =	sbr.rel @p0 .LBB2_22-.Ltmp15, $3  }
0x17a: {  	s11 =	sshrl.u32 s11, $0x1;
	[sflag:s10] =	ssyncset.done $0x0  }
0x17b: {  	s11 =	smul.u32 $0xFFFFFFF4, s11;
	[sflag:s10] =	ssyncadd.s32 $0xFFFFD800;
	_ =	sdelay $0x1  }
0x17c: {  	s9 =	sadd.s32 $0x1, s9;
	s3 =	sadd.s32 $0x1, s3;
	s10 =	sshra.s32 s11, $0x2  }
.LBB2_23:
0x17d: {  	s3 =	sadd.s32 s10, s3  }
0x17e: {  	_ =	swait.ge [sflag:s3], $0x2800  }
0x17f: {  	[sflag:s3] =	ssyncset.done $0x0  }
0x180: {  	[sflag:s3] =	ssyncadd.s32 $0xFFFFD800  }
0x181: {  	_ =	swait.ge [sflag:s7], $0x500  }
0x182: {  	p0 =	sne.s32 s8, $0x1;
	s16 =	rddreg [dreg:$0x10]  }
.Ltmp16:
0x183: {  	s12 =	rddreg [dreg:$0x15];
	(pc) =	sbr.rel @!p0 .LBB2_25-.Ltmp16, $4  }
0x184: {  	s13 =	rddreg [dreg:$0x16]  }
0x185: {  	s14 =	rddreg [dreg:$0x17]  }
0x186: {  	s15 =	rddreg [dreg:$0x18]  }
0x187: {  	s3 =	sadd.s32 $0xFFFFFFFF, s8;
	[sflag:s7] =	ssyncset.done $0x0;
	s17 =	rddreg [dreg:$0x19]  }
.LBB2_24:
0x188: {  	p0 =	sne.s32 s3, $0x1;
	s3 =	sadd.s32 $0xFFFFFFFF, s3;
	[sflag:s7] =	ssyncadd.s32 $0xFFFFFB00  }
.Ltmp17:
0x189: {  	(pc) =	sbr.rel @p0 .LBB2_24-.Ltmp17, $3  }
0x18a: {  	_ =	sdelay $0x1  }
0x18b: {  	_ =	swait.ge [sflag:s7], $0x500  }
0x18c: {  	[sflag:s7] =	ssyncset.done $0x0  }
.LBB2_25:
0x18d: {  	[sflag:s7] =	ssyncadd.s32 $0xFFFFFB00;
	s3 =	stileid.u32  }
0x18e: {  	s3 =	sshll.u32 s3, $0x6;
	[bflag:$0x0] =	sbarrier.arrive $0xFFFF  }
0x18f: {  	s6 =	sshrl.u32 s25, $0x3;
	s3 =	sor.u32 $0x1C08, s3;
	s8 =	rddreg [dreg:$0xb]  }
0x190: {  	[hbm:s8], [sflag:s3] =	dma.local [spmem:s6], $0x500  }
0x191: {  	_ =	swait.ge [sflag:s29], $0x500  }
0x192: {  	[sflag:s29] =	ssyncset.done $0x0;
	s10 =	rddreg [dreg:$0xf]  }
0x193: {  	s31 =	rddreg [dreg:$0x11];
	[sflag:s29] =	ssyncadd.s32 $0xFFFFFB00;
	s30 =	sshrl.u32 s10, $0x3  }
0x194: {  	[hbm:s31], [sflag:s3] =	dma.local [spmem:s30], $0xA0  }
0x195: {  	_ =	swait.ge [sflag:s29], $0xA0  }
0x196: {  	[sflag:s29] =	ssyncset.done $0x0  }
0x197: {  	s9 =	sshrl.u32 s16, $0x3;
	s11 =	rddreg [dreg:$0xc];
	[sflag:s29] =	ssyncadd.s32 $0xFFFFFF60  }
0x198: {  	[hbm:s11], [sflag:s3] =	dma.local [spmem:s9], $0x500  }
0x199: {  	_ =	swait.ge [sflag:s29], $0x500  }
0x19a: {  	[sflag:s29] =	ssyncset.done $0x0  }
0x19b: {  	s18 =	sshrl.u32 s12, $0x3;
	s19 =	rddreg [dreg:$0x12];
	[sflag:s29] =	ssyncadd.s32 $0xFFFFFB00  }
0x19c: {  	[hbm:s19], [sflag:s3] =	dma.local [spmem:s18], $0xA0  }
0x19d: {  	_ =	swait.ge [sflag:s29], $0xA0  }
0x19e: {  	[sflag:s29] =	ssyncset.done $0x0  }
0x19f: {  	s20 =	sshrl.u32 s13, $0x3;
	s21 =	rddreg [dreg:$0xd];
	[sflag:s29] =	ssyncadd.s32 $0xFFFFFF60  }
0x1a0: {  	[hbm:s21], [sflag:s3] =	dma.local [spmem:s20], $0x500  }
0x1a1: {  	_ =	swait.ge [sflag:s29], $0x500  }
0x1a2: {  	[sflag:s29] =	ssyncset.done $0x0  }
0x1a3: {  	s22 =	sshrl.u32 s14, $0x3;
	s23 =	rddreg [dreg:$0x13];
	[sflag:s29] =	ssyncadd.s32 $0xFFFFFB00  }
0x1a4: {  	[hbm:s23], [sflag:s3] =	dma.local [spmem:s22], $0xA0  }
0x1a5: {  	_ =	swait.ge [sflag:s29], $0xA0  }
0x1a6: {  	[sflag:s29] =	ssyncset.done $0x0  }
0x1a7: {  	s24 =	sshrl.u32 s15, $0x3;
	s26 =	rddreg [dreg:$0xe];
	[sflag:s29] =	ssyncadd.s32 $0xFFFFFF60  }
0x1a8: {  	[hbm:s26], [sflag:s3] =	dma.local [spmem:s24], $0x500  }
0x1a9: {  	_ =	swait.ge [sflag:s29], $0x500  }
0x1aa: {  	[sflag:s29] =	ssyncset.done $0x0  }
0x1ab: {  	s28 =	sshrl.u32 s17, $0x3;
	s30 =	rddreg [dreg:$0x14];
	[sflag:s29] =	ssyncadd.s32 $0xFFFFFB00  }
0x1ac: {  	[hbm:s30], [sflag:s3] =	dma.local [spmem:s28], $0xA0  }
0x1ad: {  	_ =	swait.ge [sflag:s29], $0xA0  }
0x1ae: {  	s4 =	sadd.s32 $0x1, s4;
	s31 =	rddreg [dreg:$0x1a]  }
0x1af: {  	p0 =	sne.s32 s4, s31  }
.Ltmp18:
0x1b0: {  	_ = 	snop;
	(pc) =	sbr.rel @p0 .LBB2_1-.Ltmp18, $3  }
0x1b1: {  	_ =	sdelay $0x1  }
0x1b2: {  	[sflag:s29] =	ssyncset.done $0x0  }
0x1b3: {  	[sflag:s29] =	ssyncadd.s32 $0xFFFFFF60  }
0x1b4: {  	_ =	sfence.sel $0x180000  }
0x1b5: {  	[bflag:$0x0] =	sbarrier.arrive $0xFFFF  }
0x1b6: {  	_ =	strace $0x90000047  }
0x1b7: {  	s0 =	stileid.u32;
	[bflag:$0x2] =	sbarrier.arrive $0xFFFF  }
0x1b8: {  	p0 =	sne.s32 s0, $0x0;
	s0 =	rddreg [dreg:$0x4]  }
0x1b9: {  	s0 =	sadd.s32 @!p0 $0x100000, s0  }
0x1ba: {  	[sflag:s0] =	ssyncadd.tile.s32 @!p0 $0x1;
	_ =	shalt  }
.Lfunc_end2:
_tile_overlayer_lowered:
.L_overlay_start_2:
0x1bb: {  	(tag) =	ssettag $0x2  }
0x1bc: {  	s0 =	rddreg [dreg:$0x0];
	s2 =	stileid.u32  }
0x1bd: {  	s1 =	rddreg [dreg:$0x1];
	p0 =	sne.s32 s2, $0x0  }
0x1be: {  	s3 =	rddreg [dreg:$0x2];
	[bflag:$0x3] =	sbarrier.arrive $0xFFFF;
	s2 =	simm.s32 @!p0 $0x1C08  }
0x1bf: {  	[timem:s3], [sflag:s2] =	dma.local @!p0 [hbm:s0], s1  }
0x1c0: {  	s0 =	simm.s32 @!p0 $0x8  }
0x1c1: {  	_ =	swait.ge @!p0 [sflag:s0], s1  }
0x1c2: {  	s1 =	ssub.s32 @!p0 $0x0, s1;
	[sflag:s0] =	ssyncset.done @!p0 $0x0  }
0x1c3: {  	[sflag:s0] =	ssyncadd.s32 @!p0 s1  }
0x1c4: {  	[bflag:$0x3] =	sbarrier.arrive $0xFFFF  }
0x1c5: {  	_ =	shalt  }

</sc_bundles>
